<compile_context>
chip_gen: v7x
topology: tpu7x:2x2x1
jax: 0.10.2.dev20260603
libtpu: 0.0.44.dev20260713+nightly
codegen_flags: <defaults>
</compile_context>

<pallas_src>
import functools

import jax
import jax.numpy as jnp
from jax import lax
from jax.experimental import pallas as pl
from jax.experimental.pallas import tpu as pltpu
from jax.experimental.pallas import tpu_sc as plsc

DIM_ = 128
B_ = 16384
NC_ = 2
NS_ = 16
NW_ = NC_ * NS_
NCHUNK_ = 4
CB_ = B_ // NCHUNK_
BPW_ = CB_ // NW_
BM_ = 1024
NB_ = CB_ // BM_



def _preproj_body(ed_ref, et_ref, w_ref, b_ref, o1_ref, o2_ref):
    o1_ref[...] = (jnp.dot(ed_ref[...], w_ref[pl.ds(DIM_, DIM_), :],
                           preferred_element_type=jnp.float32)
                   + b_ref[...])
    o2_ref[...] = jnp.dot(et_ref[...], w_ref[pl.ds(2 * DIM_, DIM_), :],
                          preferred_element_type=jnp.float32)


def _preproj(e_dose, e_time, w, b2):
    n = e_dose.shape[0]
    sds = jax.ShapeDtypeStruct((n, DIM_), jnp.float32)
    return pl.pallas_call(
        _preproj_body,
        out_shape=[sds, sds],
    )(e_dose, e_time, w, b2)



def _sc_gather_body(c, ic_hbm, id_hbm, it_hbm, ib_hbm, tc_hbm, tb_hbm,
                    p1_hbm, p2_hbm, out_hbm, idx_v, rows_v, s1_v, s2_v,
                    isem, gsem, wsem):
    wid = lax.axis_index("s") * NC_ + lax.axis_index("c")
    base = wid * BPW_
    src = c * CB_ + base
    ics = [
        pltpu.async_copy(h.at[pl.ds(src, BPW_)], idx_v.at[t], isem)
        for t, h in enumerate((id_hbm, it_hbm, ic_hbm, ib_hbm))
    ]
    for ic in ics:
        ic.wait()
    g1 = pltpu.async_copy(p1_hbm.at[idx_v.at[0]], s1_v, gsem)
    g2 = pltpu.async_copy(p2_hbm.at[idx_v.at[1]], s2_v, gsem)
    g0 = pltpu.async_copy(tc_hbm.at[idx_v.at[2]], rows_v.at[0], gsem)
    g3 = pltpu.async_copy(tb_hbm.at[idx_v.at[3]], rows_v.at[1], gsem)
    g1.wait()
    g2.wait()

    def _add_row(r, carry):
        for k in range(DIM_ // 16):
            plsc.addupdate(s1_v.at[r, pl.ds(k * 16, 16)],
                           s2_v[r, pl.ds(k * 16, 16)])
        return carry

    lax.fori_loop(0, BPW_, _add_row, 0, unroll=2)
    ws = pltpu.async_copy(s1_v, out_hbm.at[2, pl.ds(base, BPW_)], wsem)
    g0.wait()
    w0 = pltpu.async_copy(rows_v.at[0], out_hbm.at[0, pl.ds(base, BPW_)],
                          wsem)
    g3.wait()
    w1 = pltpu.async_copy(rows_v.at[1], out_hbm.at[1, pl.ds(base, BPW_)],
                          wsem)
    ws.wait()
    w0.wait()
    w1.wait()


def _make_gather(c):
    return pl.kernel(
        functools.partial(_sc_gather_body, c),
        out_type=jax.ShapeDtypeStruct((3, CB_, DIM_), jnp.float32),
        mesh=plsc.VectorSubcoreMesh(core_axis_name="c",
                                    subcore_axis_name="s"),
        scratch_types=[
            pltpu.VMEM((4, BPW_), jnp.int32),
            pltpu.VMEM((2, BPW_, DIM_), jnp.float32),
            pltpu.VMEM((BPW_, DIM_), jnp.float32),
            pltpu.VMEM((BPW_, DIM_), jnp.float32),
            pltpu.SemaphoreType.DMA,
            pltpu.SemaphoreType.DMA,
            pltpu.SemaphoreType.DMA,
        ],
    )


_gathers = [_make_gather(c) for c in range(NCHUNK_)]



def _proj_compute(x_ref, w_ref):
    return (x_ref[2]
            + jnp.dot(x_ref[0], w_ref[pl.ds(0, DIM_), :],
                      preferred_element_type=jnp.float32)
            + jnp.dot(x_ref[1], w_ref[pl.ds(3 * DIM_, DIM_), :],
                      preferred_element_type=jnp.float32))


def _proj_body(x_ref, w_ref, o_ref):
    o_ref[...] = _proj_compute(x_ref, w_ref)


def _proj_body_alias(x_ref, w_ref, buf_ref, o_ref):
    o_ref[...] = _proj_compute(x_ref, w_ref)


def _proj(c, x, w, buf):
    common = dict(
        grid=(NB_,),
        out_specs=pl.BlockSpec((BM_, DIM_), lambda i: (c * NB_ + i, 0)),
        out_shape=jax.ShapeDtypeStruct((B_, DIM_), jnp.float32),
    )
    x_spec = pl.BlockSpec((3, BM_, DIM_), lambda i: (0, i, 0))
    w_spec = pl.BlockSpec((4 * DIM_, DIM_), lambda i: (0, 0))
    if buf is None:
        return pl.pallas_call(
            _proj_body,
            in_specs=[x_spec, w_spec],
            **common,
        )(x, w)
    return pl.pallas_call(
        _proj_body_alias,
        in_specs=[x_spec, w_spec, pl.BlockSpec(memory_space=pl.ANY)],
        input_output_aliases={2: 0},
        **common,
    )(x, w, buf)


def kernel(cell_type, dose, time, batch, E_cell_type, E_dose, E_time,
           E_batch, W, b):
    ic = cell_type.astype(jnp.int32)
    id_ = dose.astype(jnp.int32)
    it = time.astype(jnp.int32)
    ib = batch.astype(jnp.int32)
    p1, p2 = _preproj(E_dose, E_time, W, b.reshape(1, DIM_))
    buf = None
    for c in range(NCHUNK_):
        gathered = _gathers[c](ic, id_, it, ib, E_cell_type, E_batch,
                               p1, p2)
        buf = _proj(c, gathered, W, buf)
    return buf

# --- scband reference (transcript-rebuilt; emitter-appended) ---
"""Pipeline reference for scband-cov-encoder-73169062855050 (READ-ONLY COPY).

The authoritative reference and input builder live on the scoring server;
editing this copy changes nothing except your own understanding.
"""

import jax, jax.numpy as jnp
import numpy as np

COV_DIMS = {"cell_type": 100000, "dose": 1000, "time": 1000, "batch": 100000}
DIM = 128
B = 16384


def setup_inputs(seed: int = 0) -> dict:
    key = jax.random.key(seed)
    ks = jax.random.split(key, 16)
    inp = {}
    # integer covariate indices (forward args; torch forward wraps these in a dict `cov`)
    inp["cell_type"] = jax.random.randint(ks[0], (B,), 0, COV_DIMS["cell_type"], dtype=jnp.int64 if jax.config.jax_enable_x64 else jnp.int32)
    inp["dose"] = jax.random.randint(ks[1], (B,), 0, COV_DIMS["dose"], dtype=jnp.int32)
    inp["time"] = jax.random.randint(ks[2], (B,), 0, COV_DIMS["time"], dtype=jnp.int32)
    inp["batch"] = jax.random.randint(ks[3], (B,), 0, COV_DIMS["batch"], dtype=jnp.int32)
    # learned parameters: one embedding table per covariate, plus the projection Linear
    inp["E_cell_type"] = jax.random.normal(ks[4], (COV_DIMS["cell_type"], DIM), dtype=jnp.float32) * 0.02
    inp["E_dose"] = jax.random.normal(ks[5], (COV_DIMS["dose"], DIM), dtype=jnp.float32) * 0.02
    inp["E_time"] = jax.random.normal(ks[6], (COV_DIMS["time"], DIM), dtype=jnp.float32) * 0.02
    inp["E_batch"] = jax.random.normal(ks[7], (COV_DIMS["batch"], DIM), dtype=jnp.float32) * 0.02
    # proj: Linear(dim * 4 -> dim); stored as [in, out] for x @ W + b
    inp["W"] = jax.random.normal(ks[8], (DIM * 4, DIM), dtype=jnp.float32) * 0.02
    inp["b"] = jnp.zeros((DIM,), dtype=jnp.float32)
    return inp


def reference(cell_type, dose, time, batch, E_cell_type, E_dose, E_time, E_batch, W, b):
    # embedding lookups (gather), in the ModuleDict key order
    e0 = jnp.take(E_cell_type, cell_type, axis=0)
    e1 = jnp.take(E_dose, dose, axis=0)
    e2 = jnp.take(E_time, time, axis=0)
    e3 = jnp.take(E_batch, batch, axis=0)
    x = jnp.concatenate([e0, e1, e2, e3], axis=-1)  # [B, 4*DIM]
    x = x @ W + b  # proj Linear -> [B, DIM]
    # dropout p=0.0 (eval / identity)
    return x

if __name__ == "__main__":
    import jax
    _d = setup_inputs()
    print(jax.jit(kernel)(*tuple(_d.values())))

</pallas_src>

<mosaic_0001>
#map = affine_map<(d0, d1) -> (0)>
#map1 = affine_map<(d0, d1) -> (0, 0)>
#map2 = affine_map<(d0, d1) -> (0, 0, 0)>
module attributes {stable_mosaic.version = 14 : i64} {
  func.func @_sc_gather_body(%arg0: i32, %arg1: i32, %arg2: memref<16384xi32, #tpu.memory_space<hbm>>, %arg3: memref<16384xi32, #tpu.memory_space<hbm>>, %arg4: memref<16384xi32, #tpu.memory_space<hbm>>, %arg5: memref<16384xi32, #tpu.memory_space<hbm>>, %arg6: memref<100000x128xf32, #tpu.memory_space<hbm>>, %arg7: memref<100000x128xf32, #tpu.memory_space<hbm>>, %arg8: memref<1000x128xf32, #tpu.memory_space<hbm>>, %arg9: memref<1000x128xf32, #tpu.memory_space<hbm>>, %arg10: memref<3x4096x128xf32, #tpu.memory_space<hbm>>, %arg11: memref<4x128xi32, #tpu.memory_space<vmem>>, %arg12: memref<2x128x128xf32, #tpu.memory_space<vmem>>, %arg13: memref<128x128xf32, #tpu.memory_space<vmem>>, %arg14: memref<128x128xf32, #tpu.memory_space<vmem>>, %arg15: memref<!tpu.dma_semaphore, #tpu.memory_space<semaphore_mem>>, %arg16: memref<!tpu.dma_semaphore, #tpu.memory_space<semaphore_mem>>, %arg17: memref<!tpu.dma_semaphore, #tpu.memory_space<semaphore_mem>>) attributes {dimension_semantics = [#tpu.dimension_semantics<core_parallel>, #tpu.dimension_semantics<subcore_parallel>], iteration_bounds = array<i64: 2, 16>, scalar_prefetch = 0 : i64, scratch_operands = 7 : i64, tpu.core_type = #tpu.core_type<sc_vector_subcore>, window_params = [{transform_indices = #map}, {transform_indices = #map}, {transform_indices = #map}, {transform_indices = #map}, {transform_indices = #map1}, {transform_indices = #map1}, {transform_indices = #map1}, {transform_indices = #map1}, {transform_indices = #map2}]} {
    %mul3A = arith.constant 2 : i32
    %mul3A_0 = arith.muli %arg1, %mul3A : i32
    %add3A = arith.addi %mul3A_0, %arg0 : i32
    %mul3A_1 = arith.constant 128 : i32
    %mul3A_2 = arith.muli %add3A, %mul3A_1 : i32
    %add3A_3 = arith.constant 12288 : i32
    %add3A_4 = arith.addi %add3A_3, %mul3A_2 : i32
    %dma_start3A = arith.constant 0 : i32
    %dma_start3A_5 = arith.constant 0 : i32
    %dma_start3A_6 = tpu.memref_slice %arg11[%dma_start3A, %dma_start3A_5] : memref<4x128xi32, #tpu.memory_space<vmem>> -> memref<1x128xi32, #tpu.memory_space<vmem>>
    %dma_start3A_7 = tpu.memref_squeeze %dma_start3A_6 : memref<1x128xi32, #tpu.memory_space<vmem>> -> memref<128xi32, #tpu.memory_space<vmem>>
    %dma_start3A_8 = tpu.memref_slice %arg3[%add3A_4] : memref<16384xi32, #tpu.memory_space<hbm>> -> memref<128xi32, #tpu.memory_space<hbm>>
    %dma_start3A_9 = arith.constant 0 : i32
    %dma_start3A_10 = tpu.memref_slice %arg11[%dma_start3A, %dma_start3A_9] : memref<4x128xi32, #tpu.memory_space<vmem>> -> memref<1x128xi32, #tpu.memory_space<vmem>>
    %dma_start3A_11 = tpu.memref_squeeze %dma_start3A_10 : memref<1x128xi32, #tpu.memory_space<vmem>> -> memref<128xi32, #tpu.memory_space<vmem>>
    %dma_start3A_12 = tpu.memref_slice %arg3[%add3A_4] : memref<16384xi32, #tpu.memory_space<hbm>> -> memref<128xi32, #tpu.memory_space<hbm>>
    tpu.enqueue_dma source(%dma_start3A_12 : memref<128xi32, #tpu.memory_space<hbm>>) target(%dma_start3A_11 : memref<128xi32, #tpu.memory_space<vmem>>) target_semaphore(%arg15 : memref<!tpu.dma_semaphore, #tpu.memory_space<semaphore_mem>>)
    %dma_start3A_13 = arith.constant 1 : i32
    %dma_start3A_14 = arith.constant 0 : i32
    %dma_start3A_15 = tpu.memref_slice %arg11[%dma_start3A_13, %dma_start3A_14] : memref<4x128xi32, #tpu.memory_space<vmem>> -> memref<1x128xi32, #tpu.memory_space<vmem>>
    %dma_start3A_16 = tpu.memref_squeeze %dma_start3A_15 : memref<1x128xi32, #tpu.memory_space<vmem>> -> memref<128xi32, #tpu.memory_space<vmem>>
    %dma_start3A_17 = tpu.memref_slice %arg4[%add3A_4] : memref<16384xi32, #tpu.memory_space<hbm>> -> memref<128xi32, #tpu.memory_space<hbm>>
    %dma_start3A_18 = arith.constant 0 : i32
    %dma_start3A_19 = tpu.memref_slice %arg11[%dma_start3A_13, %dma_start3A_18] : memref<4x128xi32, #tpu.memory_space<vmem>> -> memref<1x128xi32, #tpu.memory_space<vmem>>
    %dma_start3A_20 = tpu.memref_squeeze %dma_start3A_19 : memref<1x128xi32, #tpu.memory_space<vmem>> -> memref<128xi32, #tpu.memory_space<vmem>>
    %dma_start3A_21 = tpu.memref_slice %arg4[%add3A_4] : memref<16384xi32, #tpu.memory_space<hbm>> -> memref<128xi32, #tpu.memory_space<hbm>>
    tpu.enqueue_dma source(%dma_start3A_21 : memref<128xi32, #tpu.memory_space<hbm>>) target(%dma_start3A_20 : memref<128xi32, #tpu.memory_space<vmem>>) target_semaphore(%arg15 : memref<!tpu.dma_semaphore, #tpu.memory_space<semaphore_mem>>)
    %dma_start3A_22 = arith.constant 2 : i32
    %dma_start3A_23 = arith.constant 0 : i32
    %dma_start3A_24 = tpu.memref_slice %arg11[%dma_start3A_22, %dma_start3A_23] : memref<4x128xi32, #tpu.memory_space<vmem>> -> memref<1x128xi32, #tpu.memory_space<vmem>>
    %dma_start3A_25 = tpu.memref_squeeze %dma_start3A_24 : memref<1x128xi32, #tpu.memory_space<vmem>> -> memref<128xi32, #tpu.memory_space<vmem>>
    %dma_start3A_26 = tpu.memref_slice %arg2[%add3A_4] : memref<16384xi32, #tpu.memory_space<hbm>> -> memref<128xi32, #tpu.memory_space<hbm>>
    %dma_start3A_27 = arith.constant 0 : i32
    %dma_start3A_28 = tpu.memref_slice %arg11[%dma_start3A_22, %dma_start3A_27] : memref<4x128xi32, #tpu.memory_space<vmem>> -> memref<1x128xi32, #tpu.memory_space<vmem>>
    %dma_start3A_29 = tpu.memref_squeeze %dma_start3A_28 : memref<1x128xi32, #tpu.memory_space<vmem>> -> memref<128xi32, #tpu.memory_space<vmem>>
    %dma_start3A_30 = tpu.memref_slice %arg2[%add3A_4] : memref<16384xi32, #tpu.memory_space<hbm>> -> memref<128xi32, #tpu.memory_space<hbm>>
    tpu.enqueue_dma source(%dma_start3A_30 : memref<128xi32, #tpu.memory_space<hbm>>) target(%dma_start3A_29 : memref<128xi32, #tpu.memory_space<vmem>>) target_semaphore(%arg15 : memref<!tpu.dma_semaphore, #tpu.memory_space<semaphore_mem>>)
    %dma_start3A_31 = arith.constant 3 : i32
    %dma_start3A_32 = arith.constant 0 : i32
    %dma_start3A_33 = tpu.memref_slice %arg11[%dma_start3A_31, %dma_start3A_32] : memref<4x128xi32, #tpu.memory_space<vmem>> -> memref<1x128xi32, #tpu.memory_space<vmem>>
    %dma_start3A_34 = tpu.memref_squeeze %dma_start3A_33 : memref<1x128xi32, #tpu.memory_space<vmem>> -> memref<128xi32, #tpu.memory_space<vmem>>
    %dma_start3A_35 = tpu.memref_slice %arg5[%add3A_4] : memref<16384xi32, #tpu.memory_space<hbm>> -> memref<128xi32, #tpu.memory_space<hbm>>
    %dma_start3A_36 = arith.constant 0 : i32
    %dma_start3A_37 = tpu.memref_slice %arg11[%dma_start3A_31, %dma_start3A_36] : memref<4x128xi32, #tpu.memory_space<vmem>> -> memref<1x128xi32, #tpu.memory_space<vmem>>
    %dma_start3A_38 = tpu.memref_squeeze %dma_start3A_37 : memref<1x128xi32, #tpu.memory_space<vmem>> -> memref<128xi32, #tpu.memory_space<vmem>>
    %dma_start3A_39 = tpu.memref_slice %arg5[%add3A_4] : memref<16384xi32, #tpu.memory_space<hbm>> -> memref<128xi32, #tpu.memory_space<hbm>>
    tpu.enqueue_dma source(%dma_start3A_39 : memref<128xi32, #tpu.memory_space<hbm>>) target(%dma_start3A_38 : memref<128xi32, #tpu.memory_space<vmem>>) target_semaphore(%arg15 : memref<!tpu.dma_semaphore, #tpu.memory_space<semaphore_mem>>)
    %dma_wait3A = arith.constant 0 : i32
    %dma_wait3A_40 = arith.constant 0 : i32
    %dma_wait3A_41 = tpu.memref_slice %arg11[%dma_wait3A, %dma_wait3A_40] : memref<4x128xi32, #tpu.memory_space<vmem>> -> memref<1x128xi32, #tpu.memory_space<vmem>>
    %dma_wait3A_42 = tpu.memref_squeeze %dma_wait3A_41 : memref<1x128xi32, #tpu.memory_space<vmem>> -> memref<128xi32, #tpu.memory_space<vmem>>
    %dma_wait3A_43 = tpu.memref_slice %arg3[%add3A_4] : memref<16384xi32, #tpu.memory_space<hbm>> -> memref<128xi32, #tpu.memory_space<hbm>>
    %dma_wait3A_44 = arith.constant 0 : i32
    %dma_wait3A_45 = tpu.memref_slice %arg11[%dma_wait3A, %dma_wait3A_44] : memref<4x128xi32, #tpu.memory_space<vmem>> -> memref<1x128xi32, #tpu.memory_space<vmem>>
    %dma_wait3A_46 = tpu.memref_squeeze %dma_wait3A_45 : memref<1x128xi32, #tpu.memory_space<vmem>> -> memref<128xi32, #tpu.memory_space<vmem>>
    %dma_wait3A_47 = tpu.memref_slice %arg3[%add3A_4] : memref<16384xi32, #tpu.memory_space<hbm>> -> memref<128xi32, #tpu.memory_space<hbm>>
    tpu.wait_dma2 semaphore(%arg15 : memref<!tpu.dma_semaphore, #tpu.memory_space<semaphore_mem>>) src(%dma_wait3A_47 : memref<128xi32, #tpu.memory_space<hbm>>) dst(%dma_wait3A_46 : memref<128xi32, #tpu.memory_space<vmem>>)
    %dma_wait3A_48 = arith.constant 1 : i32
    %dma_wait3A_49 = arith.constant 0 : i32
    %dma_wait3A_50 = tpu.memref_slice %arg11[%dma_wait3A_48, %dma_wait3A_49] : memref<4x128xi32, #tpu.memory_space<vmem>> -> memref<1x128xi32, #tpu.memory_space<vmem>>
    %dma_wait3A_51 = tpu.memref_squeeze %dma_wait3A_50 : memref<1x128xi32, #tpu.memory_space<vmem>> -> memref<128xi32, #tpu.memory_space<vmem>>
    %dma_wait3A_52 = tpu.memref_slice %arg4[%add3A_4] : memref<16384xi32, #tpu.memory_space<hbm>> -> memref<128xi32, #tpu.memory_space<hbm>>
    %dma_wait3A_53 = arith.constant 0 : i32
    %dma_wait3A_54 = tpu.memref_slice %arg11[%dma_wait3A_48, %dma_wait3A_53] : memref<4x128xi32, #tpu.memory_space<vmem>> -> memref<1x128xi32, #tpu.memory_space<vmem>>
    %dma_wait3A_55 = tpu.memref_squeeze %dma_wait3A_54 : memref<1x128xi32, #tpu.memory_space<vmem>> -> memref<128xi32, #tpu.memory_space<vmem>>
    %dma_wait3A_56 = tpu.memref_slice %arg4[%add3A_4] : memref<16384xi32, #tpu.memory_space<hbm>> -> memref<128xi32, #tpu.memory_space<hbm>>
    tpu.wait_dma2 semaphore(%arg15 : memref<!tpu.dma_semaphore, #tpu.memory_space<semaphore_mem>>) src(%dma_wait3A_56 : memref<128xi32, #tpu.memory_space<hbm>>) dst(%dma_wait3A_55 : memref<128xi32, #tpu.memory_space<vmem>>)
    %dma_wait3A_57 = arith.constant 2 : i32
    %dma_wait3A_58 = arith.constant 0 : i32
    %dma_wait3A_59 = tpu.memref_slice %arg11[%dma_wait3A_57, %dma_wait3A_58] : memref<4x128xi32, #tpu.memory_space<vmem>> -> memref<1x128xi32, #tpu.memory_space<vmem>>
    %dma_wait3A_60 = tpu.memref_squeeze %dma_wait3A_59 : memref<1x128xi32, #tpu.memory_space<vmem>> -> memref<128xi32, #tpu.memory_space<vmem>>
    %dma_wait3A_61 = tpu.memref_slice %arg2[%add3A_4] : memref<16384xi32, #tpu.memory_space<hbm>> -> memref<128xi32, #tpu.memory_space<hbm>>
    %dma_wait3A_62 = arith.constant 0 : i32
    %dma_wait3A_63 = tpu.memref_slice %arg11[%dma_wait3A_57, %dma_wait3A_62] : memref<4x128xi32, #tpu.memory_space<vmem>> -> memref<1x128xi32, #tpu.memory_space<vmem>>
    %dma_wait3A_64 = tpu.memref_squeeze %dma_wait3A_63 : memref<1x128xi32, #tpu.memory_space<vmem>> -> memref<128xi32, #tpu.memory_space<vmem>>
    %dma_wait3A_65 = tpu.memref_slice %arg2[%add3A_4] : memref<16384xi32, #tpu.memory_space<hbm>> -> memref<128xi32, #tpu.memory_space<hbm>>
    tpu.wait_dma2 semaphore(%arg15 : memref<!tpu.dma_semaphore, #tpu.memory_space<semaphore_mem>>) src(%dma_wait3A_65 : memref<128xi32, #tpu.memory_space<hbm>>) dst(%dma_wait3A_64 : memref<128xi32, #tpu.memory_space<vmem>>)
    %dma_wait3A_66 = arith.constant 3 : i32
    %dma_wait3A_67 = arith.constant 0 : i32
    %dma_wait3A_68 = tpu.memref_slice %arg11[%dma_wait3A_66, %dma_wait3A_67] : memref<4x128xi32, #tpu.memory_space<vmem>> -> memref<1x128xi32, #tpu.memory_space<vmem>>
    %dma_wait3A_69 = tpu.memref_squeeze %dma_wait3A_68 : memref<1x128xi32, #tpu.memory_space<vmem>> -> memref<128xi32, #tpu.memory_space<vmem>>
    %dma_wait3A_70 = tpu.memref_slice %arg5[%add3A_4] : memref<16384xi32, #tpu.memory_space<hbm>> -> memref<128xi32, #tpu.memory_space<hbm>>
    %dma_wait3A_71 = arith.constant 0 : i32
    %dma_wait3A_72 = tpu.memref_slice %arg11[%dma_wait3A_66, %dma_wait3A_71] : memref<4x128xi32, #tpu.memory_space<vmem>> -> memref<1x128xi32, #tpu.memory_space<vmem>>
    %dma_wait3A_73 = tpu.memref_squeeze %dma_wait3A_72 : memref<1x128xi32, #tpu.memory_space<vmem>> -> memref<128xi32, #tpu.memory_space<vmem>>
    %dma_wait3A_74 = tpu.memref_slice %arg5[%add3A_4] : memref<16384xi32, #tpu.memory_space<hbm>> -> memref<128xi32, #tpu.memory_space<hbm>>
    tpu.wait_dma2 semaphore(%arg15 : memref<!tpu.dma_semaphore, #tpu.memory_space<semaphore_mem>>) src(%dma_wait3A_74 : memref<128xi32, #tpu.memory_space<hbm>>) dst(%dma_wait3A_73 : memref<128xi32, #tpu.memory_space<vmem>>)
    %dma_start3A_75 = arith.constant 0 : i32
    %dma_start3A_76 = arith.constant 0 : i32
    %dma_start3A_77 = tpu.memref_slice %arg11[%dma_start3A_75, %dma_start3A_76] : memref<4x128xi32, #tpu.memory_space<vmem>> -> memref<1x128xi32, #tpu.memory_space<vmem>>
    %dma_start3A_78 = tpu.memref_squeeze %dma_start3A_77 : memref<1x128xi32, #tpu.memory_space<vmem>> -> memref<128xi32, #tpu.memory_space<vmem>>
    %dma_start3A_79 = arith.constant 0 : i32
    %dma_start3A_80 = arith.constant 0 : i32
    %dma_start3A_81 = tpu.memref_slice %arg8[%dma_start3A_79, %dma_start3A_80] : memref<1000x128xf32, #tpu.memory_space<hbm>> -> memref<1000x128xf32, #tpu.memory_space<hbm>>
    tpu.enqueue_indirect_dma source(%dma_start3A_81 : memref<1000x128xf32, #tpu.memory_space<hbm>>) target(%arg13 : memref<128x128xf32, #tpu.memory_space<vmem>>) offsets(%dma_start3A_78 : memref<128xi32, #tpu.memory_space<vmem>>) semaphore(%arg16 : memref<!tpu.dma_semaphore, #tpu.memory_space<semaphore_mem>>)
    %dma_start3A_82 = arith.constant 1 : i32
    %dma_start3A_83 = arith.constant 0 : i32
    %dma_start3A_84 = tpu.memref_slice %arg11[%dma_start3A_82, %dma_start3A_83] : memref<4x128xi32, #tpu.memory_space<vmem>> -> memref<1x128xi32, #tpu.memory_space<vmem>>
    %dma_start3A_85 = tpu.memref_squeeze %dma_start3A_84 : memref<1x128xi32, #tpu.memory_space<vmem>> -> memref<128xi32, #tpu.memory_space<vmem>>
    %dma_start3A_86 = arith.constant 0 : i32
    %dma_start3A_87 = arith.constant 0 : i32
    %dma_start3A_88 = tpu.memref_slice %arg9[%dma_start3A_86, %dma_start3A_87] : memref<1000x128xf32, #tpu.memory_space<hbm>> -> memref<1000x128xf32, #tpu.memory_space<hbm>>
    tpu.enqueue_indirect_dma source(%dma_start3A_88 : memref<1000x128xf32, #tpu.memory_space<hbm>>) target(%arg14 : memref<128x128xf32, #tpu.memory_space<vmem>>) offsets(%dma_start3A_85 : memref<128xi32, #tpu.memory_space<vmem>>) semaphore(%arg16 : memref<!tpu.dma_semaphore, #tpu.memory_space<semaphore_mem>>)
    %dma_start3A_89 = arith.constant 2 : i32
    %dma_start3A_90 = arith.constant 0 : i32
    %dma_start3A_91 = arith.constant 0 : i32
    %dma_start3A_92 = arith.constant 0 : i32
    %dma_start3A_93 = tpu.memref_slice %arg12[%dma_start3A_90, %dma_start3A_91, %dma_start3A_92] : memref<2x128x128xf32, #tpu.memory_space<vmem>> -> memref<1x128x128xf32, #tpu.memory_space<vmem>>
    %dma_start3A_94 = tpu.memref_squeeze %dma_start3A_93 : memref<1x128x128xf32, #tpu.memory_space<vmem>> -> memref<128x128xf32, #tpu.memory_space<vmem>>
    %dma_start3A_95 = arith.constant 0 : i32
    %dma_start3A_96 = tpu.memref_slice %arg11[%dma_start3A_89, %dma_start3A_95] : memref<4x128xi32, #tpu.memory_space<vmem>> -> memref<1x128xi32, #tpu.memory_space<vmem>>
    %dma_start3A_97 = tpu.memref_squeeze %dma_start3A_96 : memref<1x128xi32, #tpu.memory_space<vmem>> -> memref<128xi32, #tpu.memory_space<vmem>>
    %dma_start3A_98 = arith.constant 0 : i32
    %dma_start3A_99 = arith.constant 0 : i32
    %dma_start3A_100 = tpu.memref_slice %arg6[%dma_start3A_98, %dma_start3A_99] : memref<100000x128xf32, #tpu.memory_space<hbm>> -> memref<100000x128xf32, #tpu.memory_space<hbm>>
    tpu.enqueue_indirect_dma source(%dma_start3A_100 : memref<100000x128xf32, #tpu.memory_space<hbm>>) target(%dma_start3A_94 : memref<128x128xf32, #tpu.memory_space<vmem>>) offsets(%dma_start3A_97 : memref<128xi32, #tpu.memory_space<vmem>>) semaphore(%arg16 : memref<!tpu.dma_semaphore, #tpu.memory_space<semaphore_mem>>)
    %dma_start3A_101 = arith.constant 3 : i32
    %dma_start3A_102 = arith.constant 1 : i32
    %dma_start3A_103 = arith.constant 0 : i32
    %dma_start3A_104 = arith.constant 0 : i32
    %dma_start3A_105 = tpu.memref_slice %arg12[%dma_start3A_102, %dma_start3A_103, %dma_start3A_104] : memref<2x128x128xf32, #tpu.memory_space<vmem>> -> memref<1x128x128xf32, #tpu.memory_space<vmem>>
    %dma_start3A_106 = tpu.memref_squeeze %dma_start3A_105 : memref<1x128x128xf32, #tpu.memory_space<vmem>> -> memref<128x128xf32, #tpu.memory_space<vmem>>
    %dma_start3A_107 = arith.constant 0 : i32
    %dma_start3A_108 = tpu.memref_slice %arg11[%dma_start3A_101, %dma_start3A_107] : memref<4x128xi32, #tpu.memory_space<vmem>> -> memref<1x128xi32, #tpu.memory_space<vmem>>
    %dma_start3A_109 = tpu.memref_squeeze %dma_start3A_108 : memref<1x128xi32, #tpu.memory_space<vmem>> -> memref<128xi32, #tpu.memory_space<vmem>>
    %dma_start3A_110 = arith.constant 0 : i32
    %dma_start3A_111 = arith.constant 0 : i32
    %dma_start3A_112 = tpu.memref_slice %arg7[%dma_start3A_110, %dma_start3A_111] : memref<100000x128xf32, #tpu.memory_space<hbm>> -> memref<100000x128xf32, #tpu.memory_space<hbm>>
    tpu.enqueue_indirect_dma source(%dma_start3A_112 : memref<100000x128xf32, #tpu.memory_space<hbm>>) target(%dma_start3A_106 : memref<128x128xf32, #tpu.memory_space<vmem>>) offsets(%dma_start3A_109 : memref<128xi32, #tpu.memory_space<vmem>>) semaphore(%arg16 : memref<!tpu.dma_semaphore, #tpu.memory_space<semaphore_mem>>)
    %dma_wait3A_113 = arith.constant 0 : i32
    %dma_wait3A_114 = arith.constant 0 : i32
    %dma_wait3A_115 = tpu.memref_slice %arg11[%dma_wait3A_113, %dma_wait3A_114] : memref<4x128xi32, #tpu.memory_space<vmem>> -> memref<1x128xi32, #tpu.memory_space<vmem>>
    %dma_wait3A_116 = tpu.memref_squeeze %dma_wait3A_115 : memref<1x128xi32, #tpu.memory_space<vmem>> -> memref<128xi32, #tpu.memory_space<vmem>>
    %dma_wait3A_117 = arith.constant 0 : i32
    %dma_wait3A_118 = arith.constant 0 : i32
    %dma_wait3A_119 = tpu.memref_slice %arg8[%dma_wait3A_117, %dma_wait3A_118] : memref<1000x128xf32, #tpu.memory_space<hbm>> -> memref<1000x128xf32, #tpu.memory_space<hbm>>
    tpu.wait_indirect_dma semaphore(%arg16 : memref<!tpu.dma_semaphore, #tpu.memory_space<semaphore_mem>>) src(%dma_wait3A_119 : memref<1000x128xf32, #tpu.memory_space<hbm>>) dst(%arg13 : memref<128x128xf32, #tpu.memory_space<vmem>>)
    %dma_wait3A_120 = arith.constant 1 : i32
    %dma_wait3A_121 = arith.constant 0 : i32
    %dma_wait3A_122 = tpu.memref_slice %arg11[%dma_wait3A_120, %dma_wait3A_121] : memref<4x128xi32, #tpu.memory_space<vmem>> -> memref<1x128xi32, #tpu.memory_space<vmem>>
    %dma_wait3A_123 = tpu.memref_squeeze %dma_wait3A_122 : memref<1x128xi32, #tpu.memory_space<vmem>> -> memref<128xi32, #tpu.memory_space<vmem>>
    %dma_wait3A_124 = arith.constant 0 : i32
    %dma_wait3A_125 = arith.constant 0 : i32
    %dma_wait3A_126 = tpu.memref_slice %arg9[%dma_wait3A_124, %dma_wait3A_125] : memref<1000x128xf32, #tpu.memory_space<hbm>> -> memref<1000x128xf32, #tpu.memory_space<hbm>>
    tpu.wait_indirect_dma semaphore(%arg16 : memref<!tpu.dma_semaphore, #tpu.memory_space<semaphore_mem>>) src(%dma_wait3A_126 : memref<1000x128xf32, #tpu.memory_space<hbm>>) dst(%arg14 : memref<128x128xf32, #tpu.memory_space<vmem>>)
    %scan3A = arith.constant 0 : i32
    %scan3A_127 = arith.constant 0 : i32
    %scan3A_128 = arith.constant 128 : i32
    %scan3A_129 = arith.addi %scan3A_127, %scan3A_128 : i32
    %scan3A_130 = arith.constant 2 : i32
    scf.for %scan3A_234 = %scan3A_127 to %scan3A_129 step %scan3A_130  : i32 {
      %get3A = arith.index_cast %scan3A_234 : i32 to index
      %get3A_235 = arith.constant 0 : index
      %get3A_236 = tpu.vector_load %arg14[%get3A, %get3A_235] {strides = array<i32>} : memref<128x128xf32, #tpu.memory_space<vmem>>, vector<1x16xf32>,
      %get3A_237 = vector.shape_cast %get3A_236 : vector<1x16xf32> to vector<16xf32>
      %swap3A = arith.index_cast %scan3A_234 : i32 to index
      %swap3A_238 = arith.constant 0 : index
      %swap3A_239 = tpu.vector_load %arg13[%swap3A, %swap3A_238] {strides = array<i32>} : memref<128x128xf32, #tpu.memory_space<vmem>>, vector<1x16xf32>,
      %swap3A_240 = vector.shape_cast %swap3A_239 : vector<1x16xf32> to vector<16xf32>
      %swap3A_241 = vector.shape_cast %get3A_237 : vector<16xf32> to vector<1x16xf32>
      tpu.vector_store %arg13[%swap3A, %swap3A_238], %swap3A_241 {add = true, strides = array<i32>} : memref<128x128xf32, #tpu.memory_space<vmem>>, vector<1x16xf32>,
      %get3A_242 = arith.index_cast %scan3A_234 : i32 to index
      %get3A_243 = arith.constant 16 : index
      %get3A_244 = tpu.vector_load %arg14[%get3A_242, %get3A_243] {strides = array<i32>} : memref<128x128xf32, #tpu.memory_space<vmem>>, vector<1x16xf32>,
      %get3A_245 = vector.shape_cast %get3A_244 : vector<1x16xf32> to vector<16xf32>
      %swap3A_246 = arith.index_cast %scan3A_234 : i32 to index
      %swap3A_247 = arith.constant 16 : index
      %swap3A_248 = tpu.vector_load %arg13[%swap3A_246, %swap3A_247] {strides = array<i32>} : memref<128x128xf32, #tpu.memory_space<vmem>>, vector<1x16xf32>,
      %swap3A_249 = vector.shape_cast %swap3A_248 : vector<1x16xf32> to vector<16xf32>
      %swap3A_250 = vector.shape_cast %get3A_245 : vector<16xf32> to vector<1x16xf32>
      tpu.vector_store %arg13[%swap3A_246, %swap3A_247], %swap3A_250 {add = true, strides = array<i32>} : memref<128x128xf32, #tpu.memory_space<vmem>>, vector<1x16xf32>,
      %get3A_251 = arith.index_cast %scan3A_234 : i32 to index
      %get3A_252 = arith.constant 32 : index
      %get3A_253 = tpu.vector_load %arg14[%get3A_251, %get3A_252] {strides = array<i32>} : memref<128x128xf32, #tpu.memory_space<vmem>>, vector<1x16xf32>,
      %get3A_254 = vector.shape_cast %get3A_253 : vector<1x16xf32> to vector<16xf32>
      %swap3A_255 = arith.index_cast %scan3A_234 : i32 to index
      %swap3A_256 = arith.constant 32 : index
      %swap3A_257 = tpu.vector_load %arg13[%swap3A_255, %swap3A_256] {strides = array<i32>} : memref<128x128xf32, #tpu.memory_space<vmem>>, vector<1x16xf32>,
      %swap3A_258 = vector.shape_cast %swap3A_257 : vector<1x16xf32> to vector<16xf32>
      %swap3A_259 = vector.shape_cast %get3A_254 : vector<16xf32> to vector<1x16xf32>
      tpu.vector_store %arg13[%swap3A_255, %swap3A_256], %swap3A_259 {add = true, strides = array<i32>} : memref<128x128xf32, #tpu.memory_space<vmem>>, vector<1x16xf32>,
      %get3A_260 = arith.index_cast %scan3A_234 : i32 to index
      %get3A_261 = arith.constant 48 : index
      %get3A_262 = tpu.vector_load %arg14[%get3A_260, %get3A_261] {strides = array<i32>} : memref<128x128xf32, #tpu.memory_space<vmem>>, vector<1x16xf32>,
      %get3A_263 = vector.shape_cast %get3A_262 : vector<1x16xf32> to vector<16xf32>
      %swap3A_264 = arith.index_cast %scan3A_234 : i32 to index
      %swap3A_265 = arith.constant 48 : index
      %swap3A_266 = tpu.vector_load %arg13[%swap3A_264, %swap3A_265] {strides = array<i32>} : memref<128x128xf32, #tpu.memory_space<vmem>>, vector<1x16xf32>,
      %swap3A_267 = vector.shape_cast %swap3A_266 : vector<1x16xf32> to vector<16xf32>
      %swap3A_268 = vector.shape_cast %get3A_263 : vector<16xf32> to vector<1x16xf32>
      tpu.vector_store %arg13[%swap3A_264, %swap3A_265], %swap3A_268 {add = true, strides = array<i32>} : memref<128x128xf32, #tpu.memory_space<vmem>>, vector<1x16xf32>,
      %get3A_269 = arith.index_cast %scan3A_234 : i32 to index
      %get3A_270 = arith.constant 64 : index
      %get3A_271 = tpu.vector_load %arg14[%get3A_269, %get3A_270] {strides = array<i32>} : memref<128x128xf32, #tpu.memory_space<vmem>>, vector<1x16xf32>,
      %get3A_272 = vector.shape_cast %get3A_271 : vector<1x16xf32> to vector<16xf32>
      %swap3A_273 = arith.index_cast %scan3A_234 : i32 to index
      %swap3A_274 = arith.constant 64 : index
      %swap3A_275 = tpu.vector_load %arg13[%swap3A_273, %swap3A_274] {strides = array<i32>} : memref<128x128xf32, #tpu.memory_space<vmem>>, vector<1x16xf32>,
      %swap3A_276 = vector.shape_cast %swap3A_275 : vector<1x16xf32> to vector<16xf32>
      %swap3A_277 = vector.shape_cast %get3A_272 : vector<16xf32> to vector<1x16xf32>
      tpu.vector_store %arg13[%swap3A_273, %swap3A_274], %swap3A_277 {add = true, strides = array<i32>} : memref<128x128xf32, #tpu.memory_space<vmem>>, vector<1x16xf32>,
      %get3A_278 = arith.index_cast %scan3A_234 : i32 to index
      %get3A_279 = arith.constant 80 : index
      %get3A_280 = tpu.vector_load %arg14[%get3A_278, %get3A_279] {strides = array<i32>} : memref<128x128xf32, #tpu.memory_space<vmem>>, vector<1x16xf32>,
      %get3A_281 = vector.shape_cast %get3A_280 : vector<1x16xf32> to vector<16xf32>
      %swap3A_282 = arith.index_cast %scan3A_234 : i32 to index
      %swap3A_283 = arith.constant 80 : index
      %swap3A_284 = tpu.vector_load %arg13[%swap3A_282, %swap3A_283] {strides = array<i32>} : memref<128x128xf32, #tpu.memory_space<vmem>>, vector<1x16xf32>,
      %swap3A_285 = vector.shape_cast %swap3A_284 : vector<1x16xf32> to vector<16xf32>
      %swap3A_286 = vector.shape_cast %get3A_281 : vector<16xf32> to vector<1x16xf32>
      tpu.vector_store %arg13[%swap3A_282, %swap3A_283], %swap3A_286 {add = true, strides = array<i32>} : memref<128x128xf32, #tpu.memory_space<vmem>>, vector<1x16xf32>,
      %get3A_287 = arith.index_cast %scan3A_234 : i32 to index
      %get3A_288 = arith.constant 96 : index
      %get3A_289 = tpu.vector_load %arg14[%get3A_287, %get3A_288] {strides = array<i32>} : memref<128x128xf32, #tpu.memory_space<vmem>>, vector<1x16xf32>,
      %get3A_290 = vector.shape_cast %get3A_289 : vector<1x16xf32> to vector<16xf32>
      %swap3A_291 = arith.index_cast %scan3A_234 : i32 to index
      %swap3A_292 = arith.constant 96 : index
      %swap3A_293 = tpu.vector_load %arg13[%swap3A_291, %swap3A_292] {strides = array<i32>} : memref<128x128xf32, #tpu.memory_space<vmem>>, vector<1x16xf32>,
      %swap3A_294 = vector.shape_cast %swap3A_293 : vector<1x16xf32> to vector<16xf32>
      %swap3A_295 = vector.shape_cast %get3A_290 : vector<16xf32> to vector<1x16xf32>
      tpu.vector_store %arg13[%swap3A_291, %swap3A_292], %swap3A_295 {add = true, strides = array<i32>} : memref<128x128xf32, #tpu.memory_space<vmem>>, vector<1x16xf32>,
      %get3A_296 = arith.index_cast %scan3A_234 : i32 to index
      %get3A_297 = arith.constant 112 : index
      %get3A_298 = tpu.vector_load %arg14[%get3A_296, %get3A_297] {strides = array<i32>} : memref<128x128xf32, #tpu.memory_space<vmem>>, vector<1x16xf32>,
      %get3A_299 = vector.shape_cast %get3A_298 : vector<1x16xf32> to vector<16xf32>
      %swap3A_300 = arith.index_cast %scan3A_234 : i32 to index
      %swap3A_301 = arith.constant 112 : index
      %swap3A_302 = tpu.vector_load %arg13[%swap3A_300, %swap3A_301] {strides = array<i32>} : memref<128x128xf32, #tpu.memory_space<vmem>>, vector<1x16xf32>,
      %swap3A_303 = vector.shape_cast %swap3A_302 : vector<1x16xf32> to vector<16xf32>
      %swap3A_304 = vector.shape_cast %get3A_299 : vector<16xf32> to vector<1x16xf32>
      tpu.vector_store %arg13[%swap3A_300, %swap3A_301], %swap3A_304 {add = true, strides = array<i32>} : memref<128x128xf32, #tpu.memory_space<vmem>>, vector<1x16xf32>,
      %scan3A_305 = arith.constant 1 : i32
      %scan3A_306 = arith.addi %scan3A_234, %scan3A_305 : i32
      %get3A_307 = arith.index_cast %scan3A_306 : i32 to index
      %get3A_308 = arith.constant 0 : index
      %get3A_309 = tpu.vector_load %arg14[%get3A_307, %get3A_308] {strides = array<i32>} : memref<128x128xf32, #tpu.memory_space<vmem>>, vector<1x16xf32>,
      %get3A_310 = vector.shape_cast %get3A_309 : vector<1x16xf32> to vector<16xf32>
      %swap3A_311 = arith.index_cast %scan3A_306 : i32 to index
      %swap3A_312 = arith.constant 0 : index
      %swap3A_313 = tpu.vector_load %arg13[%swap3A_311, %swap3A_312] {strides = array<i32>} : memref<128x128xf32, #tpu.memory_space<vmem>>, vector<1x16xf32>,
      %swap3A_314 = vector.shape_cast %swap3A_313 : vector<1x16xf32> to vector<16xf32>
      %swap3A_315 = vector.shape_cast %get3A_310 : vector<16xf32> to vector<1x16xf32>
      tpu.vector_store %arg13[%swap3A_311, %swap3A_312], %swap3A_315 {add = true, strides = array<i32>} : memref<128x128xf32, #tpu.memory_space<vmem>>, vector<1x16xf32>,
      %get3A_316 = arith.index_cast %scan3A_306 : i32 to index
      %get3A_317 = arith.constant 16 : index
      %get3A_318 = tpu.vector_load %arg14[%get3A_316, %get3A_317] {strides = array<i32>} : memref<128x128xf32, #tpu.memory_space<vmem>>, vector<1x16xf32>,
      %get3A_319 = vector.shape_cast %get3A_318 : vector<1x16xf32> to vector<16xf32>
      %swap3A_320 = arith.index_cast %scan3A_306 : i32 to index
      %swap3A_321 = arith.constant 16 : index
      %swap3A_322 = tpu.vector_load %arg13[%swap3A_320, %swap3A_321] {strides = array<i32>} : memref<128x128xf32, #tpu.memory_space<vmem>>, vector<1x16xf32>,
      %swap3A_323 = vector.shape_cast %swap3A_322 : vector<1x16xf32> to vector<16xf32>
      %swap3A_324 = vector.shape_cast %get3A_319 : vector<16xf32> to vector<1x16xf32>
      tpu.vector_store %arg13[%swap3A_320, %swap3A_321], %swap3A_324 {add = true, strides = array<i32>} : memref<128x128xf32, #tpu.memory_space<vmem>>, vector<1x16xf32>,
      %get3A_325 = arith.index_cast %scan3A_306 : i32 to index
      %get3A_326 = arith.constant 32 : index
      %get3A_327 = tpu.vector_load %arg14[%get3A_325, %get3A_326] {strides = array<i32>} : memref<128x128xf32, #tpu.memory_space<vmem>>, vector<1x16xf32>,
      %get3A_328 = vector.shape_cast %get3A_327 : vector<1x16xf32> to vector<16xf32>
      %swap3A_329 = arith.index_cast %scan3A_306 : i32 to index
      %swap3A_330 = arith.constant 32 : index
      %swap3A_331 = tpu.vector_load %arg13[%swap3A_329, %swap3A_330] {strides = array<i32>} : memref<128x128xf32, #tpu.memory_space<vmem>>, vector<1x16xf32>,
      %swap3A_332 = vector.shape_cast %swap3A_331 : vector<1x16xf32> to vector<16xf32>
      %swap3A_333 = vector.shape_cast %get3A_328 : vector<16xf32> to vector<1x16xf32>
      tpu.vector_store %arg13[%swap3A_329, %swap3A_330], %swap3A_333 {add = true, strides = array<i32>} : memref<128x128xf32, #tpu.memory_space<vmem>>, vector<1x16xf32>,
      %get3A_334 = arith.index_cast %scan3A_306 : i32 to index
      %get3A_335 = arith.constant 48 : index
      %get3A_336 = tpu.vector_load %arg14[%get3A_334, %get3A_335] {strides = array<i32>} : memref<128x128xf32, #tpu.memory_space<vmem>>, vector<1x16xf32>,
      %get3A_337 = vector.shape_cast %get3A_336 : vector<1x16xf32> to vector<16xf32>
      %swap3A_338 = arith.index_cast %scan3A_306 : i32 to index
      %swap3A_339 = arith.constant 48 : index
      %swap3A_340 = tpu.vector_load %arg13[%swap3A_338, %swap3A_339] {strides = array<i32>} : memref<128x128xf32, #tpu.memory_space<vmem>>, vector<1x16xf32>,
      %swap3A_341 = vector.shape_cast %swap3A_340 : vector<1x16xf32> to vector<16xf32>
      %swap3A_342 = vector.shape_cast %get3A_337 : vector<16xf32> to vector<1x16xf32>
      tpu.vector_store %arg13[%swap3A_338, %swap3A_339], %swap3A_342 {add = true, strides = array<i32>} : memref<128x128xf32, #tpu.memory_space<vmem>>, vector<1x16xf32>,
      %get3A_343 = arith.index_cast %scan3A_306 : i32 to index
      %get3A_344 = arith.constant 64 : index
      %get3A_345 = tpu.vector_load %arg14[%get3A_343, %get3A_344] {strides = array<i32>} : memref<128x128xf32, #tpu.memory_space<vmem>>, vector<1x16xf32>,
      %get3A_346 = vector.shape_cast %get3A_345 : vector<1x16xf32> to vector<16xf32>
      %swap3A_347 = arith.index_cast %scan3A_306 : i32 to index
      %swap3A_348 = arith.constant 64 : index
      %swap3A_349 = tpu.vector_load %arg13[%swap3A_347, %swap3A_348] {strides = array<i32>} : memref<128x128xf32, #tpu.memory_space<vmem>>, vector<1x16xf32>,
      %swap3A_350 = vector.shape_cast %swap3A_349 : vector<1x16xf32> to vector<16xf32>
      %swap3A_351 = vector.shape_cast %get3A_346 : vector<16xf32> to vector<1x16xf32>
      tpu.vector_store %arg13[%swap3A_347, %swap3A_348], %swap3A_351 {add = true, strides = array<i32>} : memref<128x128xf32, #tpu.memory_space<vmem>>, vector<1x16xf32>,
      %get3A_352 = arith.index_cast %scan3A_306 : i32 to index
      %get3A_353 = arith.constant 80 : index
      %get3A_354 = tpu.vector_load %arg14[%get3A_352, %get3A_353] {strides = array<i32>} : memref<128x128xf32, #tpu.memory_space<vmem>>, vector<1x16xf32>,
      %get3A_355 = vector.shape_cast %get3A_354 : vector<1x16xf32> to vector<16xf32>
      %swap3A_356 = arith.index_cast %scan3A_306 : i32 to index
      %swap3A_357 = arith.constant 80 : index
      %swap3A_358 = tpu.vector_load %arg13[%swap3A_356, %swap3A_357] {strides = array<i32>} : memref<128x128xf32, #tpu.memory_space<vmem>>, vector<1x16xf32>,
      %swap3A_359 = vector.shape_cast %swap3A_358 : vector<1x16xf32> to vector<16xf32>
      %swap3A_360 = vector.shape_cast %get3A_355 : vector<16xf32> to vector<1x16xf32>
      tpu.vector_store %arg13[%swap3A_356, %swap3A_357], %swap3A_360 {add = true, strides = array<i32>} : memref<128x128xf32, #tpu.memory_space<vmem>>, vector<1x16xf32>,
      %get3A_361 = arith.index_cast %scan3A_306 : i32 to index
      %get3A_362 = arith.constant 96 : index
      %get3A_363 = tpu.vector_load %arg14[%get3A_361, %get3A_362] {strides = array<i32>} : memref<128x128xf32, #tpu.memory_space<vmem>>, vector<1x16xf32>,
      %get3A_364 = vector.shape_cast %get3A_363 : vector<1x16xf32> to vector<16xf32>
      %swap3A_365 = arith.index_cast %scan3A_306 : i32 to index
      %swap3A_366 = arith.constant 96 : index
      %swap3A_367 = tpu.vector_load %arg13[%swap3A_365, %swap3A_366] {strides = array<i32>} : memref<128x128xf32, #tpu.memory_space<vmem>>, vector<1x16xf32>,
      %swap3A_368 = vector.shape_cast %swap3A_367 : vector<1x16xf32> to vector<16xf32>
      %swap3A_369 = vector.shape_cast %get3A_364 : vector<16xf32> to vector<1x16xf32>
      tpu.vector_store %arg13[%swap3A_365, %swap3A_366], %swap3A_369 {add = true, strides = array<i32>} : memref<128x128xf32, #tpu.memory_space<vmem>>, vector<1x16xf32>,
      %get3A_370 = arith.index_cast %scan3A_306 : i32 to index
      %get3A_371 = arith.constant 112 : index
      %get3A_372 = tpu.vector_load %arg14[%get3A_370, %get3A_371] {strides = array<i32>} : memref<128x128xf32, #tpu.memory_space<vmem>>, vector<1x16xf32>,
      %get3A_373 = vector.shape_cast %get3A_372 : vector<1x16xf32> to vector<16xf32>
      %swap3A_374 = arith.index_cast %scan3A_306 : i32 to index
      %swap3A_375 = arith.constant 112 : index
      %swap3A_376 = tpu.vector_load %arg13[%swap3A_374, %swap3A_375] {strides = array<i32>} : memref<128x128xf32, #tpu.memory_space<vmem>>, vector<1x16xf32>,
      %swap3A_377 = vector.shape_cast %swap3A_376 : vector<1x16xf32> to vector<16xf32>
      %swap3A_378 = vector.shape_cast %get3A_373 : vector<16xf32> to vector<1x16xf32>
      tpu.vector_store %arg13[%swap3A_374, %swap3A_375], %swap3A_378 {add = true, strides = array<i32>} : memref<128x128xf32, #tpu.memory_space<vmem>>, vector<1x16xf32>,
    }
    %scan3A_131 = arith.constant 128 : i32
    %dma_start3A_132 = arith.constant 2 : i32
    %dma_start3A_133 = arith.constant 0 : i32
    %dma_start3A_134 = tpu.memref_slice %arg10[%dma_start3A_132, %mul3A_2, %dma_start3A_133] : memref<3x4096x128xf32, #tpu.memory_space<hbm>> -> memref<1x128x128xf32, #tpu.memory_space<hbm>>
    %dma_start3A_135 = tpu.memref_squeeze %dma_start3A_134 : memref<1x128x128xf32, #tpu.memory_space<hbm>> -> memref<128x128xf32, #tpu.memory_space<hbm>>
    %dma_start3A_136 = arith.constant 0 : i32
    %dma_start3A_137 = tpu.memref_slice %arg10[%dma_start3A_132, %mul3A_2, %dma_start3A_136] : memref<3x4096x128xf32, #tpu.memory_space<hbm>> -> memref<1x128x128xf32, #tpu.memory_space<hbm>>
    %dma_start3A_138 = tpu.memref_squeeze %dma_start3A_137 : memref<1x128x128xf32, #tpu.memory_space<hbm>> -> memref<128x128xf32, #tpu.memory_space<hbm>>
    tpu.enqueue_dma source(%arg13 : memref<128x128xf32, #tpu.memory_space<vmem>>) target(%dma_start3A_138 : memref<128x128xf32, #tpu.memory_space<hbm>>) target_semaphore(%arg17 : memref<!tpu.dma_semaphore, #tpu.memory_space<semaphore_mem>>)
    %dma_wait3A_139 = arith.constant 2 : i32
    %dma_wait3A_140 = arith.constant 0 : i32
    %dma_wait3A_141 = arith.constant 0 : i32
    %dma_wait3A_142 = arith.constant 0 : i32
    %dma_wait3A_143 = tpu.memref_slice %arg12[%dma_wait3A_140, %dma_wait3A_141, %dma_wait3A_142] : memref<2x128x128xf32, #tpu.memory_space<vmem>> -> memref<1x128x128xf32, #tpu.memory_space<vmem>>
    %dma_wait3A_144 = tpu.memref_squeeze %dma_wait3A_143 : memref<1x128x128xf32, #tpu.memory_space<vmem>> -> memref<128x128xf32, #tpu.memory_space<vmem>>
    %dma_wait3A_145 = arith.constant 0 : i32
    %dma_wait3A_146 = tpu.memref_slice %arg11[%dma_wait3A_139, %dma_wait3A_145] : memref<4x128xi32, #tpu.memory_space<vmem>> -> memref<1x128xi32, #tpu.memory_space<vmem>>
    %dma_wait3A_147 = tpu.memref_squeeze %dma_wait3A_146 : memref<1x128xi32, #tpu.memory_space<vmem>> -> memref<128xi32, #tpu.memory_space<vmem>>
    %dma_wait3A_148 = arith.constant 0 : i32
    %dma_wait3A_149 = arith.constant 0 : i32
    %dma_wait3A_150 = tpu.memref_slice %arg6[%dma_wait3A_148, %dma_wait3A_149] : memref<100000x128xf32, #tpu.memory_space<hbm>> -> memref<100000x128xf32, #tpu.memory_space<hbm>>
    tpu.wait_indirect_dma semaphore(%arg16 : memref<!tpu.dma_semaphore, #tpu.memory_space<semaphore_mem>>) src(%dma_wait3A_150 : memref<100000x128xf32, #tpu.memory_space<hbm>>) dst(%dma_wait3A_144 : memref<128x128xf32, #tpu.memory_space<vmem>>)
    %dma_start3A_151 = arith.constant 0 : i32
    %dma_start3A_152 = arith.constant 0 : i32
    %dma_start3A_153 = arith.constant 0 : i32
    %dma_start3A_154 = arith.constant 0 : i32
    %dma_start3A_155 = tpu.memref_slice %arg12[%dma_start3A_151, %dma_start3A_153, %dma_start3A_154] : memref<2x128x128xf32, #tpu.memory_space<vmem>> -> memref<1x128x128xf32, #tpu.memory_space<vmem>>
    %dma_start3A_156 = tpu.memref_squeeze %dma_start3A_155 : memref<1x128x128xf32, #tpu.memory_space<vmem>> -> memref<128x128xf32, #tpu.memory_space<vmem>>
    %dma_start3A_157 = arith.constant 0 : i32
    %dma_start3A_158 = tpu.memref_slice %arg10[%dma_start3A_152, %mul3A_2, %dma_start3A_157] : memref<3x4096x128xf32, #tpu.memory_space<hbm>> -> memref<1x128x128xf32, #tpu.memory_space<hbm>>
    %dma_start3A_159 = tpu.memref_squeeze %dma_start3A_158 : memref<1x128x128xf32, #tpu.memory_space<hbm>> -> memref<128x128xf32, #tpu.memory_space<hbm>>
    %dma_start3A_160 = arith.constant 0 : i32
    %dma_start3A_161 = tpu.memref_slice %arg10[%dma_start3A_152, %mul3A_2, %dma_start3A_160] : memref<3x4096x128xf32, #tpu.memory_space<hbm>> -> memref<1x128x128xf32, #tpu.memory_space<hbm>>
    %dma_start3A_162 = tpu.memref_squeeze %dma_start3A_161 : memref<1x128x128xf32, #tpu.memory_space<hbm>> -> memref<128x128xf32, #tpu.memory_space<hbm>>
    %dma_start3A_163 = arith.constant 0 : i32
    %dma_start3A_164 = arith.constant 0 : i32
    %dma_start3A_165 = tpu.memref_slice %arg12[%dma_start3A_151, %dma_start3A_163, %dma_start3A_164] : memref<2x128x128xf32, #tpu.memory_space<vmem>> -> memref<1x128x128xf32, #tpu.memory_space<vmem>>
    %dma_start3A_166 = tpu.memref_squeeze %dma_start3A_165 : memref<1x128x128xf32, #tpu.memory_space<vmem>> -> memref<128x128xf32, #tpu.memory_space<vmem>>
    tpu.enqueue_dma source(%dma_start3A_166 : memref<128x128xf32, #tpu.memory_space<vmem>>) target(%dma_start3A_162 : memref<128x128xf32, #tpu.memory_space<hbm>>) target_semaphore(%arg17 : memref<!tpu.dma_semaphore, #tpu.memory_space<semaphore_mem>>)
    %dma_wait3A_167 = arith.constant 3 : i32
    %dma_wait3A_168 = arith.constant 1 : i32
    %dma_wait3A_169 = arith.constant 0 : i32
    %dma_wait3A_170 = arith.constant 0 : i32
    %dma_wait3A_171 = tpu.memref_slice %arg12[%dma_wait3A_168, %dma_wait3A_169, %dma_wait3A_170] : memref<2x128x128xf32, #tpu.memory_space<vmem>> -> memref<1x128x128xf32, #tpu.memory_space<vmem>>
    %dma_wait3A_172 = tpu.memref_squeeze %dma_wait3A_171 : memref<1x128x128xf32, #tpu.memory_space<vmem>> -> memref<128x128xf32, #tpu.memory_space<vmem>>
    %dma_wait3A_173 = arith.constant 0 : i32
    %dma_wait3A_174 = tpu.memref_slice %arg11[%dma_wait3A_167, %dma_wait3A_173] : memref<4x128xi32, #tpu.memory_space<vmem>> -> memref<1x128xi32, #tpu.memory_space<vmem>>
    %dma_wait3A_175 = tpu.memref_squeeze %dma_wait3A_174 : memref<1x128xi32, #tpu.memory_space<vmem>> -> memref<128xi32, #tpu.memory_space<vmem>>
    %dma_wait3A_176 = arith.constant 0 : i32
    %dma_wait3A_177 = arith.constant 0 : i32
    %dma_wait3A_178 = tpu.memref_slice %arg7[%dma_wait3A_176, %dma_wait3A_177] : memref<100000x128xf32, #tpu.memory_space<hbm>> -> memref<100000x128xf32, #tpu.memory_space<hbm>>
    tpu.wait_indirect_dma semaphore(%arg16 : memref<!tpu.dma_semaphore, #tpu.memory_space<semaphore_mem>>) src(%dma_wait3A_178 : memref<100000x128xf32, #tpu.memory_space<hbm>>) dst(%dma_wait3A_172 : memref<128x128xf32, #tpu.memory_space<vmem>>)
    %dma_start3A_179 = arith.constant 1 : i32
    %dma_start3A_180 = arith.constant 1 : i32
    %dma_start3A_181 = arith.constant 0 : i32
    %dma_start3A_182 = arith.constant 0 : i32
    %dma_start3A_183 = tpu.memref_slice %arg12[%dma_start3A_179, %dma_start3A_181, %dma_start3A_182] : memref<2x128x128xf32, #tpu.memory_space<vmem>> -> memref<1x128x128xf32, #tpu.memory_space<vmem>>
    %dma_start3A_184 = tpu.memref_squeeze %dma_start3A_183 : memref<1x128x128xf32, #tpu.memory_space<vmem>> -> memref<128x128xf32, #tpu.memory_space<vmem>>
    %dma_start3A_185 = arith.constant 0 : i32
    %dma_start3A_186 = tpu.memref_slice %arg10[%dma_start3A_180, %mul3A_2, %dma_start3A_185] : memref<3x4096x128xf32, #tpu.memory_space<hbm>> -> memref<1x128x128xf32, #tpu.memory_space<hbm>>
    %dma_start3A_187 = tpu.memref_squeeze %dma_start3A_186 : memref<1x128x128xf32, #tpu.memory_space<hbm>> -> memref<128x128xf32, #tpu.memory_space<hbm>>
    %dma_start3A_188 = arith.constant 0 : i32
    %dma_start3A_189 = tpu.memref_slice %arg10[%dma_start3A_180, %mul3A_2, %dma_start3A_188] : memref<3x4096x128xf32, #tpu.memory_space<hbm>> -> memref<1x128x128xf32, #tpu.memory_space<hbm>>
    %dma_start3A_190 = tpu.memref_squeeze %dma_start3A_189 : memref<1x128x128xf32, #tpu.memory_space<hbm>> -> memref<128x128xf32, #tpu.memory_space<hbm>>
    %dma_start3A_191 = arith.constant 0 : i32
    %dma_start3A_192 = arith.constant 0 : i32
    %dma_start3A_193 = tpu.memref_slice %arg12[%dma_start3A_179, %dma_start3A_191, %dma_start3A_192] : memref<2x128x128xf32, #tpu.memory_space<vmem>> -> memref<1x128x128xf32, #tpu.memory_space<vmem>>
    %dma_start3A_194 = tpu.memref_squeeze %dma_start3A_193 : memref<1x128x128xf32, #tpu.memory_space<vmem>> -> memref<128x128xf32, #tpu.memory_space<vmem>>
    tpu.enqueue_dma source(%dma_start3A_194 : memref<128x128xf32, #tpu.memory_space<vmem>>) target(%dma_start3A_190 : memref<128x128xf32, #tpu.memory_space<hbm>>) target_semaphore(%arg17 : memref<!tpu.dma_semaphore, #tpu.memory_space<semaphore_mem>>)
    %dma_wait3A_195 = arith.constant 2 : i32
    %dma_wait3A_196 = arith.constant 0 : i32
    %dma_wait3A_197 = tpu.memref_slice %arg10[%dma_wait3A_195, %mul3A_2, %dma_wait3A_196] : memref<3x4096x128xf32, #tpu.memory_space<hbm>> -> memref<1x128x128xf32, #tpu.memory_space<hbm>>
    %dma_wait3A_198 = tpu.memref_squeeze %dma_wait3A_197 : memref<1x128x128xf32, #tpu.memory_space<hbm>> -> memref<128x128xf32, #tpu.memory_space<hbm>>
    %dma_wait3A_199 = arith.constant 0 : i32
    %dma_wait3A_200 = tpu.memref_slice %arg10[%dma_wait3A_195, %mul3A_2, %dma_wait3A_199] : memref<3x4096x128xf32, #tpu.memory_space<hbm>> -> memref<1x128x128xf32, #tpu.memory_space<hbm>>
    %dma_wait3A_201 = tpu.memref_squeeze %dma_wait3A_200 : memref<1x128x128xf32, #tpu.memory_space<hbm>> -> memref<128x128xf32, #tpu.memory_space<hbm>>
    tpu.wait_dma2 semaphore(%arg17 : memref<!tpu.dma_semaphore, #tpu.memory_space<semaphore_mem>>) src(%arg13 : memref<128x128xf32, #tpu.memory_space<vmem>>) dst(%dma_wait3A_201 : memref<128x128xf32, #tpu.memory_space<hbm>>)
    %dma_wait3A_202 = arith.constant 0 : i32
    %dma_wait3A_203 = arith.constant 0 : i32
    %dma_wait3A_204 = arith.constant 0 : i32
    %dma_wait3A_205 = arith.constant 0 : i32
    %dma_wait3A_206 = tpu.memref_slice %arg12[%dma_wait3A_202, %dma_wait3A_204, %dma_wait3A_205] : memref<2x128x128xf32, #tpu.memory_space<vmem>> -> memref<1x128x128xf32, #tpu.memory_space<vmem>>
    %dma_wait3A_207 = tpu.memref_squeeze %dma_wait3A_206 : memref<1x128x128xf32, #tpu.memory_space<vmem>> -> memref<128x128xf32, #tpu.memory_space<vmem>>
    %dma_wait3A_208 = arith.constant 0 : i32
    %dma_wait3A_209 = tpu.memref_slice %arg10[%dma_wait3A_203, %mul3A_2, %dma_wait3A_208] : memref<3x4096x128xf32, #tpu.memory_space<hbm>> -> memref<1x128x128xf32, #tpu.memory_space<hbm>>
    %dma_wait3A_210 = tpu.memref_squeeze %dma_wait3A_209 : memref<1x128x128xf32, #tpu.memory_space<hbm>> -> memref<128x128xf32, #tpu.memory_space<hbm>>
    %dma_wait3A_211 = arith.constant 0 : i32
    %dma_wait3A_212 = tpu.memref_slice %arg10[%dma_wait3A_203, %mul3A_2, %dma_wait3A_211] : memref<3x4096x128xf32, #tpu.memory_space<hbm>> -> memref<1x128x128xf32, #tpu.memory_space<hbm>>
    %dma_wait3A_213 = tpu.memref_squeeze %dma_wait3A_212 : memref<1x128x128xf32, #tpu.memory_space<hbm>> -> memref<128x128xf32, #tpu.memory_space<hbm>>
    %dma_wait3A_214 = arith.constant 0 : i32
    %dma_wait3A_215 = arith.constant 0 : i32
    %dma_wait3A_216 = tpu.memref_slice %arg12[%dma_wait3A_202, %dma_wait3A_214, %dma_wait3A_215] : memref<2x128x128xf32, #tpu.memory_space<vmem>> -> memref<1x128x128xf32, #tpu.memory_space<vmem>>
    %dma_wait3A_217 = tpu.memref_squeeze %dma_wait3A_216 : memref<1x128x128xf32, #tpu.memory_space<vmem>> -> memref<128x128xf32, #tpu.memory_space<vmem>>
    tpu.wait_dma2 semaphore(%arg17 : memref<!tpu.dma_semaphore, #tpu.memory_space<semaphore_mem>>) src(%dma_wait3A_217 : memref<128x128xf32, #tpu.memory_space<vmem>>) dst(%dma_wait3A_213 : memref<128x128xf32, #tpu.memory_space<hbm>>)
    %dma_wait3A_218 = arith.constant 1 : i32
    %dma_wait3A_219 = arith.constant 1 : i32
    %dma_wait3A_220 = arith.constant 0 : i32
    %dma_wait3A_221 = arith.constant 0 : i32
    %dma_wait3A_222 = tpu.memref_slice %arg12[%dma_wait3A_218, %dma_wait3A_220, %dma_wait3A_221] : memref<2x128x128xf32, #tpu.memory_space<vmem>> -> memref<1x128x128xf32, #tpu.memory_space<vmem>>
    %dma_wait3A_223 = tpu.memref_squeeze %dma_wait3A_222 : memref<1x128x128xf32, #tpu.memory_space<vmem>> -> memref<128x128xf32, #tpu.memory_space<vmem>>
    %dma_wait3A_224 = arith.constant 0 : i32
    %dma_wait3A_225 = tpu.memref_slice %arg10[%dma_wait3A_219, %mul3A_2, %dma_wait3A_224] : memref<3x4096x128xf32, #tpu.memory_space<hbm>> -> memref<1x128x128xf32, #tpu.memory_space<hbm>>
    %dma_wait3A_226 = tpu.memref_squeeze %dma_wait3A_225 : memref<1x128x128xf32, #tpu.memory_space<hbm>> -> memref<128x128xf32, #tpu.memory_space<hbm>>
    %dma_wait3A_227 = arith.constant 0 : i32
    %dma_wait3A_228 = tpu.memref_slice %arg10[%dma_wait3A_219, %mul3A_2, %dma_wait3A_227] : memref<3x4096x128xf32, #tpu.memory_space<hbm>> -> memref<1x128x128xf32, #tpu.memory_space<hbm>>
    %dma_wait3A_229 = tpu.memref_squeeze %dma_wait3A_228 : memref<1x128x128xf32, #tpu.memory_space<hbm>> -> memref<128x128xf32, #tpu.memory_space<hbm>>
    %dma_wait3A_230 = arith.constant 0 : i32
    %dma_wait3A_231 = arith.constant 0 : i32
    %dma_wait3A_232 = tpu.memref_slice %arg12[%dma_wait3A_218, %dma_wait3A_230, %dma_wait3A_231] : memref<2x128x128xf32, #tpu.memory_space<vmem>> -> memref<1x128x128xf32, #tpu.memory_space<vmem>>
    %dma_wait3A_233 = tpu.memref_squeeze %dma_wait3A_232 : memref<1x128x128xf32, #tpu.memory_space<vmem>> -> memref<128x128xf32, #tpu.memory_space<vmem>>
    tpu.wait_dma2 semaphore(%arg17 : memref<!tpu.dma_semaphore, #tpu.memory_space<semaphore_mem>>) src(%dma_wait3A_233 : memref<128x128xf32, #tpu.memory_space<vmem>>) dst(%dma_wait3A_229 : memref<128x128xf32, #tpu.memory_space<hbm>>)
    return
  }
}

#map = affine_map<(d0, d1) -> (0)>
#map1 = affine_map<(d0, d1) -> (0, 0)>
#map2 = affine_map<(d0, d1) -> (0, 0, 0)>
module attributes {stable_mosaic.version = 14 : i64} {
  func.func @_sc_gather_body(%arg0: i32, %arg1: i32, %arg2: memref<16384xi32, #tpu.memory_space<hbm>>, %arg3: memref<16384xi32, #tpu.memory_space<hbm>>, %arg4: memref<16384xi32, #tpu.memory_space<hbm>>, %arg5: memref<16384xi32, #tpu.memory_space<hbm>>, %arg6: memref<100000x128xf32, #tpu.memory_space<hbm>>, %arg7: memref<100000x128xf32, #tpu.memory_space<hbm>>, %arg8: memref<1000x128xf32, #tpu.memory_space<hbm>>, %arg9: memref<1000x128xf32, #tpu.memory_space<hbm>>, %arg10: memref<3x4096x128xf32, #tpu.memory_space<hbm>>, %arg11: memref<4x128xi32, #tpu.memory_space<vmem>>, %arg12: memref<2x128x128xf32, #tpu.memory_space<vmem>>, %arg13: memref<128x128xf32, #tpu.memory_space<vmem>>, %arg14: memref<128x128xf32, #tpu.memory_space<vmem>>, %arg15: memref<!tpu.dma_semaphore, #tpu.memory_space<semaphore_mem>>, %arg16: memref<!tpu.dma_semaphore, #tpu.memory_space<semaphore_mem>>, %arg17: memref<!tpu.dma_semaphore, #tpu.memory_space<semaphore_mem>>) attributes {dimension_semantics = [#tpu.dimension_semantics<core_parallel>, #tpu.dimension_semantics<subcore_parallel>], iteration_bounds = array<i64: 2, 16>, scalar_prefetch = 0 : i64, scratch_operands = 7 : i64, tpu.core_type = #tpu.core_type<sc_vector_subcore>, window_params = [{transform_indices = #map}, {transform_indices = #map}, {transform_indices = #map}, {transform_indices = #map}, {transform_indices = #map1}, {transform_indices = #map1}, {transform_indices = #map1}, {transform_indices = #map1}, {transform_indices = #map2}]} {
    %mul3A = arith.constant 2 : i32
    %mul3A_0 = arith.muli %arg1, %mul3A : i32
    %add3A = arith.addi %mul3A_0, %arg0 : i32
    %mul3A_1 = arith.constant 128 : i32
    %mul3A_2 = arith.muli %add3A, %mul3A_1 : i32
    %add3A_3 = arith.constant 8192 : i32
    %add3A_4 = arith.addi %add3A_3, %mul3A_2 : i32
    %dma_start3A = arith.constant 0 : i32
    %dma_start3A_5 = arith.constant 0 : i32
    %dma_start3A_6 = tpu.memref_slice %arg11[%dma_start3A, %dma_start3A_5] : memref<4x128xi32, #tpu.memory_space<vmem>> -> memref<1x128xi32, #tpu.memory_space<vmem>>
    %dma_start3A_7 = tpu.memref_squeeze %dma_start3A_6 : memref<1x128xi32, #tpu.memory_space<vmem>> -> memref<128xi32, #tpu.memory_space<vmem>>
    %dma_start3A_8 = tpu.memref_slice %arg3[%add3A_4] : memref<16384xi32, #tpu.memory_space<hbm>> -> memref<128xi32, #tpu.memory_space<hbm>>
    %dma_start3A_9 = arith.constant 0 : i32
    %dma_start3A_10 = tpu.memref_slice %arg11[%dma_start3A, %dma_start3A_9] : memref<4x128xi32, #tpu.memory_space<vmem>> -> memref<1x128xi32, #tpu.memory_space<vmem>>
    %dma_start3A_11 = tpu.memref_squeeze %dma_start3A_10 : memref<1x128xi32, #tpu.memory_space<vmem>> -> memref<128xi32, #tpu.memory_space<vmem>>
    %dma_start3A_12 = tpu.memref_slice %arg3[%add3A_4] : memref<16384xi32, #tpu.memory_space<hbm>> -> memref<128xi32, #tpu.memory_space<hbm>>
    tpu.enqueue_dma source(%dma_start3A_12 : memref<128xi32, #tpu.memory_space<hbm>>) target(%dma_start3A_11 : memref<128xi32, #tpu.memory_space<vmem>>) target_semaphore(%arg15 : memref<!tpu.dma_semaphore, #tpu.memory_space<semaphore_mem>>)
    %dma_start3A_13 = arith.constant 1 : i32
    %dma_start3A_14 = arith.constant 0 : i32
    %dma_start3A_15 = tpu.memref_slice %arg11[%dma_start3A_13, %dma_start3A_14] : memref<4x128xi32, #tpu.memory_space<vmem>> -> memref<1x128xi32, #tpu.memory_space<vmem>>
    %dma_start3A_16 = tpu.memref_squeeze %dma_start3A_15 : memref<1x128xi32, #tpu.memory_space<vmem>> -> memref<128xi32, #tpu.memory_space<vmem>>
    %dma_start3A_17 = tpu.memref_slice %arg4[%add3A_4] : memref<16384xi32, #tpu.memory_space<hbm>> -> memref<128xi32, #tpu.memory_space<hbm>>
    %dma_start3A_18 = arith.constant 0 : i32
    %dma_start3A_19 = tpu.memref_slice %arg11[%dma_start3A_13, %dma_start3A_18] : memref<4x128xi32, #tpu.memory_space<vmem>> -> memref<1x128xi32, #tpu.memory_space<vmem>>
    %dma_start3A_20 = tpu.memref_squeeze %dma_start3A_19 : memref<1x128xi32, #tpu.memory_space<vmem>> -> memref<128xi32, #tpu.memory_space<vmem>>
    %dma_start3A_21 = tpu.memref_slice %arg4[%add3A_4] : memref<16384xi32, #tpu.memory_space<hbm>> -> memref<128xi32, #tpu.memory_space<hbm>>
    tpu.enqueue_dma source(%dma_start3A_21 : memref<128xi32, #tpu.memory_space<hbm>>) target(%dma_start3A_20 : memref<128xi32, #tpu.memory_space<vmem>>) target_semaphore(%arg15 : memref<!tpu.dma_semaphore, #tpu.memory_space<semaphore_mem>>)
    %dma_start3A_22 = arith.constant 2 : i32
    %dma_start3A_23 = arith.constant 0 : i32
    %dma_start3A_24 = tpu.memref_slice %arg11[%dma_start3A_22, %dma_start3A_23] : memref<4x128xi32, #tpu.memory_space<vmem>> -> memref<1x128xi32, #tpu.memory_space<vmem>>
    %dma_start3A_25 = tpu.memref_squeeze %dma_start3A_24 : memref<1x128xi32, #tpu.memory_space<vmem>> -> memref<128xi32, #tpu.memory_space<vmem>>
    %dma_start3A_26 = tpu.memref_slice %arg2[%add3A_4] : memref<16384xi32, #tpu.memory_space<hbm>> -> memref<128xi32, #tpu.memory_space<hbm>>
    %dma_start3A_27 = arith.constant 0 : i32
    %dma_start3A_28 = tpu.memref_slice %arg11[%dma_start3A_22, %dma_start3A_27] : memref<4x128xi32, #tpu.memory_space<vmem>> -> memref<1x128xi32, #tpu.memory_space<vmem>>
    %dma_start3A_29 = tpu.memref_squeeze %dma_start3A_28 : memref<1x128xi32, #tpu.memory_space<vmem>> -> memref<128xi32, #tpu.memory_space<vmem>>
    %dma_start3A_30 = tpu.memref_slice %arg2[%add3A_4] : memref<16384xi32, #tpu.memory_space<hbm>> -> memref<128xi32, #tpu.memory_space<hbm>>
    tpu.enqueue_dma source(%dma_start3A_30 : memref<128xi32, #tpu.memory_space<hbm>>) target(%dma_start3A_29 : memref<128xi32, #tpu.memory_space<vmem>>) target_semaphore(%arg15 : memref<!tpu.dma_semaphore, #tpu.memory_space<semaphore_mem>>)
    %dma_start3A_31 = arith.constant 3 : i32
    %dma_start3A_32 = arith.constant 0 : i32
    %dma_start3A_33 = tpu.memref_slice %arg11[%dma_start3A_31, %dma_start3A_32] : memref<4x128xi32, #tpu.memory_space<vmem>> -> memref<1x128xi32, #tpu.memory_space<vmem>>
    %dma_start3A_34 = tpu.memref_squeeze %dma_start3A_33 : memref<1x128xi32, #tpu.memory_space<vmem>> -> memref<128xi32, #tpu.memory_space<vmem>>
    %dma_start3A_35 = tpu.memref_slice %arg5[%add3A_4] : memref<16384xi32, #tpu.memory_space<hbm>> -> memref<128xi32, #tpu.memory_space<hbm>>
    %dma_start3A_36 = arith.constant 0 : i32
    %dma_start3A_37 = tpu.memref_slice %arg11[%dma_start3A_31, %dma_start3A_36] : memref<4x128xi32, #tpu.memory_space<vmem>> -> memref<1x128xi32, #tpu.memory_space<vmem>>
    %dma_start3A_38 = tpu.memref_squeeze %dma_start3A_37 : memref<1x128xi32, #tpu.memory_space<vmem>> -> memref<128xi32, #tpu.memory_space<vmem>>
    %dma_start3A_39 = tpu.memref_slice %arg5[%add3A_4] : memref<16384xi32, #tpu.memory_space<hbm>> -> memref<128xi32, #tpu.memory_space<hbm>>
    tpu.enqueue_dma source(%dma_start3A_39 : memref<128xi32, #tpu.memory_space<hbm>>) target(%dma_start3A_38 : memref<128xi32, #tpu.memory_space<vmem>>) target_semaphore(%arg15 : memref<!tpu.dma_semaphore, #tpu.memory_space<semaphore_mem>>)
    %dma_wait3A = arith.constant 0 : i32
    %dma_wait3A_40 = arith.constant 0 : i32
    %dma_wait3A_41 = tpu.memref_slice %arg11[%dma_wait3A, %dma_wait3A_40] : memref<4x128xi32, #tpu.memory_space<vmem>> -> memref<1x128xi32, #tpu.memory_space<vmem>>
    %dma_wait3A_42 = tpu.memref_squeeze %dma_wait3A_41 : memref<1x128xi32, #tpu.memory_space<vmem>> -> memref<128xi32, #tpu.memory_space<vmem>>
    %dma_wait3A_43 = tpu.memref_slice %arg3[%add3A_4] : memref<16384xi32, #tpu.memory_space<hbm>> -> memref<128xi32, #tpu.memory_space<hbm>>
    %dma_wait3A_44 = arith.constant 0 : i32
    %dma_wait3A_45 = tpu.memref_slice %arg11[%dma_wait3A, %dma_wait3A_44] : memref<4x128xi32, #tpu.memory_space<vmem>> -> memref<1x128xi32, #tpu.memory_space<vmem>>
    %dma_wait3A_46 = tpu.memref_squeeze %dma_wait3A_45 : memref<1x128xi32, #tpu.memory_space<vmem>> -> memref<128xi32, #tpu.memory_space<vmem>>
    %dma_wait3A_47 = tpu.memref_slice %arg3[%add3A_4] : memref<16384xi32, #tpu.memory_space<hbm>> -> memref<128xi32, #tpu.memory_space<hbm>>
    tpu.wait_dma2 semaphore(%arg15 : memref<!tpu.dma_semaphore, #tpu.memory_space<semaphore_mem>>) src(%dma_wait3A_47 : memref<128xi32, #tpu.memory_space<hbm>>) dst(%dma_wait3A_46 : memref<128xi32, #tpu.memory_space<vmem>>)
    %dma_wait3A_48 = arith.constant 1 : i32
    %dma_wait3A_49 = arith.constant 0 : i32
    %dma_wait3A_50 = tpu.memref_slice %arg11[%dma_wait3A_48, %dma_wait3A_49] : memref<4x128xi32, #tpu.memory_space<vmem>> -> memref<1x128xi32, #tpu.memory_space<vmem>>
    %dma_wait3A_51 = tpu.memref_squeeze %dma_wait3A_50 : memref<1x128xi32, #tpu.memory_space<vmem>> -> memref<128xi32, #tpu.memory_space<vmem>>
    %dma_wait3A_52 = tpu.memref_slice %arg4[%add3A_4] : memref<16384xi32, #tpu.memory_space<hbm>> -> memref<128xi32, #tpu.memory_space<hbm>>
    %dma_wait3A_53 = arith.constant 0 : i32
    %dma_wait3A_54 = tpu.memref_slice %arg11[%dma_wait3A_48, %dma_wait3A_53] : memref<4x128xi32, #tpu.memory_space<vmem>> -> memref<1x128xi32, #tpu.memory_space<vmem>>
    %dma_wait3A_55 = tpu.memref_squeeze %dma_wait3A_54 : memref<1x128xi32, #tpu.memory_space<vmem>> -> memref<128xi32, #tpu.memory_space<vmem>>
    %dma_wait3A_56 = tpu.memref_slice %arg4[%add3A_4] : memref<16384xi32, #tpu.memory_space<hbm>> -> memref<128xi32, #tpu.memory_space<hbm>>
    tpu.wait_dma2 semaphore(%arg15 : memref<!tpu.dma_semaphore, #tpu.memory_space<semaphore_mem>>) src(%dma_wait3A_56 : memref<128xi32, #tpu.memory_space<hbm>>) dst(%dma_wait3A_55 : memref<128xi32, #tpu.memory_space<vmem>>)
    %dma_wait3A_57 = arith.constant 2 : i32
    %dma_wait3A_58 = arith.constant 0 : i32
    %dma_wait3A_59 = tpu.memref_slice %arg11[%dma_wait3A_57, %dma_wait3A_58] : memref<4x128xi32, #tpu.memory_space<vmem>> -> memref<1x128xi32, #tpu.memory_space<vmem>>
    %dma_wait3A_60 = tpu.memref_squeeze %dma_wait3A_59 : memref<1x128xi32, #tpu.memory_space<vmem>> -> memref<128xi32, #tpu.memory_space<vmem>>
    %dma_wait3A_61 = tpu.memref_slice %arg2[%add3A_4] : memref<16384xi32, #tpu.memory_space<hbm>> -> memref<128xi32, #tpu.memory_space<hbm>>
    %dma_wait3A_62 = arith.constant 0 : i32
    %dma_wait3A_63 = tpu.memref_slice %arg11[%dma_wait3A_57, %dma_wait3A_62] : memref<4x128xi32, #tpu.memory_space<vmem>> -> memref<1x128xi32, #tpu.memory_space<vmem>>
    %dma_wait3A_64 = tpu.memref_squeeze %dma_wait3A_63 : memref<1x128xi32, #tpu.memory_space<vmem>> -> memref<128xi32, #tpu.memory_space<vmem>>
    %dma_wait3A_65 = tpu.memref_slice %arg2[%add3A_4] : memref<16384xi32, #tpu.memory_space<hbm>> -> memref<128xi32, #tpu.memory_space<hbm>>
    tpu.wait_dma2 semaphore(%arg15 : memref<!tpu.dma_semaphore, #tpu.memory_space<semaphore_mem>>) src(%dma_wait3A_65 : memref<128xi32, #tpu.memory_space<hbm>>) dst(%dma_wait3A_64 : memref<128xi32, #tpu.memory_space<vmem>>)
    %dma_wait3A_66 = arith.constant 3 : i32
    %dma_wait3A_67 = arith.constant 0 : i32
    %dma_wait3A_68 = tpu.memref_slice %arg11[%dma_wait3A_66, %dma_wait3A_67] : memref<4x128xi32, #tpu.memory_space<vmem>> -> memref<1x128xi32, #tpu.memory_space<vmem>>
    %dma_wait3A_69 = tpu.memref_squeeze %dma_wait3A_68 : memref<1x128xi32, #tpu.memory_space<vmem>> -> memref<128xi32, #tpu.memory_space<vmem>>
    %dma_wait3A_70 = tpu.memref_slice %arg5[%add3A_4] : memref<16384xi32, #tpu.memory_space<hbm>> -> memref<128xi32, #tpu.memory_space<hbm>>
    %dma_wait3A_71 = arith.constant 0 : i32
    %dma_wait3A_72 = tpu.memref_slice %arg11[%dma_wait3A_66, %dma_wait3A_71] : memref<4x128xi32, #tpu.memory_space<vmem>> -> memref<1x128xi32, #tpu.memory_space<vmem>>
    %dma_wait3A_73 = tpu.memref_squeeze %dma_wait3A_72 : memref<1x128xi32, #tpu.memory_space<vmem>> -> memref<128xi32, #tpu.memory_space<vmem>>
    %dma_wait3A_74 = tpu.memref_slice %arg5[%add3A_4] : memref<16384xi32, #tpu.memory_space<hbm>> -> memref<128xi32, #tpu.memory_space<hbm>>
    tpu.wait_dma2 semaphore(%arg15 : memref<!tpu.dma_semaphore, #tpu.memory_space<semaphore_mem>>) src(%dma_wait3A_74 : memref<128xi32, #tpu.memory_space<hbm>>) dst(%dma_wait3A_73 : memref<128xi32, #tpu.memory_space<vmem>>)
    %dma_start3A_75 = arith.constant 0 : i32
    %dma_start3A_76 = arith.constant 0 : i32
    %dma_start3A_77 = tpu.memref_slice %arg11[%dma_start3A_75, %dma_start3A_76] : memref<4x128xi32, #tpu.memory_space<vmem>> -> memref<1x128xi32, #tpu.memory_space<vmem>>
    %dma_start3A_78 = tpu.memref_squeeze %dma_start3A_77 : memref<1x128xi32, #tpu.memory_space<vmem>> -> memref<128xi32, #tpu.memory_space<vmem>>
    %dma_start3A_79 = arith.constant 0 : i32
    %dma_start3A_80 = arith.constant 0 : i32
    %dma_start3A_81 = tpu.memref_slice %arg8[%dma_start3A_79, %dma_start3A_80] : memref<1000x128xf32, #tpu.memory_space<hbm>> -> memref<1000x128xf32, #tpu.memory_space<hbm>>
    tpu.enqueue_indirect_dma source(%dma_start3A_81 : memref<1000x128xf32, #tpu.memory_space<hbm>>) target(%arg13 : memref<128x128xf32, #tpu.memory_space<vmem>>) offsets(%dma_start3A_78 : memref<128xi32, #tpu.memory_space<vmem>>) semaphore(%arg16 : memref<!tpu.dma_semaphore, #tpu.memory_space<semaphore_mem>>)
    %dma_start3A_82 = arith.constant 1 : i32
    %dma_start3A_83 = arith.constant 0 : i32
    %dma_start3A_84 = tpu.memref_slice %arg11[%dma_start3A_82, %dma_start3A_83] : memref<4x128xi32, #tpu.memory_space<vmem>> -> memref<1x128xi32, #tpu.memory_space<vmem>>
    %dma_start3A_85 = tpu.memref_squeeze %dma_start3A_84 : memref<1x128xi32, #tpu.memory_space<vmem>> -> memref<128xi32, #tpu.memory_space<vmem>>
    %dma_start3A_86 = arith.constant 0 : i32
    %dma_start3A_87 = arith.constant 0 : i32
    %dma_start3A_88 = tpu.memref_slice %arg9[%dma_start3A_86, %dma_start3A_87] : memref<1000x128xf32, #tpu.memory_space<hbm>> -> memref<1000x128xf32, #tpu.memory_space<hbm>>
    tpu.enqueue_indirect_dma source(%dma_start3A_88 : memref<1000x128xf32, #tpu.memory_space<hbm>>) target(%arg14 : memref<128x128xf32, #tpu.memory_space<vmem>>) offsets(%dma_start3A_85 : memref<128xi32, #tpu.memory_space<vmem>>) semaphore(%arg16 : memref<!tpu.dma_semaphore, #tpu.memory_space<semaphore_mem>>)
    %dma_start3A_89 = arith.constant 2 : i32
    %dma_start3A_90 = arith.constant 0 : i32
    %dma_start3A_91 = arith.constant 0 : i32
    %dma_start3A_92 = arith.constant 0 : i32
    %dma_start3A_93 = tpu.memref_slice %arg12[%dma_start3A_90, %dma_start3A_91, %dma_start3A_92] : memref<2x128x128xf32, #tpu.memory_space<vmem>> -> memref<1x128x128xf32, #tpu.memory_space<vmem>>
    %dma_start3A_94 = tpu.memref_squeeze %dma_start3A_93 : memref<1x128x128xf32, #tpu.memory_space<vmem>> -> memref<128x128xf32, #tpu.memory_space<vmem>>
    %dma_start3A_95 = arith.constant 0 : i32
    %dma_start3A_96 = tpu.memref_slice %arg11[%dma_start3A_89, %dma_start3A_95] : memref<4x128xi32, #tpu.memory_space<vmem>> -> memref<1x128xi32, #tpu.memory_space<vmem>>
    %dma_start3A_97 = tpu.memref_squeeze %dma_start3A_96 : memref<1x128xi32, #tpu.memory_space<vmem>> -> memref<128xi32, #tpu.memory_space<vmem>>
    %dma_start3A_98 = arith.constant 0 : i32
    %dma_start3A_99 = arith.constant 0 : i32
    %dma_start3A_100 = tpu.memref_slice %arg6[%dma_start3A_98, %dma_start3A_99] : memref<100000x128xf32, #tpu.memory_space<hbm>> -> memref<100000x128xf32, #tpu.memory_space<hbm>>
    tpu.enqueue_indirect_dma source(%dma_start3A_100 : memref<100000x128xf32, #tpu.memory_space<hbm>>) target(%dma_start3A_94 : memref<128x128xf32, #tpu.memory_space<vmem>>) offsets(%dma_start3A_97 : memref<128xi32, #tpu.memory_space<vmem>>) semaphore(%arg16 : memref<!tpu.dma_semaphore, #tpu.memory_space<semaphore_mem>>)
    %dma_start3A_101 = arith.constant 3 : i32
    %dma_start3A_102 = arith.constant 1 : i32
    %dma_start3A_103 = arith.constant 0 : i32
    %dma_start3A_104 = arith.constant 0 : i32
    %dma_start3A_105 = tpu.memref_slice %arg12[%dma_start3A_102, %dma_start3A_103, %dma_start3A_104] : memref<2x128x128xf32, #tpu.memory_space<vmem>> -> memref<1x128x128xf32, #tpu.memory_space<vmem>>
    %dma_start3A_106 = tpu.memref_squeeze %dma_start3A_105 : memref<1x128x128xf32, #tpu.memory_space<vmem>> -> memref<128x128xf32, #tpu.memory_space<vmem>>
    %dma_start3A_107 = arith.constant 0 : i32
    %dma_start3A_108 = tpu.memref_slice %arg11[%dma_start3A_101, %dma_start3A_107] : memref<4x128xi32, #tpu.memory_space<vmem>> -> memref<1x128xi32, #tpu.memory_space<vmem>>
    %dma_start3A_109 = tpu.memref_squeeze %dma_start3A_108 : memref<1x128xi32, #tpu.memory_space<vmem>> -> memref<128xi32, #tpu.memory_space<vmem>>
    %dma_start3A_110 = arith.constant 0 : i32
    %dma_start3A_111 = arith.constant 0 : i32
    %dma_start3A_112 = tpu.memref_slice %arg7[%dma_start3A_110, %dma_start3A_111] : memref<100000x128xf32, #tpu.memory_space<hbm>> -> memref<100000x128xf32, #tpu.memory_space<hbm>>
    tpu.enqueue_indirect_dma source(%dma_start3A_112 : memref<100000x128xf32, #tpu.memory_space<hbm>>) target(%dma_start3A_106 : memref<128x128xf32, #tpu.memory_space<vmem>>) offsets(%dma_start3A_109 : memref<128xi32, #tpu.memory_space<vmem>>) semaphore(%arg16 : memref<!tpu.dma_semaphore, #tpu.memory_space<semaphore_mem>>)
    %dma_wait3A_113 = arith.constant 0 : i32
    %dma_wait3A_114 = arith.constant 0 : i32
    %dma_wait3A_115 = tpu.memref_slice %arg11[%dma_wait3A_113, %dma_wait3A_114] : memref<4x128xi32, #tpu.memory_space<vmem>> -> memref<1x128xi32, #tpu.memory_space<vmem>>
    %dma_wait3A_116 = tpu.memref_squeeze %dma_wait3A_115 : memref<1x128xi32, #tpu.memory_space<vmem>> -> memref<128xi32, #tpu.memory_space<vmem>>
    %dma_wait3A_117 = arith.constant 0 : i32
    %dma_wait3A_118 = arith.constant 0 : i32
    %dma_wait3A_119 = tpu.memref_slice %arg8[%dma_wait3A_117, %dma_wait3A_118] : memref<1000x128xf32, #tpu.memory_space<hbm>> -> memref<1000x128xf32, #tpu.memory_space<hbm>>
    tpu.wait_indirect_dma semaphore(%arg16 : memref<!tpu.dma_semaphore, #tpu.memory_space<semaphore_mem>>) src(%dma_wait3A_119 : memref<1000x128xf32, #tpu.memory_space<hbm>>) dst(%arg13 : memref<128x128xf32, #tpu.memory_space<vmem>>)
    %dma_wait3A_120 = arith.constant 1 : i32
    %dma_wait3A_121 = arith.constant 0 : i32
    %dma_wait3A_122 = tpu.memref_slice %arg11[%dma_wait3A_120, %dma_wait3A_121] : memref<4x128xi32, #tpu.memory_space<vmem>> -> memref<1x128xi32, #tpu.memory_space<vmem>>
    %dma_wait3A_123 = tpu.memref_squeeze %dma_wait3A_122 : memref<1x128xi32, #tpu.memory_space<vmem>> -> memref<128xi32, #tpu.memory_space<vmem>>
    %dma_wait3A_124 = arith.constant 0 : i32
    %dma_wait3A_125 = arith.constant 0 : i32
    %dma_wait3A_126 = tpu.memref_slice %arg9[%dma_wait3A_124, %dma_wait3A_125] : memref<1000x128xf32, #tpu.memory_space<hbm>> -> memref<1000x128xf32, #tpu.memory_space<hbm>>
    tpu.wait_indirect_dma semaphore(%arg16 : memref<!tpu.dma_semaphore, #tpu.memory_space<semaphore_mem>>) src(%dma_wait3A_126 : memref<1000x128xf32, #tpu.memory_space<hbm>>) dst(%arg14 : memref<128x128xf32, #tpu.memory_space<vmem>>)
    %scan3A = arith.constant 0 : i32
    %scan3A_127 = arith.constant 0 : i32
    %scan3A_128 = arith.constant 128 : i32
    %scan3A_129 = arith.addi %scan3A_127, %scan3A_128 : i32
    %scan3A_130 = arith.constant 2 : i32
    scf.for %scan3A_234 = %scan3A_127 to %scan3A_129 step %scan3A_130  : i32 {
      %get3A = arith.index_cast %scan3A_234 : i32 to index
      %get3A_235 = arith.constant 0 : index
      %get3A_236 = tpu.vector_load %arg14[%get3A, %get3A_235] {strides = array<i32>} : memref<128x128xf32, #tpu.memory_space<vmem>>, vector<1x16xf32>,
      %get3A_237 = vector.shape_cast %get3A_236 : vector<1x16xf32> to vector<16xf32>
      %swap3A = arith.index_cast %scan3A_234 : i32 to index
      %swap3A_238 = arith.constant 0 : index
      %swap3A_239 = tpu.vector_load %arg13[%swap3A, %swap3A_238] {strides = array<i32>} : memref<128x128xf32, #tpu.memory_space<vmem>>, vector<1x16xf32>,
      %swap3A_240 = vector.shape_cast %swap3A_239 : vector<1x16xf32> to vector<16xf32>
      %swap3A_241 = vector.shape_cast %get3A_237 : vector<16xf32> to vector<1x16xf32>
      tpu.vector_store %arg13[%swap3A, %swap3A_238], %swap3A_241 {add = true, strides = array<i32>} : memref<128x128xf32, #tpu.memory_space<vmem>>, vector<1x16xf32>,
      %get3A_242 = arith.index_cast %scan3A_234 : i32 to index
      %get3A_243 = arith.constant 16 : index
      %get3A_244 = tpu.vector_load %arg14[%get3A_242, %get3A_243] {strides = array<i32>} : memref<128x128xf32, #tpu.memory_space<vmem>>, vector<1x16xf32>,
      %get3A_245 = vector.shape_cast %get3A_244 : vector<1x16xf32> to vector<16xf32>
      %swap3A_246 = arith.index_cast %scan3A_234 : i32 to index
      %swap3A_247 = arith.constant 16 : index
      %swap3A_248 = tpu.vector_load %arg13[%swap3A_246, %swap3A_247] {strides = array<i32>} : memref<128x128xf32, #tpu.memory_space<vmem>>, vector<1x16xf32>,
      %swap3A_249 = vector.shape_cast %swap3A_248 : vector<1x16xf32> to vector<16xf32>
      %swap3A_250 = vector.shape_cast %get3A_245 : vector<16xf32> to vector<1x16xf32>
      tpu.vector_store %arg13[%swap3A_246, %swap3A_247], %swap3A_250 {add = true, strides = array<i32>} : memref<128x128xf32, #tpu.memory_space<vmem>>, vector<1x16xf32>,
      %get3A_251 = arith.index_cast %scan3A_234 : i32 to index
      %get3A_252 = arith.constant 32 : index
      %get3A_253 = tpu.vector_load %arg14[%get3A_251, %get3A_252] {strides = array<i32>} : memref<128x128xf32, #tpu.memory_space<vmem>>, vector<1x16xf32>,
      %get3A_254 = vector.shape_cast %get3A_253 : vector<1x16xf32> to vector<16xf32>
      %swap3A_255 = arith.index_cast %scan3A_234 : i32 to index
      %swap3A_256 = arith.constant 32 : index
      %swap3A_257 = tpu.vector_load %arg13[%swap3A_255, %swap3A_256] {strides = array<i32>} : memref<128x128xf32, #tpu.memory_space<vmem>>, vector<1x16xf32>,
      %swap3A_258 = vector.shape_cast %swap3A_257 : vector<1x16xf32> to vector<16xf32>
      %swap3A_259 = vector.shape_cast %get3A_254 : vector<16xf32> to vector<1x16xf32>
      tpu.vector_store %arg13[%swap3A_255, %swap3A_256], %swap3A_259 {add = true, strides = array<i32>} : memref<128x128xf32, #tpu.memory_space<vmem>>, vector<1x16xf32>,
      %get3A_260 = arith.index_cast %scan3A_234 : i32 to index
      %get3A_261 = arith.constant 48 : index
      %get3A_262 = tpu.vector_load %arg14[%get3A_260, %get3A_261] {strides = array<i32>} : memref<128x128xf32, #tpu.memory_space<vmem>>, vector<1x16xf32>,
      %get3A_263 = vector.shape_cast %get3A_262 : vector<1x16xf32> to vector<16xf32>
      %swap3A_264 = arith.index_cast %scan3A_234 : i32 to index
      %swap3A_265 = arith.constant 48 : index
      %swap3A_266 = tpu.vector_load %arg13[%swap3A_264, %swap3A_265] {strides = array<i32>} : memref<128x128xf32, #tpu.memory_space<vmem>>, vector<1x16xf32>,
      %swap3A_267 = vector.shape_cast %swap3A_266 : vector<1x16xf32> to vector<16xf32>
      %swap3A_268 = vector.shape_cast %get3A_263 : vector<16xf32> to vector<1x16xf32>
      tpu.vector_store %arg13[%swap3A_264, %swap3A_265], %swap3A_268 {add = true, strides = array<i32>} : memref<128x128xf32, #tpu.memory_space<vmem>>, vector<1x16xf32>,
      %get3A_269 = arith.index_cast %scan3A_234 : i32 to index
      %get3A_270 = arith.constant 64 : index
      %get3A_271 = tpu.vector_load %arg14[%get3A_269, %get3A_270] {strides = array<i32>} : memref<128x128xf32, #tpu.memory_space<vmem>>, vector<1x16xf32>,
      %get3A_272 = vector.shape_cast %get3A_271 : vector<1x16xf32> to vector<16xf32>
      %swap3A_273 = arith.index_cast %scan3A_234 : i32 to index
      %swap3A_274 = arith.constant 64 : index
      %swap3A_275 = tpu.vector_load %arg13[%swap3A_273, %swap3A_274] {strides = array<i32>} : memref<128x128xf32, #tpu.memory_space<vmem>>, vector<1x16xf32>,
      %swap3A_276 = vector.shape_cast %swap3A_275 : vector<1x16xf32> to vector<16xf32>
      %swap3A_277 = vector.shape_cast %get3A_272 : vector<16xf32> to vector<1x16xf32>
      tpu.vector_store %arg13[%swap3A_273, %swap3A_274], %swap3A_277 {add = true, strides = array<i32>} : memref<128x128xf32, #tpu.memory_space<vmem>>, vector<1x16xf32>,
      %get3A_278 = arith.index_cast %scan3A_234 : i32 to index
      %get3A_279 = arith.constant 80 : index
      %get3A_280 = tpu.vector_load %arg14[%get3A_278, %get3A_279] {strides = array<i32>} : memref<128x128xf32, #tpu.memory_space<vmem>>, vector<1x16xf32>,
      %get3A_281 = vector.shape_cast %get3A_280 : vector<1x16xf32> to vector<16xf32>
      %swap3A_282 = arith.index_cast %scan3A_234 : i32 to index
      %swap3A_283 = arith.constant 80 : index
      %swap3A_284 = tpu.vector_load %arg13[%swap3A_282, %swap3A_283] {strides = array<i32>} : memref<128x128xf32, #tpu.memory_space<vmem>>, vector<1x16xf32>,
      %swap3A_285 = vector.shape_cast %swap3A_284 : vector<1x16xf32> to vector<16xf32>
      %swap3A_286 = vector.shape_cast %get3A_281 : vector<16xf32> to vector<1x16xf32>
      tpu.vector_store %arg13[%swap3A_282, %swap3A_283], %swap3A_286 {add = true, strides = array<i32>} : memref<128x128xf32, #tpu.memory_space<vmem>>, vector<1x16xf32>,
      %get3A_287 = arith.index_cast %scan3A_234 : i32 to index
      %get3A_288 = arith.constant 96 : index
      %get3A_289 = tpu.vector_load %arg14[%get3A_287, %get3A_288] {strides = array<i32>} : memref<128x128xf32, #tpu.memory_space<vmem>>, vector<1x16xf32>,
      %get3A_290 = vector.shape_cast %get3A_289 : vector<1x16xf32> to vector<16xf32>
      %swap3A_291 = arith.index_cast %scan3A_234 : i32 to index
      %swap3A_292 = arith.constant 96 : index
      %swap3A_293 = tpu.vector_load %arg13[%swap3A_291, %swap3A_292] {strides = array<i32>} : memref<128x128xf32, #tpu.memory_space<vmem>>, vector<1x16xf32>,
      %swap3A_294 = vector.shape_cast %swap3A_293 : vector<1x16xf32> to vector<16xf32>
      %swap3A_295 = vector.shape_cast %get3A_290 : vector<16xf32> to vector<1x16xf32>
      tpu.vector_store %arg13[%swap3A_291, %swap3A_292], %swap3A_295 {add = true, strides = array<i32>} : memref<128x128xf32, #tpu.memory_space<vmem>>, vector<1x16xf32>,
      %get3A_296 = arith.index_cast %scan3A_234 : i32 to index
      %get3A_297 = arith.constant 112 : index
      %get3A_298 = tpu.vector_load %arg14[%get3A_296, %get3A_297] {strides = array<i32>} : memref<128x128xf32, #tpu.memory_space<vmem>>, vector<1x16xf32>,
      %get3A_299 = vector.shape_cast %get3A_298 : vector<1x16xf32> to vector<16xf32>
      %swap3A_300 = arith.index_cast %scan3A_234 : i32 to index
      %swap3A_301 = arith.constant 112 : index
      %swap3A_302 = tpu.vector_load %arg13[%swap3A_300, %swap3A_301] {strides = array<i32>} : memref<128x128xf32, #tpu.memory_space<vmem>>, vector<1x16xf32>,
      %swap3A_303 = vector.shape_cast %swap3A_302 : vector<1x16xf32> to vector<16xf32>
      %swap3A_304 = vector.shape_cast %get3A_299 : vector<16xf32> to vector<1x16xf32>
      tpu.vector_store %arg13[%swap3A_300, %swap3A_301], %swap3A_304 {add = true, strides = array<i32>} : memref<128x128xf32, #tpu.memory_space<vmem>>, vector<1x16xf32>,
      %scan3A_305 = arith.constant 1 : i32
      %scan3A_306 = arith.addi %scan3A_234, %scan3A_305 : i32
      %get3A_307 = arith.index_cast %scan3A_306 : i32 to index
      %get3A_308 = arith.constant 0 : index
      %get3A_309 = tpu.vector_load %arg14[%get3A_307, %get3A_308] {strides = array<i32>} : memref<128x128xf32, #tpu.memory_space<vmem>>, vector<1x16xf32>,
      %get3A_310 = vector.shape_cast %get3A_309 : vector<1x16xf32> to vector<16xf32>
      %swap3A_311 = arith.index_cast %scan3A_306 : i32 to index
      %swap3A_312 = arith.constant 0 : index
      %swap3A_313 = tpu.vector_load %arg13[%swap3A_311, %swap3A_312] {strides = array<i32>} : memref<128x128xf32, #tpu.memory_space<vmem>>, vector<1x16xf32>,
      %swap3A_314 = vector.shape_cast %swap3A_313 : vector<1x16xf32> to vector<16xf32>
      %swap3A_315 = vector.shape_cast %get3A_310 : vector<16xf32> to vector<1x16xf32>
      tpu.vector_store %arg13[%swap3A_311, %swap3A_312], %swap3A_315 {add = true, strides = array<i32>} : memref<128x128xf32, #tpu.memory_space<vmem>>, vector<1x16xf32>,
      %get3A_316 = arith.index_cast %scan3A_306 : i32 to index
      %get3A_317 = arith.constant 16 : index
      %get3A_318 = tpu.vector_load %arg14[%get3A_316, %get3A_317] {strides = array<i32>} : memref<128x128xf32, #tpu.memory_space<vmem>>, vector<1x16xf32>,
      %get3A_319 = vector.shape_cast %get3A_318 : vector<1x16xf32> to vector<16xf32>
      %swap3A_320 = arith.index_cast %scan3A_306 : i32 to index
      %swap3A_321 = arith.constant 16 : index
      %swap3A_322 = tpu.vector_load %arg13[%swap3A_320, %swap3A_321] {strides = array<i32>} : memref<128x128xf32, #tpu.memory_space<vmem>>, vector<1x16xf32>,
      %swap3A_323 = vector.shape_cast %swap3A_322 : vector<1x16xf32> to vector<16xf32>
      %swap3A_324 = vector.shape_cast %get3A_319 : vector<16xf32> to vector<1x16xf32>
      tpu.vector_store %arg13[%swap3A_320, %swap3A_321], %swap3A_324 {add = true, strides = array<i32>} : memref<128x128xf32, #tpu.memory_space<vmem>>, vector<1x16xf32>,
      %get3A_325 = arith.index_cast %scan3A_306 : i32 to index
      %get3A_326 = arith.constant 32 : index
      %get3A_327 = tpu.vector_load %arg14[%get3A_325, %get3A_326] {strides = array<i32>} : memref<128x128xf32, #tpu.memory_space<vmem>>, vector<1x16xf32>,
      %get3A_328 = vector.shape_cast %get3A_327 : vector<1x16xf32> to vector<16xf32>
      %swap3A_329 = arith.index_cast %scan3A_306 : i32 to index
      %swap3A_330 = arith.constant 32 : index
      %swap3A_331 = tpu.vector_load %arg13[%swap3A_329, %swap3A_330] {strides = array<i32>} : memref<128x128xf32, #tpu.memory_space<vmem>>, vector<1x16xf32>,
      %swap3A_332 = vector.shape_cast %swap3A_331 : vector<1x16xf32> to vector<16xf32>
      %swap3A_333 = vector.shape_cast %get3A_328 : vector<16xf32> to vector<1x16xf32>
      tpu.vector_store %arg13[%swap3A_329, %swap3A_330], %swap3A_333 {add = true, strides = array<i32>} : memref<128x128xf32, #tpu.memory_space<vmem>>, vector<1x16xf32>,
      %get3A_334 = arith.index_cast %scan3A_306 : i32 to index
      %get3A_335 = arith.constant 48 : index
      %get3A_336 = tpu.vector_load %arg14[%get3A_334, %get3A_335] {strides = array<i32>} : memref<128x128xf32, #tpu.memory_space<vmem>>, vector<1x16xf32>,
      %get3A_337 = vector.shape_cast %get3A_336 : vector<1x16xf32> to vector<16xf32>
      %swap3A_338 = arith.index_cast %scan3A_306 : i32 to index
      %swap3A_339 = arith.constant 48 : index
      %swap3A_340 = tpu.vector_load %arg13[%swap3A_338, %swap3A_339] {strides = array<i32>} : memref<128x128xf32, #tpu.memory_space<vmem>>, vector<1x16xf32>,
      %swap3A_341 = vector.shape_cast %swap3A_340 : vector<1x16xf32> to vector<16xf32>
      %swap3A_342 = vector.shape_cast %get3A_337 : vector<16xf32> to vector<1x16xf32>
      tpu.vector_store %arg13[%swap3A_338, %swap3A_339], %swap3A_342 {add = true, strides = array<i32>} : memref<128x128xf32, #tpu.memory_space<vmem>>, vector<1x16xf32>,
      %get3A_343 = arith.index_cast %scan3A_306 : i32 to index
      %get3A_344 = arith.constant 64 : index
      %get3A_345 = tpu.vector_load %arg14[%get3A_343, %get3A_344] {strides = array<i32>} : memref<128x128xf32, #tpu.memory_space<vmem>>, vector<1x16xf32>,
      %get3A_346 = vector.shape_cast %get3A_345 : vector<1x16xf32> to vector<16xf32>
      %swap3A_347 = arith.index_cast %scan3A_306 : i32 to index
      %swap3A_348 = arith.constant 64 : index
      %swap3A_349 = tpu.vector_load %arg13[%swap3A_347, %swap3A_348] {strides = array<i32>} : memref<128x128xf32, #tpu.memory_space<vmem>>, vector<1x16xf32>,
      %swap3A_350 = vector.shape_cast %swap3A_349 : vector<1x16xf32> to vector<16xf32>
      %swap3A_351 = vector.shape_cast %get3A_346 : vector<16xf32> to vector<1x16xf32>
      tpu.vector_store %arg13[%swap3A_347, %swap3A_348], %swap3A_351 {add = true, strides = array<i32>} : memref<128x128xf32, #tpu.memory_space<vmem>>, vector<1x16xf32>,
      %get3A_352 = arith.index_cast %scan3A_306 : i32 to index
      %get3A_353 = arith.constant 80 : index
      %get3A_354 = tpu.vector_load %arg14[%get3A_352, %get3A_353] {strides = array<i32>} : memref<128x128xf32, #tpu.memory_space<vmem>>, vector<1x16xf32>,
      %get3A_355 = vector.shape_cast %get3A_354 : vector<1x16xf32> to vector<16xf32>
      %swap3A_356 = arith.index_cast %scan3A_306 : i32 to index
      %swap3A_357 = arith.constant 80 : index
      %swap3A_358 = tpu.vector_load %arg13[%swap3A_356, %swap3A_357] {strides = array<i32>} : memref<128x128xf32, #tpu.memory_space<vmem>>, vector<1x16xf32>,
      %swap3A_359 = vector.shape_cast %swap3A_358 : vector<1x16xf32> to vector<16xf32>
      %swap3A_360 = vector.shape_cast %get3A_355 : vector<16xf32> to vector<1x16xf32>
      tpu.vector_store %arg13[%swap3A_356, %swap3A_357], %swap3A_360 {add = true, strides = array<i32>} : memref<128x128xf32, #tpu.memory_space<vmem>>, vector<1x16xf32>,
      %get3A_361 = arith.index_cast %scan3A_306 : i32 to index
      %get3A_362 = arith.constant 96 : index
      %get3A_363 = tpu.vector_load %arg14[%get3A_361, %get3A_362] {strides = array<i32>} : memref<128x128xf32, #tpu.memory_space<vmem>>, vector<1x16xf32>,
      %get3A_364 = vector.shape_cast %get3A_363 : vector<1x16xf32> to vector<16xf32>
      %swap3A_365 = arith.index_cast %scan3A_306 : i32 to index
      %swap3A_366 = arith.constant 96 : index
      %swap3A_367 = tpu.vector_load %arg13[%swap3A_365, %swap3A_366] {strides = array<i32>} : memref<128x128xf32, #tpu.memory_space<vmem>>, vector<1x16xf32>,
      %swap3A_368 = vector.shape_cast %swap3A_367 : vector<1x16xf32> to vector<16xf32>
      %swap3A_369 = vector.shape_cast %get3A_364 : vector<16xf32> to vector<1x16xf32>
      tpu.vector_store %arg13[%swap3A_365, %swap3A_366], %swap3A_369 {add = true, strides = array<i32>} : memref<128x128xf32, #tpu.memory_space<vmem>>, vector<1x16xf32>,
      %get3A_370 = arith.index_cast %scan3A_306 : i32 to index
      %get3A_371 = arith.constant 112 : index
      %get3A_372 = tpu.vector_load %arg14[%get3A_370, %get3A_371] {strides = array<i32>} : memref<128x128xf32, #tpu.memory_space<vmem>>, vector<1x16xf32>,
      %get3A_373 = vector.shape_cast %get3A_372 : vector<1x16xf32> to vector<16xf32>
      %swap3A_374 = arith.index_cast %scan3A_306 : i32 to index
      %swap3A_375 = arith.constant 112 : index
      %swap3A_376 = tpu.vector_load %arg13[%swap3A_374, %swap3A_375] {strides = array<i32>} : memref<128x128xf32, #tpu.memory_space<vmem>>, vector<1x16xf32>,
      %swap3A_377 = vector.shape_cast %swap3A_376 : vector<1x16xf32> to vector<16xf32>
      %swap3A_378 = vector.shape_cast %get3A_373 : vector<16xf32> to vector<1x16xf32>
      tpu.vector_store %arg13[%swap3A_374, %swap3A_375], %swap3A_378 {add = true, strides = array<i32>} : memref<128x128xf32, #tpu.memory_space<vmem>>, vector<1x16xf32>,
    }
    %scan3A_131 = arith.constant 128 : i32
    %dma_start3A_132 = arith.constant 2 : i32
    %dma_start3A_133 = arith.constant 0 : i32
    %dma_start3A_134 = tpu.memref_slice %arg10[%dma_start3A_132, %mul3A_2, %dma_start3A_133] : memref<3x4096x128xf32, #tpu.memory_space<hbm>> -> memref<1x128x128xf32, #tpu.memory_space<hbm>>
    %dma_start3A_135 = tpu.memref_squeeze %dma_start3A_134 : memref<1x128x128xf32, #tpu.memory_space<hbm>> -> memref<128x128xf32, #tpu.memory_space<hbm>>
    %dma_start3A_136 = arith.constant 0 : i32
    %dma_start3A_137 = tpu.memref_slice %arg10[%dma_start3A_132, %mul3A_2, %dma_start3A_136] : memref<3x4096x128xf32, #tpu.memory_space<hbm>> -> memref<1x128x128xf32, #tpu.memory_space<hbm>>
    %dma_start3A_138 = tpu.memref_squeeze %dma_start3A_137 : memref<1x128x128xf32, #tpu.memory_space<hbm>> -> memref<128x128xf32, #tpu.memory_space<hbm>>
    tpu.enqueue_dma source(%arg13 : memref<128x128xf32, #tpu.memory_space<vmem>>) target(%dma_start3A_138 : memref<128x128xf32, #tpu.memory_space<hbm>>) target_semaphore(%arg17 : memref<!tpu.dma_semaphore, #tpu.memory_space<semaphore_mem>>)
    %dma_wait3A_139 = arith.constant 2 : i32
    %dma_wait3A_140 = arith.constant 0 : i32
    %dma_wait3A_141 = arith.constant 0 : i32
    %dma_wait3A_142 = arith.constant 0 : i32
    %dma_wait3A_143 = tpu.memref_slice %arg12[%dma_wait3A_140, %dma_wait3A_141, %dma_wait3A_142] : memref<2x128x128xf32, #tpu.memory_space<vmem>> -> memref<1x128x128xf32, #tpu.memory_space<vmem>>
    %dma_wait3A_144 = tpu.memref_squeeze %dma_wait3A_143 : memref<1x128x128xf32, #tpu.memory_space<vmem>> -> memref<128x128xf32, #tpu.memory_space<vmem>>
    %dma_wait3A_145 = arith.constant 0 : i32
    %dma_wait3A_146 = tpu.memref_slice %arg11[%dma_wait3A_139, %dma_wait3A_145] : memref<4x128xi32, #tpu.memory_space<vmem>> -> memref<1x128xi32, #tpu.memory_space<vmem>>
    %dma_wait3A_147 = tpu.memref_squeeze %dma_wait3A_146 : memref<1x128xi32, #tpu.memory_space<vmem>> -> memref<128xi32, #tpu.memory_space<vmem>>
    %dma_wait3A_148 = arith.constant 0 : i32
    %dma_wait3A_149 = arith.constant 0 : i32
    %dma_wait3A_150 = tpu.memref_slice %arg6[%dma_wait3A_148, %dma_wait3A_149] : memref<100000x128xf32, #tpu.memory_space<hbm>> -> memref<100000x128xf32, #tpu.memory_space<hbm>>
    tpu.wait_indirect_dma semaphore(%arg16 : memref<!tpu.dma_semaphore, #tpu.memory_space<semaphore_mem>>) src(%dma_wait3A_150 : memref<100000x128xf32, #tpu.memory_space<hbm>>) dst(%dma_wait3A_144 : memref<128x128xf32, #tpu.memory_space<vmem>>)
    %dma_start3A_151 = arith.constant 0 : i32
    %dma_start3A_152 = arith.constant 0 : i32
    %dma_start3A_153 = arith.constant 0 : i32
    %dma_start3A_154 = arith.constant 0 : i32
    %dma_start3A_155 = tpu.memref_slice %arg12[%dma_start3A_151, %dma_start3A_153, %dma_start3A_154] : memref<2x128x128xf32, #tpu.memory_space<vmem>> -> memref<1x128x128xf32, #tpu.memory_space<vmem>>
    %dma_start3A_156 = tpu.memref_squeeze %dma_start3A_155 : memref<1x128x128xf32, #tpu.memory_space<vmem>> -> memref<128x128xf32, #tpu.memory_space<vmem>>
    %dma_start3A_157 = arith.constant 0 : i32
    %dma_start3A_158 = tpu.memref_slice %arg10[%dma_start3A_152, %mul3A_2, %dma_start3A_157] : memref<3x4096x128xf32, #tpu.memory_space<hbm>> -> memref<1x128x128xf32, #tpu.memory_space<hbm>>
    %dma_start3A_159 = tpu.memref_squeeze %dma_start3A_158 : memref<1x128x128xf32, #tpu.memory_space<hbm>> -> memref<128x128xf32, #tpu.memory_space<hbm>>
    %dma_start3A_160 = arith.constant 0 : i32
    %dma_start3A_161 = tpu.memref_slice %arg10[%dma_start3A_152, %mul3A_2, %dma_start3A_160] : memref<3x4096x128xf32, #tpu.memory_space<hbm>> -> memref<1x128x128xf32, #tpu.memory_space<hbm>>
    %dma_start3A_162 = tpu.memref_squeeze %dma_start3A_161 : memref<1x128x128xf32, #tpu.memory_space<hbm>> -> memref<128x128xf32, #tpu.memory_space<hbm>>
    %dma_start3A_163 = arith.constant 0 : i32
    %dma_start3A_164 = arith.constant 0 : i32
    %dma_start3A_165 = tpu.memref_slice %arg12[%dma_start3A_151, %dma_start3A_163, %dma_start3A_164] : memref<2x128x128xf32, #tpu.memory_space<vmem>> -> memref<1x128x128xf32, #tpu.memory_space<vmem>>
    %dma_start3A_166 = tpu.memref_squeeze %dma_start3A_165 : memref<1x128x128xf32, #tpu.memory_space<vmem>> -> memref<128x128xf32, #tpu.memory_space<vmem>>
    tpu.enqueue_dma source(%dma_start3A_166 : memref<128x128xf32, #tpu.memory_space<vmem>>) target(%dma_start3A_162 : memref<128x128xf32, #tpu.memory_space<hbm>>) target_semaphore(%arg17 : memref<!tpu.dma_semaphore, #tpu.memory_space<semaphore_mem>>)
    %dma_wait3A_167 = arith.constant 3 : i32
    %dma_wait3A_168 = arith.constant 1 : i32
    %dma_wait3A_169 = arith.constant 0 : i32
    %dma_wait3A_170 = arith.constant 0 : i32
    %dma_wait3A_171 = tpu.memref_slice %arg12[%dma_wait3A_168, %dma_wait3A_169, %dma_wait3A_170] : memref<2x128x128xf32, #tpu.memory_space<vmem>> -> memref<1x128x128xf32, #tpu.memory_space<vmem>>
    %dma_wait3A_172 = tpu.memref_squeeze %dma_wait3A_171 : memref<1x128x128xf32, #tpu.memory_space<vmem>> -> memref<128x128xf32, #tpu.memory_space<vmem>>
    %dma_wait3A_173 = arith.constant 0 : i32
    %dma_wait3A_174 = tpu.memref_slice %arg11[%dma_wait3A_167, %dma_wait3A_173] : memref<4x128xi32, #tpu.memory_space<vmem>> -> memref<1x128xi32, #tpu.memory_space<vmem>>
    %dma_wait3A_175 = tpu.memref_squeeze %dma_wait3A_174 : memref<1x128xi32, #tpu.memory_space<vmem>> -> memref<128xi32, #tpu.memory_space<vmem>>
    %dma_wait3A_176 = arith.constant 0 : i32
    %dma_wait3A_177 = arith.constant 0 : i32
    %dma_wait3A_178 = tpu.memref_slice %arg7[%dma_wait3A_176, %dma_wait3A_177] : memref<100000x128xf32, #tpu.memory_space<hbm>> -> memref<100000x128xf32, #tpu.memory_space<hbm>>
    tpu.wait_indirect_dma semaphore(%arg16 : memref<!tpu.dma_semaphore, #tpu.memory_space<semaphore_mem>>) src(%dma_wait3A_178 : memref<100000x128xf32, #tpu.memory_space<hbm>>) dst(%dma_wait3A_172 : memref<128x128xf32, #tpu.memory_space<vmem>>)
    %dma_start3A_179 = arith.constant 1 : i32
    %dma_start3A_180 = arith.constant 1 : i32
    %dma_start3A_181 = arith.constant 0 : i32
    %dma_start3A_182 = arith.constant 0 : i32
    %dma_start3A_183 = tpu.memref_slice %arg12[%dma_start3A_179, %dma_start3A_181, %dma_start3A_182] : memref<2x128x128xf32, #tpu.memory_space<vmem>> -> memref<1x128x128xf32, #tpu.memory_space<vmem>>
    %dma_start3A_184 = tpu.memref_squeeze %dma_start3A_183 : memref<1x128x128xf32, #tpu.memory_space<vmem>> -> memref<128x128xf32, #tpu.memory_space<vmem>>
    %dma_start3A_185 = arith.constant 0 : i32
    %dma_start3A_186 = tpu.memref_slice %arg10[%dma_start3A_180, %mul3A_2, %dma_start3A_185] : memref<3x4096x128xf32, #tpu.memory_space<hbm>> -> memref<1x128x128xf32, #tpu.memory_space<hbm>>
    %dma_start3A_187 = tpu.memref_squeeze %dma_start3A_186 : memref<1x128x128xf32, #tpu.memory_space<hbm>> -> memref<128x128xf32, #tpu.memory_space<hbm>>
    %dma_start3A_188 = arith.constant 0 : i32
    %dma_start3A_189 = tpu.memref_slice %arg10[%dma_start3A_180, %mul3A_2, %dma_start3A_188] : memref<3x4096x128xf32, #tpu.memory_space<hbm>> -> memref<1x128x128xf32, #tpu.memory_space<hbm>>
    %dma_start3A_190 = tpu.memref_squeeze %dma_start3A_189 : memref<1x128x128xf32, #tpu.memory_space<hbm>> -> memref<128x128xf32, #tpu.memory_space<hbm>>
    %dma_start3A_191 = arith.constant 0 : i32
    %dma_start3A_192 = arith.constant 0 : i32
    %dma_start3A_193 = tpu.memref_slice %arg12[%dma_start3A_179, %dma_start3A_191, %dma_start3A_192] : memref<2x128x128xf32, #tpu.memory_space<vmem>> -> memref<1x128x128xf32, #tpu.memory_space<vmem>>
    %dma_start3A_194 = tpu.memref_squeeze %dma_start3A_193 : memref<1x128x128xf32, #tpu.memory_space<vmem>> -> memref<128x128xf32, #tpu.memory_space<vmem>>
    tpu.enqueue_dma source(%dma_start3A_194 : memref<128x128xf32, #tpu.memory_space<vmem>>) target(%dma_start3A_190 : memref<128x128xf32, #tpu.memory_space<hbm>>) target_semaphore(%arg17 : memref<!tpu.dma_semaphore, #tpu.memory_space<semaphore_mem>>)
    %dma_wait3A_195 = arith.constant 2 : i32
    %dma_wait3A_196 = arith.constant 0 : i32
    %dma_wait3A_197 = tpu.memref_slice %arg10[%dma_wait3A_195, %mul3A_2, %dma_wait3A_196] : memref<3x4096x128xf32, #tpu.memory_space<hbm>> -> memref<1x128x128xf32, #tpu.memory_space<hbm>>
    %dma_wait3A_198 = tpu.memref_squeeze %dma_wait3A_197 : memref<1x128x128xf32, #tpu.memory_space<hbm>> -> memref<128x128xf32, #tpu.memory_space<hbm>>
    %dma_wait3A_199 = arith.constant 0 : i32
    %dma_wait3A_200 = tpu.memref_slice %arg10[%dma_wait3A_195, %mul3A_2, %dma_wait3A_199] : memref<3x4096x128xf32, #tpu.memory_space<hbm>> -> memref<1x128x128xf32, #tpu.memory_space<hbm>>
    %dma_wait3A_201 = tpu.memref_squeeze %dma_wait3A_200 : memref<1x128x128xf32, #tpu.memory_space<hbm>> -> memref<128x128xf32, #tpu.memory_space<hbm>>
    tpu.wait_dma2 semaphore(%arg17 : memref<!tpu.dma_semaphore, #tpu.memory_space<semaphore_mem>>) src(%arg13 : memref<128x128xf32, #tpu.memory_space<vmem>>) dst(%dma_wait3A_201 : memref<128x128xf32, #tpu.memory_space<hbm>>)
    %dma_wait3A_202 = arith.constant 0 : i32
    %dma_wait3A_203 = arith.constant 0 : i32
    %dma_wait3A_204 = arith.constant 0 : i32
    %dma_wait3A_205 = arith.constant 0 : i32
    %dma_wait3A_206 = tpu.memref_slice %arg12[%dma_wait3A_202, %dma_wait3A_204, %dma_wait3A_205] : memref<2x128x128xf32, #tpu.memory_space<vmem>> -> memref<1x128x128xf32, #tpu.memory_space<vmem>>
    %dma_wait3A_207 = tpu.memref_squeeze %dma_wait3A_206 : memref<1x128x128xf32, #tpu.memory_space<vmem>> -> memref<128x128xf32, #tpu.memory_space<vmem>>
    %dma_wait3A_208 = arith.constant 0 : i32
    %dma_wait3A_209 = tpu.memref_slice %arg10[%dma_wait3A_203, %mul3A_2, %dma_wait3A_208] : memref<3x4096x128xf32, #tpu.memory_space<hbm>> -> memref<1x128x128xf32, #tpu.memory_space<hbm>>
    %dma_wait3A_210 = tpu.memref_squeeze %dma_wait3A_209 : memref<1x128x128xf32, #tpu.memory_space<hbm>> -> memref<128x128xf32, #tpu.memory_space<hbm>>
    %dma_wait3A_211 = arith.constant 0 : i32
    %dma_wait3A_212 = tpu.memref_slice %arg10[%dma_wait3A_203, %mul3A_2, %dma_wait3A_211] : memref<3x4096x128xf32, #tpu.memory_space<hbm>> -> memref<1x128x128xf32, #tpu.memory_space<hbm>>
    %dma_wait3A_213 = tpu.memref_squeeze %dma_wait3A_212 : memref<1x128x128xf32, #tpu.memory_space<hbm>> -> memref<128x128xf32, #tpu.memory_space<hbm>>
    %dma_wait3A_214 = arith.constant 0 : i32
    %dma_wait3A_215 = arith.constant 0 : i32
    %dma_wait3A_216 = tpu.memref_slice %arg12[%dma_wait3A_202, %dma_wait3A_214, %dma_wait3A_215] : memref<2x128x128xf32, #tpu.memory_space<vmem>> -> memref<1x128x128xf32, #tpu.memory_space<vmem>>
    %dma_wait3A_217 = tpu.memref_squeeze %dma_wait3A_216 : memref<1x128x128xf32, #tpu.memory_space<vmem>> -> memref<128x128xf32, #tpu.memory_space<vmem>>
    tpu.wait_dma2 semaphore(%arg17 : memref<!tpu.dma_semaphore, #tpu.memory_space<semaphore_mem>>) src(%dma_wait3A_217 : memref<128x128xf32, #tpu.memory_space<vmem>>) dst(%dma_wait3A_213 : memref<128x128xf32, #tpu.memory_space<hbm>>)
    %dma_wait3A_218 = arith.constant 1 : i32
    %dma_wait3A_219 = arith.constant 1 : i32
    %dma_wait3A_220 = arith.constant 0 : i32
    %dma_wait3A_221 = arith.constant 0 : i32
    %dma_wait3A_222 = tpu.memref_slice %arg12[%dma_wait3A_218, %dma_wait3A_220, %dma_wait3A_221] : memref<2x128x128xf32, #tpu.memory_space<vmem>> -> memref<1x128x128xf32, #tpu.memory_space<vmem>>
    %dma_wait3A_223 = tpu.memref_squeeze %dma_wait3A_222 : memref<1x128x128xf32, #tpu.memory_space<vmem>> -> memref<128x128xf32, #tpu.memory_space<vmem>>
    %dma_wait3A_224 = arith.constant 0 : i32
    %dma_wait3A_225 = tpu.memref_slice %arg10[%dma_wait3A_219, %mul3A_2, %dma_wait3A_224] : memref<3x4096x128xf32, #tpu.memory_space<hbm>> -> memref<1x128x128xf32, #tpu.memory_space<hbm>>
    %dma_wait3A_226 = tpu.memref_squeeze %dma_wait3A_225 : memref<1x128x128xf32, #tpu.memory_space<hbm>> -> memref<128x128xf32, #tpu.memory_space<hbm>>
    %dma_wait3A_227 = arith.constant 0 : i32
    %dma_wait3A_228 = tpu.memref_slice %arg10[%dma_wait3A_219, %mul3A_2, %dma_wait3A_227] : memref<3x4096x128xf32, #tpu.memory_space<hbm>> -> memref<1x128x128xf32, #tpu.memory_space<hbm>>
    %dma_wait3A_229 = tpu.memref_squeeze %dma_wait3A_228 : memref<1x128x128xf32, #tpu.memory_space<hbm>> -> memref<128x128xf32, #tpu.memory_space<hbm>>
    %dma_wait3A_230 = arith.constant 0 : i32
    %dma_wait3A_231 = arith.constant 0 : i32
    %dma_wait3A_232 = tpu.memref_slice %arg12[%dma_wait3A_218, %dma_wait3A_230, %dma_wait3A_231] : memref<2x128x128xf32, #tpu.memory_space<vmem>> -> memref<1x128x128xf32, #tpu.memory_space<vmem>>
    %dma_wait3A_233 = tpu.memref_squeeze %dma_wait3A_232 : memref<1x128x128xf32, #tpu.memory_space<vmem>> -> memref<128x128xf32, #tpu.memory_space<vmem>>
    tpu.wait_dma2 semaphore(%arg17 : memref<!tpu.dma_semaphore, #tpu.memory_space<semaphore_mem>>) src(%dma_wait3A_233 : memref<128x128xf32, #tpu.memory_space<vmem>>) dst(%dma_wait3A_229 : memref<128x128xf32, #tpu.memory_space<hbm>>)
    return
  }
}

#map = affine_map<(d0, d1) -> (0)>
#map1 = affine_map<(d0, d1) -> (0, 0)>
#map2 = affine_map<(d0, d1) -> (0, 0, 0)>
module attributes {stable_mosaic.version = 14 : i64} {
  func.func @_sc_gather_body(%arg0: i32, %arg1: i32, %arg2: memref<16384xi32, #tpu.memory_space<hbm>>, %arg3: memref<16384xi32, #tpu.memory_space<hbm>>, %arg4: memref<16384xi32, #tpu.memory_space<hbm>>, %arg5: memref<16384xi32, #tpu.memory_space<hbm>>, %arg6: memref<100000x128xf32, #tpu.memory_space<hbm>>, %arg7: memref<100000x128xf32, #tpu.memory_space<hbm>>, %arg8: memref<1000x128xf32, #tpu.memory_space<hbm>>, %arg9: memref<1000x128xf32, #tpu.memory_space<hbm>>, %arg10: memref<3x4096x128xf32, #tpu.memory_space<hbm>>, %arg11: memref<4x128xi32, #tpu.memory_space<vmem>>, %arg12: memref<2x128x128xf32, #tpu.memory_space<vmem>>, %arg13: memref<128x128xf32, #tpu.memory_space<vmem>>, %arg14: memref<128x128xf32, #tpu.memory_space<vmem>>, %arg15: memref<!tpu.dma_semaphore, #tpu.memory_space<semaphore_mem>>, %arg16: memref<!tpu.dma_semaphore, #tpu.memory_space<semaphore_mem>>, %arg17: memref<!tpu.dma_semaphore, #tpu.memory_space<semaphore_mem>>) attributes {dimension_semantics = [#tpu.dimension_semantics<core_parallel>, #tpu.dimension_semantics<subcore_parallel>], iteration_bounds = array<i64: 2, 16>, scalar_prefetch = 0 : i64, scratch_operands = 7 : i64, tpu.core_type = #tpu.core_type<sc_vector_subcore>, window_params = [{transform_indices = #map}, {transform_indices = #map}, {transform_indices = #map}, {transform_indices = #map}, {transform_indices = #map1}, {transform_indices = #map1}, {transform_indices = #map1}, {transform_indices = #map1}, {transform_indices = #map2}]} {
    %mul3A = arith.constant 2 : i32
    %mul3A_0 = arith.muli %arg1, %mul3A : i32
    %add3A = arith.addi %mul3A_0, %arg0 : i32
    %mul3A_1 = arith.constant 128 : i32
    %mul3A_2 = arith.muli %add3A, %mul3A_1 : i32
    %add3A_3 = arith.constant 0 : i32
    %add3A_4 = arith.addi %add3A_3, %mul3A_2 : i32
    %dma_start3A = arith.constant 0 : i32
    %dma_start3A_5 = arith.constant 0 : i32
    %dma_start3A_6 = tpu.memref_slice %arg11[%dma_start3A, %dma_start3A_5] : memref<4x128xi32, #tpu.memory_space<vmem>> -> memref<1x128xi32, #tpu.memory_space<vmem>>
    %dma_start3A_7 = tpu.memref_squeeze %dma_start3A_6 : memref<1x128xi32, #tpu.memory_space<vmem>> -> memref<128xi32, #tpu.memory_space<vmem>>
    %dma_start3A_8 = tpu.memref_slice %arg3[%add3A_4] : memref<16384xi32, #tpu.memory_space<hbm>> -> memref<128xi32, #tpu.memory_space<hbm>>
    %dma_start3A_9 = arith.constant 0 : i32
    %dma_start3A_10 = tpu.memref_slice %arg11[%dma_start3A, %dma_start3A_9] : memref<4x128xi32, #tpu.memory_space<vmem>> -> memref<1x128xi32, #tpu.memory_space<vmem>>
    %dma_start3A_11 = tpu.memref_squeeze %dma_start3A_10 : memref<1x128xi32, #tpu.memory_space<vmem>> -> memref<128xi32, #tpu.memory_space<vmem>>
    %dma_start3A_12 = tpu.memref_slice %arg3[%add3A_4] : memref<16384xi32, #tpu.memory_space<hbm>> -> memref<128xi32, #tpu.memory_space<hbm>>
    tpu.enqueue_dma source(%dma_start3A_12 : memref<128xi32, #tpu.memory_space<hbm>>) target(%dma_start3A_11 : memref<128xi32, #tpu.memory_space<vmem>>) target_semaphore(%arg15 : memref<!tpu.dma_semaphore, #tpu.memory_space<semaphore_mem>>)
    %dma_start3A_13 = arith.constant 1 : i32
    %dma_start3A_14 = arith.constant 0 : i32
    %dma_start3A_15 = tpu.memref_slice %arg11[%dma_start3A_13, %dma_start3A_14] : memref<4x128xi32, #tpu.memory_space<vmem>> -> memref<1x128xi32, #tpu.memory_space<vmem>>
    %dma_start3A_16 = tpu.memref_squeeze %dma_start3A_15 : memref<1x128xi32, #tpu.memory_space<vmem>> -> memref<128xi32, #tpu.memory_space<vmem>>
    %dma_start3A_17 = tpu.memref_slice %arg4[%add3A_4] : memref<16384xi32, #tpu.memory_space<hbm>> -> memref<128xi32, #tpu.memory_space<hbm>>
    %dma_start3A_18 = arith.constant 0 : i32
    %dma_start3A_19 = tpu.memref_slice %arg11[%dma_start3A_13, %dma_start3A_18] : memref<4x128xi32, #tpu.memory_space<vmem>> -> memref<1x128xi32, #tpu.memory_space<vmem>>
    %dma_start3A_20 = tpu.memref_squeeze %dma_start3A_19 : memref<1x128xi32, #tpu.memory_space<vmem>> -> memref<128xi32, #tpu.memory_space<vmem>>
    %dma_start3A_21 = tpu.memref_slice %arg4[%add3A_4] : memref<16384xi32, #tpu.memory_space<hbm>> -> memref<128xi32, #tpu.memory_space<hbm>>
    tpu.enqueue_dma source(%dma_start3A_21 : memref<128xi32, #tpu.memory_space<hbm>>) target(%dma_start3A_20 : memref<128xi32, #tpu.memory_space<vmem>>) target_semaphore(%arg15 : memref<!tpu.dma_semaphore, #tpu.memory_space<semaphore_mem>>)
    %dma_start3A_22 = arith.constant 2 : i32
    %dma_start3A_23 = arith.constant 0 : i32
    %dma_start3A_24 = tpu.memref_slice %arg11[%dma_start3A_22, %dma_start3A_23] : memref<4x128xi32, #tpu.memory_space<vmem>> -> memref<1x128xi32, #tpu.memory_space<vmem>>
    %dma_start3A_25 = tpu.memref_squeeze %dma_start3A_24 : memref<1x128xi32, #tpu.memory_space<vmem>> -> memref<128xi32, #tpu.memory_space<vmem>>
    %dma_start3A_26 = tpu.memref_slice %arg2[%add3A_4] : memref<16384xi32, #tpu.memory_space<hbm>> -> memref<128xi32, #tpu.memory_space<hbm>>
    %dma_start3A_27 = arith.constant 0 : i32
    %dma_start3A_28 = tpu.memref_slice %arg11[%dma_start3A_22, %dma_start3A_27] : memref<4x128xi32, #tpu.memory_space<vmem>> -> memref<1x128xi32, #tpu.memory_space<vmem>>
    %dma_start3A_29 = tpu.memref_squeeze %dma_start3A_28 : memref<1x128xi32, #tpu.memory_space<vmem>> -> memref<128xi32, #tpu.memory_space<vmem>>
    %dma_start3A_30 = tpu.memref_slice %arg2[%add3A_4] : memref<16384xi32, #tpu.memory_space<hbm>> -> memref<128xi32, #tpu.memory_space<hbm>>
    tpu.enqueue_dma source(%dma_start3A_30 : memref<128xi32, #tpu.memory_space<hbm>>) target(%dma_start3A_29 : memref<128xi32, #tpu.memory_space<vmem>>) target_semaphore(%arg15 : memref<!tpu.dma_semaphore, #tpu.memory_space<semaphore_mem>>)
    %dma_start3A_31 = arith.constant 3 : i32
    %dma_start3A_32 = arith.constant 0 : i32
    %dma_start3A_33 = tpu.memref_slice %arg11[%dma_start3A_31, %dma_start3A_32] : memref<4x128xi32, #tpu.memory_space<vmem>> -> memref<1x128xi32, #tpu.memory_space<vmem>>
    %dma_start3A_34 = tpu.memref_squeeze %dma_start3A_33 : memref<1x128xi32, #tpu.memory_space<vmem>> -> memref<128xi32, #tpu.memory_space<vmem>>
    %dma_start3A_35 = tpu.memref_slice %arg5[%add3A_4] : memref<16384xi32, #tpu.memory_space<hbm>> -> memref<128xi32, #tpu.memory_space<hbm>>
    %dma_start3A_36 = arith.constant 0 : i32
    %dma_start3A_37 = tpu.memref_slice %arg11[%dma_start3A_31, %dma_start3A_36] : memref<4x128xi32, #tpu.memory_space<vmem>> -> memref<1x128xi32, #tpu.memory_space<vmem>>
    %dma_start3A_38 = tpu.memref_squeeze %dma_start3A_37 : memref<1x128xi32, #tpu.memory_space<vmem>> -> memref<128xi32, #tpu.memory_space<vmem>>
    %dma_start3A_39 = tpu.memref_slice %arg5[%add3A_4] : memref<16384xi32, #tpu.memory_space<hbm>> -> memref<128xi32, #tpu.memory_space<hbm>>
    tpu.enqueue_dma source(%dma_start3A_39 : memref<128xi32, #tpu.memory_space<hbm>>) target(%dma_start3A_38 : memref<128xi32, #tpu.memory_space<vmem>>) target_semaphore(%arg15 : memref<!tpu.dma_semaphore, #tpu.memory_space<semaphore_mem>>)
    %dma_wait3A = arith.constant 0 : i32
    %dma_wait3A_40 = arith.constant 0 : i32
    %dma_wait3A_41 = tpu.memref_slice %arg11[%dma_wait3A, %dma_wait3A_40] : memref<4x128xi32, #tpu.memory_space<vmem>> -> memref<1x128xi32, #tpu.memory_space<vmem>>
    %dma_wait3A_42 = tpu.memref_squeeze %dma_wait3A_41 : memref<1x128xi32, #tpu.memory_space<vmem>> -> memref<128xi32, #tpu.memory_space<vmem>>
    %dma_wait3A_43 = tpu.memref_slice %arg3[%add3A_4] : memref<16384xi32, #tpu.memory_space<hbm>> -> memref<128xi32, #tpu.memory_space<hbm>>
    %dma_wait3A_44 = arith.constant 0 : i32
    %dma_wait3A_45 = tpu.memref_slice %arg11[%dma_wait3A, %dma_wait3A_44] : memref<4x128xi32, #tpu.memory_space<vmem>> -> memref<1x128xi32, #tpu.memory_space<vmem>>
    %dma_wait3A_46 = tpu.memref_squeeze %dma_wait3A_45 : memref<1x128xi32, #tpu.memory_space<vmem>> -> memref<128xi32, #tpu.memory_space<vmem>>
    %dma_wait3A_47 = tpu.memref_slice %arg3[%add3A_4] : memref<16384xi32, #tpu.memory_space<hbm>> -> memref<128xi32, #tpu.memory_space<hbm>>
    tpu.wait_dma2 semaphore(%arg15 : memref<!tpu.dma_semaphore, #tpu.memory_space<semaphore_mem>>) src(%dma_wait3A_47 : memref<128xi32, #tpu.memory_space<hbm>>) dst(%dma_wait3A_46 : memref<128xi32, #tpu.memory_space<vmem>>)
    %dma_wait3A_48 = arith.constant 1 : i32
    %dma_wait3A_49 = arith.constant 0 : i32
    %dma_wait3A_50 = tpu.memref_slice %arg11[%dma_wait3A_48, %dma_wait3A_49] : memref<4x128xi32, #tpu.memory_space<vmem>> -> memref<1x128xi32, #tpu.memory_space<vmem>>
    %dma_wait3A_51 = tpu.memref_squeeze %dma_wait3A_50 : memref<1x128xi32, #tpu.memory_space<vmem>> -> memref<128xi32, #tpu.memory_space<vmem>>
    %dma_wait3A_52 = tpu.memref_slice %arg4[%add3A_4] : memref<16384xi32, #tpu.memory_space<hbm>> -> memref<128xi32, #tpu.memory_space<hbm>>
    %dma_wait3A_53 = arith.constant 0 : i32
    %dma_wait3A_54 = tpu.memref_slice %arg11[%dma_wait3A_48, %dma_wait3A_53] : memref<4x128xi32, #tpu.memory_space<vmem>> -> memref<1x128xi32, #tpu.memory_space<vmem>>
    %dma_wait3A_55 = tpu.memref_squeeze %dma_wait3A_54 : memref<1x128xi32, #tpu.memory_space<vmem>> -> memref<128xi32, #tpu.memory_space<vmem>>
    %dma_wait3A_56 = tpu.memref_slice %arg4[%add3A_4] : memref<16384xi32, #tpu.memory_space<hbm>> -> memref<128xi32, #tpu.memory_space<hbm>>
    tpu.wait_dma2 semaphore(%arg15 : memref<!tpu.dma_semaphore, #tpu.memory_space<semaphore_mem>>) src(%dma_wait3A_56 : memref<128xi32, #tpu.memory_space<hbm>>) dst(%dma_wait3A_55 : memref<128xi32, #tpu.memory_space<vmem>>)
    %dma_wait3A_57 = arith.constant 2 : i32
    %dma_wait3A_58 = arith.constant 0 : i32
    %dma_wait3A_59 = tpu.memref_slice %arg11[%dma_wait3A_57, %dma_wait3A_58] : memref<4x128xi32, #tpu.memory_space<vmem>> -> memref<1x128xi32, #tpu.memory_space<vmem>>
    %dma_wait3A_60 = tpu.memref_squeeze %dma_wait3A_59 : memref<1x128xi32, #tpu.memory_space<vmem>> -> memref<128xi32, #tpu.memory_space<vmem>>
    %dma_wait3A_61 = tpu.memref_slice %arg2[%add3A_4] : memref<16384xi32, #tpu.memory_space<hbm>> -> memref<128xi32, #tpu.memory_space<hbm>>
    %dma_wait3A_62 = arith.constant 0 : i32
    %dma_wait3A_63 = tpu.memref_slice %arg11[%dma_wait3A_57, %dma_wait3A_62] : memref<4x128xi32, #tpu.memory_space<vmem>> -> memref<1x128xi32, #tpu.memory_space<vmem>>
    %dma_wait3A_64 = tpu.memref_squeeze %dma_wait3A_63 : memref<1x128xi32, #tpu.memory_space<vmem>> -> memref<128xi32, #tpu.memory_space<vmem>>
    %dma_wait3A_65 = tpu.memref_slice %arg2[%add3A_4] : memref<16384xi32, #tpu.memory_space<hbm>> -> memref<128xi32, #tpu.memory_space<hbm>>
    tpu.wait_dma2 semaphore(%arg15 : memref<!tpu.dma_semaphore, #tpu.memory_space<semaphore_mem>>) src(%dma_wait3A_65 : memref<128xi32, #tpu.memory_space<hbm>>) dst(%dma_wait3A_64 : memref<128xi32, #tpu.memory_space<vmem>>)
    %dma_wait3A_66 = arith.constant 3 : i32
    %dma_wait3A_67 = arith.constant 0 : i32
    %dma_wait3A_68 = tpu.memref_slice %arg11[%dma_wait3A_66, %dma_wait3A_67] : memref<4x128xi32, #tpu.memory_space<vmem>> -> memref<1x128xi32, #tpu.memory_space<vmem>>
    %dma_wait3A_69 = tpu.memref_squeeze %dma_wait3A_68 : memref<1x128xi32, #tpu.memory_space<vmem>> -> memref<128xi32, #tpu.memory_space<vmem>>
    %dma_wait3A_70 = tpu.memref_slice %arg5[%add3A_4] : memref<16384xi32, #tpu.memory_space<hbm>> -> memref<128xi32, #tpu.memory_space<hbm>>
    %dma_wait3A_71 = arith.constant 0 : i32
    %dma_wait3A_72 = tpu.memref_slice %arg11[%dma_wait3A_66, %dma_wait3A_71] : memref<4x128xi32, #tpu.memory_space<vmem>> -> memref<1x128xi32, #tpu.memory_space<vmem>>
    %dma_wait3A_73 = tpu.memref_squeeze %dma_wait3A_72 : memref<1x128xi32, #tpu.memory_space<vmem>> -> memref<128xi32, #tpu.memory_space<vmem>>
    %dma_wait3A_74 = tpu.memref_slice %arg5[%add3A_4] : memref<16384xi32, #tpu.memory_space<hbm>> -> memref<128xi32, #tpu.memory_space<hbm>>
    tpu.wait_dma2 semaphore(%arg15 : memref<!tpu.dma_semaphore, #tpu.memory_space<semaphore_mem>>) src(%dma_wait3A_74 : memref<128xi32, #tpu.memory_space<hbm>>) dst(%dma_wait3A_73 : memref<128xi32, #tpu.memory_space<vmem>>)
    %dma_start3A_75 = arith.constant 0 : i32
    %dma_start3A_76 = arith.constant 0 : i32
    %dma_start3A_77 = tpu.memref_slice %arg11[%dma_start3A_75, %dma_start3A_76] : memref<4x128xi32, #tpu.memory_space<vmem>> -> memref<1x128xi32, #tpu.memory_space<vmem>>
    %dma_start3A_78 = tpu.memref_squeeze %dma_start3A_77 : memref<1x128xi32, #tpu.memory_space<vmem>> -> memref<128xi32, #tpu.memory_space<vmem>>
    %dma_start3A_79 = arith.constant 0 : i32
    %dma_start3A_80 = arith.constant 0 : i32
    %dma_start3A_81 = tpu.memref_slice %arg8[%dma_start3A_79, %dma_start3A_80] : memref<1000x128xf32, #tpu.memory_space<hbm>> -> memref<1000x128xf32, #tpu.memory_space<hbm>>
    tpu.enqueue_indirect_dma source(%dma_start3A_81 : memref<1000x128xf32, #tpu.memory_space<hbm>>) target(%arg13 : memref<128x128xf32, #tpu.memory_space<vmem>>) offsets(%dma_start3A_78 : memref<128xi32, #tpu.memory_space<vmem>>) semaphore(%arg16 : memref<!tpu.dma_semaphore, #tpu.memory_space<semaphore_mem>>)
    %dma_start3A_82 = arith.constant 1 : i32
    %dma_start3A_83 = arith.constant 0 : i32
    %dma_start3A_84 = tpu.memref_slice %arg11[%dma_start3A_82, %dma_start3A_83] : memref<4x128xi32, #tpu.memory_space<vmem>> -> memref<1x128xi32, #tpu.memory_space<vmem>>
    %dma_start3A_85 = tpu.memref_squeeze %dma_start3A_84 : memref<1x128xi32, #tpu.memory_space<vmem>> -> memref<128xi32, #tpu.memory_space<vmem>>
    %dma_start3A_86 = arith.constant 0 : i32
    %dma_start3A_87 = arith.constant 0 : i32
    %dma_start3A_88 = tpu.memref_slice %arg9[%dma_start3A_86, %dma_start3A_87] : memref<1000x128xf32, #tpu.memory_space<hbm>> -> memref<1000x128xf32, #tpu.memory_space<hbm>>
    tpu.enqueue_indirect_dma source(%dma_start3A_88 : memref<1000x128xf32, #tpu.memory_space<hbm>>) target(%arg14 : memref<128x128xf32, #tpu.memory_space<vmem>>) offsets(%dma_start3A_85 : memref<128xi32, #tpu.memory_space<vmem>>) semaphore(%arg16 : memref<!tpu.dma_semaphore, #tpu.memory_space<semaphore_mem>>)
    %dma_start3A_89 = arith.constant 2 : i32
    %dma_start3A_90 = arith.constant 0 : i32
    %dma_start3A_91 = arith.constant 0 : i32
    %dma_start3A_92 = arith.constant 0 : i32
    %dma_start3A_93 = tpu.memref_slice %arg12[%dma_start3A_90, %dma_start3A_91, %dma_start3A_92] : memref<2x128x128xf32, #tpu.memory_space<vmem>> -> memref<1x128x128xf32, #tpu.memory_space<vmem>>
    %dma_start3A_94 = tpu.memref_squeeze %dma_start3A_93 : memref<1x128x128xf32, #tpu.memory_space<vmem>> -> memref<128x128xf32, #tpu.memory_space<vmem>>
    %dma_start3A_95 = arith.constant 0 : i32
    %dma_start3A_96 = tpu.memref_slice %arg11[%dma_start3A_89, %dma_start3A_95] : memref<4x128xi32, #tpu.memory_space<vmem>> -> memref<1x128xi32, #tpu.memory_space<vmem>>
    %dma_start3A_97 = tpu.memref_squeeze %dma_start3A_96 : memref<1x128xi32, #tpu.memory_space<vmem>> -> memref<128xi32, #tpu.memory_space<vmem>>
    %dma_start3A_98 = arith.constant 0 : i32
    %dma_start3A_99 = arith.constant 0 : i32
    %dma_start3A_100 = tpu.memref_slice %arg6[%dma_start3A_98, %dma_start3A_99] : memref<100000x128xf32, #tpu.memory_space<hbm>> -> memref<100000x128xf32, #tpu.memory_space<hbm>>
    tpu.enqueue_indirect_dma source(%dma_start3A_100 : memref<100000x128xf32, #tpu.memory_space<hbm>>) target(%dma_start3A_94 : memref<128x128xf32, #tpu.memory_space<vmem>>) offsets(%dma_start3A_97 : memref<128xi32, #tpu.memory_space<vmem>>) semaphore(%arg16 : memref<!tpu.dma_semaphore, #tpu.memory_space<semaphore_mem>>)
    %dma_start3A_101 = arith.constant 3 : i32
    %dma_start3A_102 = arith.constant 1 : i32
    %dma_start3A_103 = arith.constant 0 : i32
    %dma_start3A_104 = arith.constant 0 : i32
    %dma_start3A_105 = tpu.memref_slice %arg12[%dma_start3A_102, %dma_start3A_103, %dma_start3A_104] : memref<2x128x128xf32, #tpu.memory_space<vmem>> -> memref<1x128x128xf32, #tpu.memory_space<vmem>>
    %dma_start3A_106 = tpu.memref_squeeze %dma_start3A_105 : memref<1x128x128xf32, #tpu.memory_space<vmem>> -> memref<128x128xf32, #tpu.memory_space<vmem>>
    %dma_start3A_107 = arith.constant 0 : i32
    %dma_start3A_108 = tpu.memref_slice %arg11[%dma_start3A_101, %dma_start3A_107] : memref<4x128xi32, #tpu.memory_space<vmem>> -> memref<1x128xi32, #tpu.memory_space<vmem>>
    %dma_start3A_109 = tpu.memref_squeeze %dma_start3A_108 : memref<1x128xi32, #tpu.memory_space<vmem>> -> memref<128xi32, #tpu.memory_space<vmem>>
    %dma_start3A_110 = arith.constant 0 : i32
    %dma_start3A_111 = arith.constant 0 : i32
    %dma_start3A_112 = tpu.memref_slice %arg7[%dma_start3A_110, %dma_start3A_111] : memref<100000x128xf32, #tpu.memory_space<hbm>> -> memref<100000x128xf32, #tpu.memory_space<hbm>>
    tpu.enqueue_indirect_dma source(%dma_start3A_112 : memref<100000x128xf32, #tpu.memory_space<hbm>>) target(%dma_start3A_106 : memref<128x128xf32, #tpu.memory_space<vmem>>) offsets(%dma_start3A_109 : memref<128xi32, #tpu.memory_space<vmem>>) semaphore(%arg16 : memref<!tpu.dma_semaphore, #tpu.memory_space<semaphore_mem>>)
    %dma_wait3A_113 = arith.constant 0 : i32
    %dma_wait3A_114 = arith.constant 0 : i32
    %dma_wait3A_115 = tpu.memref_slice %arg11[%dma_wait3A_113, %dma_wait3A_114] : memref<4x128xi32, #tpu.memory_space<vmem>> -> memref<1x128xi32, #tpu.memory_space<vmem>>
    %dma_wait3A_116 = tpu.memref_squeeze %dma_wait3A_115 : memref<1x128xi32, #tpu.memory_space<vmem>> -> memref<128xi32, #tpu.memory_space<vmem>>
    %dma_wait3A_117 = arith.constant 0 : i32
    %dma_wait3A_118 = arith.constant 0 : i32
    %dma_wait3A_119 = tpu.memref_slice %arg8[%dma_wait3A_117, %dma_wait3A_118] : memref<1000x128xf32, #tpu.memory_space<hbm>> -> memref<1000x128xf32, #tpu.memory_space<hbm>>
    tpu.wait_indirect_dma semaphore(%arg16 : memref<!tpu.dma_semaphore, #tpu.memory_space<semaphore_mem>>) src(%dma_wait3A_119 : memref<1000x128xf32, #tpu.memory_space<hbm>>) dst(%arg13 : memref<128x128xf32, #tpu.memory_space<vmem>>)
    %dma_wait3A_120 = arith.constant 1 : i32
    %dma_wait3A_121 = arith.constant 0 : i32
    %dma_wait3A_122 = tpu.memref_slice %arg11[%dma_wait3A_120, %dma_wait3A_121] : memref<4x128xi32, #tpu.memory_space<vmem>> -> memref<1x128xi32, #tpu.memory_space<vmem>>
    %dma_wait3A_123 = tpu.memref_squeeze %dma_wait3A_122 : memref<1x128xi32, #tpu.memory_space<vmem>> -> memref<128xi32, #tpu.memory_space<vmem>>
    %dma_wait3A_124 = arith.constant 0 : i32
    %dma_wait3A_125 = arith.constant 0 : i32
    %dma_wait3A_126 = tpu.memref_slice %arg9[%dma_wait3A_124, %dma_wait3A_125] : memref<1000x128xf32, #tpu.memory_space<hbm>> -> memref<1000x128xf32, #tpu.memory_space<hbm>>
    tpu.wait_indirect_dma semaphore(%arg16 : memref<!tpu.dma_semaphore, #tpu.memory_space<semaphore_mem>>) src(%dma_wait3A_126 : memref<1000x128xf32, #tpu.memory_space<hbm>>) dst(%arg14 : memref<128x128xf32, #tpu.memory_space<vmem>>)
    %scan3A = arith.constant 0 : i32
    %scan3A_127 = arith.constant 0 : i32
    %scan3A_128 = arith.constant 128 : i32
    %scan3A_129 = arith.addi %scan3A_127, %scan3A_128 : i32
    %scan3A_130 = arith.constant 2 : i32
    scf.for %scan3A_234 = %scan3A_127 to %scan3A_129 step %scan3A_130  : i32 {
      %get3A = arith.index_cast %scan3A_234 : i32 to index
      %get3A_235 = arith.constant 0 : index
      %get3A_236 = tpu.vector_load %arg14[%get3A, %get3A_235] {strides = array<i32>} : memref<128x128xf32, #tpu.memory_space<vmem>>, vector<1x16xf32>,
      %get3A_237 = vector.shape_cast %get3A_236 : vector<1x16xf32> to vector<16xf32>
      %swap3A = arith.index_cast %scan3A_234 : i32 to index
      %swap3A_238 = arith.constant 0 : index
      %swap3A_239 = tpu.vector_load %arg13[%swap3A, %swap3A_238] {strides = array<i32>} : memref<128x128xf32, #tpu.memory_space<vmem>>, vector<1x16xf32>,
      %swap3A_240 = vector.shape_cast %swap3A_239 : vector<1x16xf32> to vector<16xf32>
      %swap3A_241 = vector.shape_cast %get3A_237 : vector<16xf32> to vector<1x16xf32>
      tpu.vector_store %arg13[%swap3A, %swap3A_238], %swap3A_241 {add = true, strides = array<i32>} : memref<128x128xf32, #tpu.memory_space<vmem>>, vector<1x16xf32>,
      %get3A_242 = arith.index_cast %scan3A_234 : i32 to index
      %get3A_243 = arith.constant 16 : index
      %get3A_244 = tpu.vector_load %arg14[%get3A_242, %get3A_243] {strides = array<i32>} : memref<128x128xf32, #tpu.memory_space<vmem>>, vector<1x16xf32>,
      %get3A_245 = vector.shape_cast %get3A_244 : vector<1x16xf32> to vector<16xf32>
      %swap3A_246 = arith.index_cast %scan3A_234 : i32 to index
      %swap3A_247 = arith.constant 16 : index
      %swap3A_248 = tpu.vector_load %arg13[%swap3A_246, %swap3A_247] {strides = array<i32>} : memref<128x128xf32, #tpu.memory_space<vmem>>, vector<1x16xf32>,
      %swap3A_249 = vector.shape_cast %swap3A_248 : vector<1x16xf32> to vector<16xf32>
      %swap3A_250 = vector.shape_cast %get3A_245 : vector<16xf32> to vector<1x16xf32>
      tpu.vector_store %arg13[%swap3A_246, %swap3A_247], %swap3A_250 {add = true, strides = array<i32>} : memref<128x128xf32, #tpu.memory_space<vmem>>, vector<1x16xf32>,
      %get3A_251 = arith.index_cast %scan3A_234 : i32 to index
      %get3A_252 = arith.constant 32 : index
      %get3A_253 = tpu.vector_load %arg14[%get3A_251, %get3A_252] {strides = array<i32>} : memref<128x128xf32, #tpu.memory_space<vmem>>, vector<1x16xf32>,
      %get3A_254 = vector.shape_cast %get3A_253 : vector<1x16xf32> to vector<16xf32>
      %swap3A_255 = arith.index_cast %scan3A_234 : i32 to index
      %swap3A_256 = arith.constant 32 : index
      %swap3A_257 = tpu.vector_load %arg13[%swap3A_255, %swap3A_256] {strides = array<i32>} : memref<128x128xf32, #tpu.memory_space<vmem>>, vector<1x16xf32>,
      %swap3A_258 = vector.shape_cast %swap3A_257 : vector<1x16xf32> to vector<16xf32>
      %swap3A_259 = vector.shape_cast %get3A_254 : vector<16xf32> to vector<1x16xf32>
      tpu.vector_store %arg13[%swap3A_255, %swap3A_256], %swap3A_259 {add = true, strides = array<i32>} : memref<128x128xf32, #tpu.memory_space<vmem>>, vector<1x16xf32>,
      %get3A_260 = arith.index_cast %scan3A_234 : i32 to index
      %get3A_261 = arith.constant 48 : index
      %get3A_262 = tpu.vector_load %arg14[%get3A_260, %get3A_261] {strides = array<i32>} : memref<128x128xf32, #tpu.memory_space<vmem>>, vector<1x16xf32>,
      %get3A_263 = vector.shape_cast %get3A_262 : vector<1x16xf32> to vector<16xf32>
      %swap3A_264 = arith.index_cast %scan3A_234 : i32 to index
      %swap3A_265 = arith.constant 48 : index
      %swap3A_266 = tpu.vector_load %arg13[%swap3A_264, %swap3A_265] {strides = array<i32>} : memref<128x128xf32, #tpu.memory_space<vmem>>, vector<1x16xf32>,
      %swap3A_267 = vector.shape_cast %swap3A_266 : vector<1x16xf32> to vector<16xf32>
      %swap3A_268 = vector.shape_cast %get3A_263 : vector<16xf32> to vector<1x16xf32>
      tpu.vector_store %arg13[%swap3A_264, %swap3A_265], %swap3A_268 {add = true, strides = array<i32>} : memref<128x128xf32, #tpu.memory_space<vmem>>, vector<1x16xf32>,
      %get3A_269 = arith.index_cast %scan3A_234 : i32 to index
      %get3A_270 = arith.constant 64 : index
      %get3A_271 = tpu.vector_load %arg14[%get3A_269, %get3A_270] {strides = array<i32>} : memref<128x128xf32, #tpu.memory_space<vmem>>, vector<1x16xf32>,
      %get3A_272 = vector.shape_cast %get3A_271 : vector<1x16xf32> to vector<16xf32>
      %swap3A_273 = arith.index_cast %scan3A_234 : i32 to index
      %swap3A_274 = arith.constant 64 : index
      %swap3A_275 = tpu.vector_load %arg13[%swap3A_273, %swap3A_274] {strides = array<i32>} : memref<128x128xf32, #tpu.memory_space<vmem>>, vector<1x16xf32>,
      %swap3A_276 = vector.shape_cast %swap3A_275 : vector<1x16xf32> to vector<16xf32>
      %swap3A_277 = vector.shape_cast %get3A_272 : vector<16xf32> to vector<1x16xf32>
      tpu.vector_store %arg13[%swap3A_273, %swap3A_274], %swap3A_277 {add = true, strides = array<i32>} : memref<128x128xf32, #tpu.memory_space<vmem>>, vector<1x16xf32>,
      %get3A_278 = arith.index_cast %scan3A_234 : i32 to index
      %get3A_279 = arith.constant 80 : index
      %get3A_280 = tpu.vector_load %arg14[%get3A_278, %get3A_279] {strides = array<i32>} : memref<128x128xf32, #tpu.memory_space<vmem>>, vector<1x16xf32>,
      %get3A_281 = vector.shape_cast %get3A_280 : vector<1x16xf32> to vector<16xf32>
      %swap3A_282 = arith.index_cast %scan3A_234 : i32 to index
      %swap3A_283 = arith.constant 80 : index
      %swap3A_284 = tpu.vector_load %arg13[%swap3A_282, %swap3A_283] {strides = array<i32>} : memref<128x128xf32, #tpu.memory_space<vmem>>, vector<1x16xf32>,
      %swap3A_285 = vector.shape_cast %swap3A_284 : vector<1x16xf32> to vector<16xf32>
      %swap3A_286 = vector.shape_cast %get3A_281 : vector<16xf32> to vector<1x16xf32>
      tpu.vector_store %arg13[%swap3A_282, %swap3A_283], %swap3A_286 {add = true, strides = array<i32>} : memref<128x128xf32, #tpu.memory_space<vmem>>, vector<1x16xf32>,
      %get3A_287 = arith.index_cast %scan3A_234 : i32 to index
      %get3A_288 = arith.constant 96 : index
      %get3A_289 = tpu.vector_load %arg14[%get3A_287, %get3A_288] {strides = array<i32>} : memref<128x128xf32, #tpu.memory_space<vmem>>, vector<1x16xf32>,
      %get3A_290 = vector.shape_cast %get3A_289 : vector<1x16xf32> to vector<16xf32>
      %swap3A_291 = arith.index_cast %scan3A_234 : i32 to index
      %swap3A_292 = arith.constant 96 : index
      %swap3A_293 = tpu.vector_load %arg13[%swap3A_291, %swap3A_292] {strides = array<i32>} : memref<128x128xf32, #tpu.memory_space<vmem>>, vector<1x16xf32>,
      %swap3A_294 = vector.shape_cast %swap3A_293 : vector<1x16xf32> to vector<16xf32>
      %swap3A_295 = vector.shape_cast %get3A_290 : vector<16xf32> to vector<1x16xf32>
      tpu.vector_store %arg13[%swap3A_291, %swap3A_292], %swap3A_295 {add = true, strides = array<i32>} : memref<128x128xf32, #tpu.memory_space<vmem>>, vector<1x16xf32>,
      %get3A_296 = arith.index_cast %scan3A_234 : i32 to index
      %get3A_297 = arith.constant 112 : index
      %get3A_298 = tpu.vector_load %arg14[%get3A_296, %get3A_297] {strides = array<i32>} : memref<128x128xf32, #tpu.memory_space<vmem>>, vector<1x16xf32>,
      %get3A_299 = vector.shape_cast %get3A_298 : vector<1x16xf32> to vector<16xf32>
      %swap3A_300 = arith.index_cast %scan3A_234 : i32 to index
      %swap3A_301 = arith.constant 112 : index
      %swap3A_302 = tpu.vector_load %arg13[%swap3A_300, %swap3A_301] {strides = array<i32>} : memref<128x128xf32, #tpu.memory_space<vmem>>, vector<1x16xf32>,
      %swap3A_303 = vector.shape_cast %swap3A_302 : vector<1x16xf32> to vector<16xf32>
      %swap3A_304 = vector.shape_cast %get3A_299 : vector<16xf32> to vector<1x16xf32>
      tpu.vector_store %arg13[%swap3A_300, %swap3A_301], %swap3A_304 {add = true, strides = array<i32>} : memref<128x128xf32, #tpu.memory_space<vmem>>, vector<1x16xf32>,
      %scan3A_305 = arith.constant 1 : i32
      %scan3A_306 = arith.addi %scan3A_234, %scan3A_305 : i32
      %get3A_307 = arith.index_cast %scan3A_306 : i32 to index
      %get3A_308 = arith.constant 0 : index
      %get3A_309 = tpu.vector_load %arg14[%get3A_307, %get3A_308] {strides = array<i32>} : memref<128x128xf32, #tpu.memory_space<vmem>>, vector<1x16xf32>,
      %get3A_310 = vector.shape_cast %get3A_309 : vector<1x16xf32> to vector<16xf32>
      %swap3A_311 = arith.index_cast %scan3A_306 : i32 to index
      %swap3A_312 = arith.constant 0 : index
      %swap3A_313 = tpu.vector_load %arg13[%swap3A_311, %swap3A_312] {strides = array<i32>} : memref<128x128xf32, #tpu.memory_space<vmem>>, vector<1x16xf32>,
      %swap3A_314 = vector.shape_cast %swap3A_313 : vector<1x16xf32> to vector<16xf32>
      %swap3A_315 = vector.shape_cast %get3A_310 : vector<16xf32> to vector<1x16xf32>
      tpu.vector_store %arg13[%swap3A_311, %swap3A_312], %swap3A_315 {add = true, strides = array<i32>} : memref<128x128xf32, #tpu.memory_space<vmem>>, vector<1x16xf32>,
      %get3A_316 = arith.index_cast %scan3A_306 : i32 to index
      %get3A_317 = arith.constant 16 : index
      %get3A_318 = tpu.vector_load %arg14[%get3A_316, %get3A_317] {strides = array<i32>} : memref<128x128xf32, #tpu.memory_space<vmem>>, vector<1x16xf32>,
      %get3A_319 = vector.shape_cast %get3A_318 : vector<1x16xf32> to vector<16xf32>
      %swap3A_320 = arith.index_cast %scan3A_306 : i32 to index
      %swap3A_321 = arith.constant 16 : index
      %swap3A_322 = tpu.vector_load %arg13[%swap3A_320, %swap3A_321] {strides = array<i32>} : memref<128x128xf32, #tpu.memory_space<vmem>>, vector<1x16xf32>,
      %swap3A_323 = vector.shape_cast %swap3A_322 : vector<1x16xf32> to vector<16xf32>
      %swap3A_324 = vector.shape_cast %get3A_319 : vector<16xf32> to vector<1x16xf32>
      tpu.vector_store %arg13[%swap3A_320, %swap3A_321], %swap3A_324 {add = true, strides = array<i32>} : memref<128x128xf32, #tpu.memory_space<vmem>>, vector<1x16xf32>,
      %get3A_325 = arith.index_cast %scan3A_306 : i32 to index
      %get3A_326 = arith.constant 32 : index
      %get3A_327 = tpu.vector_load %arg14[%get3A_325, %get3A_326] {strides = array<i32>} : memref<128x128xf32, #tpu.memory_space<vmem>>, vector<1x16xf32>,
      %get3A_328 = vector.shape_cast %get3A_327 : vector<1x16xf32> to vector<16xf32>
      %swap3A_329 = arith.index_cast %scan3A_306 : i32 to index
      %swap3A_330 = arith.constant 32 : index
      %swap3A_331 = tpu.vector_load %arg13[%swap3A_329, %swap3A_330] {strides = array<i32>} : memref<128x128xf32, #tpu.memory_space<vmem>>, vector<1x16xf32>,
      %swap3A_332 = vector.shape_cast %swap3A_331 : vector<1x16xf32> to vector<16xf32>
      %swap3A_333 = vector.shape_cast %get3A_328 : vector<16xf32> to vector<1x16xf32>
      tpu.vector_store %arg13[%swap3A_329, %swap3A_330], %swap3A_333 {add = true, strides = array<i32>} : memref<128x128xf32, #tpu.memory_space<vmem>>, vector<1x16xf32>,
      %get3A_334 = arith.index_cast %scan3A_306 : i32 to index
      %get3A_335 = arith.constant 48 : index
      %get3A_336 = tpu.vector_load %arg14[%get3A_334, %get3A_335] {strides = array<i32>} : memref<128x128xf32, #tpu.memory_space<vmem>>, vector<1x16xf32>,
      %get3A_337 = vector.shape_cast %get3A_336 : vector<1x16xf32> to vector<16xf32>
      %swap3A_338 = arith.index_cast %scan3A_306 : i32 to index
      %swap3A_339 = arith.constant 48 : index
      %swap3A_340 = tpu.vector_load %arg13[%swap3A_338, %swap3A_339] {strides = array<i32>} : memref<128x128xf32, #tpu.memory_space<vmem>>, vector<1x16xf32>,
      %swap3A_341 = vector.shape_cast %swap3A_340 : vector<1x16xf32> to vector<16xf32>
      %swap3A_342 = vector.shape_cast %get3A_337 : vector<16xf32> to vector<1x16xf32>
      tpu.vector_store %arg13[%swap3A_338, %swap3A_339], %swap3A_342 {add = true, strides = array<i32>} : memref<128x128xf32, #tpu.memory_space<vmem>>, vector<1x16xf32>,
      %get3A_343 = arith.index_cast %scan3A_306 : i32 to index
      %get3A_344 = arith.constant 64 : index
      %get3A_345 = tpu.vector_load %arg14[%get3A_343, %get3A_344] {strides = array<i32>} : memref<128x128xf32, #tpu.memory_space<vmem>>, vector<1x16xf32>,
      %get3A_346 = vector.shape_cast %get3A_345 : vector<1x16xf32> to vector<16xf32>
      %swap3A_347 = arith.index_cast %scan3A_306 : i32 to index
      %swap3A_348 = arith.constant 64 : index
      %swap3A_349 = tpu.vector_load %arg13[%swap3A_347, %swap3A_348] {strides = array<i32>} : memref<128x128xf32, #tpu.memory_space<vmem>>, vector<1x16xf32>,
      %swap3A_350 = vector.shape_cast %swap3A_349 : vector<1x16xf32> to vector<16xf32>
      %swap3A_351 = vector.shape_cast %get3A_346 : vector<16xf32> to vector<1x16xf32>
      tpu.vector_store %arg13[%swap3A_347, %swap3A_348], %swap3A_351 {add = true, strides = array<i32>} : memref<128x128xf32, #tpu.memory_space<vmem>>, vector<1x16xf32>,
      %get3A_352 = arith.index_cast %scan3A_306 : i32 to index
      %get3A_353 = arith.constant 80 : index
      %get3A_354 = tpu.vector_load %arg14[%get3A_352, %get3A_353] {strides = array<i32>} : memref<128x128xf32, #tpu.memory_space<vmem>>, vector<1x16xf32>,
      %get3A_355 = vector.shape_cast %get3A_354 : vector<1x16xf32> to vector<16xf32>
      %swap3A_356 = arith.index_cast %scan3A_306 : i32 to index
      %swap3A_357 = arith.constant 80 : index
      %swap3A_358 = tpu.vector_load %arg13[%swap3A_356, %swap3A_357] {strides = array<i32>} : memref<128x128xf32, #tpu.memory_space<vmem>>, vector<1x16xf32>,
      %swap3A_359 = vector.shape_cast %swap3A_358 : vector<1x16xf32> to vector<16xf32>
      %swap3A_360 = vector.shape_cast %get3A_355 : vector<16xf32> to vector<1x16xf32>
      tpu.vector_store %arg13[%swap3A_356, %swap3A_357], %swap3A_360 {add = true, strides = array<i32>} : memref<128x128xf32, #tpu.memory_space<vmem>>, vector<1x16xf32>,
      %get3A_361 = arith.index_cast %scan3A_306 : i32 to index
      %get3A_362 = arith.constant 96 : index
      %get3A_363 = tpu.vector_load %arg14[%get3A_361, %get3A_362] {strides = array<i32>} : memref<128x128xf32, #tpu.memory_space<vmem>>, vector<1x16xf32>,
      %get3A_364 = vector.shape_cast %get3A_363 : vector<1x16xf32> to vector<16xf32>
      %swap3A_365 = arith.index_cast %scan3A_306 : i32 to index
      %swap3A_366 = arith.constant 96 : index
      %swap3A_367 = tpu.vector_load %arg13[%swap3A_365, %swap3A_366] {strides = array<i32>} : memref<128x128xf32, #tpu.memory_space<vmem>>, vector<1x16xf32>,
      %swap3A_368 = vector.shape_cast %swap3A_367 : vector<1x16xf32> to vector<16xf32>
      %swap3A_369 = vector.shape_cast %get3A_364 : vector<16xf32> to vector<1x16xf32>
      tpu.vector_store %arg13[%swap3A_365, %swap3A_366], %swap3A_369 {add = true, strides = array<i32>} : memref<128x128xf32, #tpu.memory_space<vmem>>, vector<1x16xf32>,
      %get3A_370 = arith.index_cast %scan3A_306 : i32 to index
      %get3A_371 = arith.constant 112 : index
      %get3A_372 = tpu.vector_load %arg14[%get3A_370, %get3A_371] {strides = array<i32>} : memref<128x128xf32, #tpu.memory_space<vmem>>, vector<1x16xf32>,
      %get3A_373 = vector.shape_cast %get3A_372 : vector<1x16xf32> to vector<16xf32>
      %swap3A_374 = arith.index_cast %scan3A_306 : i32 to index
      %swap3A_375 = arith.constant 112 : index
      %swap3A_376 = tpu.vector_load %arg13[%swap3A_374, %swap3A_375] {strides = array<i32>} : memref<128x128xf32, #tpu.memory_space<vmem>>, vector<1x16xf32>,
      %swap3A_377 = vector.shape_cast %swap3A_376 : vector<1x16xf32> to vector<16xf32>
      %swap3A_378 = vector.shape_cast %get3A_373 : vector<16xf32> to vector<1x16xf32>
      tpu.vector_store %arg13[%swap3A_374, %swap3A_375], %swap3A_378 {add = true, strides = array<i32>} : memref<128x128xf32, #tpu.memory_space<vmem>>, vector<1x16xf32>,
    }
    %scan3A_131 = arith.constant 128 : i32
    %dma_start3A_132 = arith.constant 2 : i32
    %dma_start3A_133 = arith.constant 0 : i32
    %dma_start3A_134 = tpu.memref_slice %arg10[%dma_start3A_132, %mul3A_2, %dma_start3A_133] : memref<3x4096x128xf32, #tpu.memory_space<hbm>> -> memref<1x128x128xf32, #tpu.memory_space<hbm>>
    %dma_start3A_135 = tpu.memref_squeeze %dma_start3A_134 : memref<1x128x128xf32, #tpu.memory_space<hbm>> -> memref<128x128xf32, #tpu.memory_space<hbm>>
    %dma_start3A_136 = arith.constant 0 : i32
    %dma_start3A_137 = tpu.memref_slice %arg10[%dma_start3A_132, %mul3A_2, %dma_start3A_136] : memref<3x4096x128xf32, #tpu.memory_space<hbm>> -> memref<1x128x128xf32, #tpu.memory_space<hbm>>
    %dma_start3A_138 = tpu.memref_squeeze %dma_start3A_137 : memref<1x128x128xf32, #tpu.memory_space<hbm>> -> memref<128x128xf32, #tpu.memory_space<hbm>>
    tpu.enqueue_dma source(%arg13 : memref<128x128xf32, #tpu.memory_space<vmem>>) target(%dma_start3A_138 : memref<128x128xf32, #tpu.memory_space<hbm>>) target_semaphore(%arg17 : memref<!tpu.dma_semaphore, #tpu.memory_space<semaphore_mem>>)
    %dma_wait3A_139 = arith.constant 2 : i32
    %dma_wait3A_140 = arith.constant 0 : i32
    %dma_wait3A_141 = arith.constant 0 : i32
    %dma_wait3A_142 = arith.constant 0 : i32
    %dma_wait3A_143 = tpu.memref_slice %arg12[%dma_wait3A_140, %dma_wait3A_141, %dma_wait3A_142] : memref<2x128x128xf32, #tpu.memory_space<vmem>> -> memref<1x128x128xf32, #tpu.memory_space<vmem>>
    %dma_wait3A_144 = tpu.memref_squeeze %dma_wait3A_143 : memref<1x128x128xf32, #tpu.memory_space<vmem>> -> memref<128x128xf32, #tpu.memory_space<vmem>>
    %dma_wait3A_145 = arith.constant 0 : i32
    %dma_wait3A_146 = tpu.memref_slice %arg11[%dma_wait3A_139, %dma_wait3A_145] : memref<4x128xi32, #tpu.memory_space<vmem>> -> memref<1x128xi32, #tpu.memory_space<vmem>>
    %dma_wait3A_147 = tpu.memref_squeeze %dma_wait3A_146 : memref<1x128xi32, #tpu.memory_space<vmem>> -> memref<128xi32, #tpu.memory_space<vmem>>
    %dma_wait3A_148 = arith.constant 0 : i32
    %dma_wait3A_149 = arith.constant 0 : i32
    %dma_wait3A_150 = tpu.memref_slice %arg6[%dma_wait3A_148, %dma_wait3A_149] : memref<100000x128xf32, #tpu.memory_space<hbm>> -> memref<100000x128xf32, #tpu.memory_space<hbm>>
    tpu.wait_indirect_dma semaphore(%arg16 : memref<!tpu.dma_semaphore, #tpu.memory_space<semaphore_mem>>) src(%dma_wait3A_150 : memref<100000x128xf32, #tpu.memory_space<hbm>>) dst(%dma_wait3A_144 : memref<128x128xf32, #tpu.memory_space<vmem>>)
    %dma_start3A_151 = arith.constant 0 : i32
    %dma_start3A_152 = arith.constant 0 : i32
    %dma_start3A_153 = arith.constant 0 : i32
    %dma_start3A_154 = arith.constant 0 : i32
    %dma_start3A_155 = tpu.memref_slice %arg12[%dma_start3A_151, %dma_start3A_153, %dma_start3A_154] : memref<2x128x128xf32, #tpu.memory_space<vmem>> -> memref<1x128x128xf32, #tpu.memory_space<vmem>>
    %dma_start3A_156 = tpu.memref_squeeze %dma_start3A_155 : memref<1x128x128xf32, #tpu.memory_space<vmem>> -> memref<128x128xf32, #tpu.memory_space<vmem>>
    %dma_start3A_157 = arith.constant 0 : i32
    %dma_start3A_158 = tpu.memref_slice %arg10[%dma_start3A_152, %mul3A_2, %dma_start3A_157] : memref<3x4096x128xf32, #tpu.memory_space<hbm>> -> memref<1x128x128xf32, #tpu.memory_space<hbm>>
    %dma_start3A_159 = tpu.memref_squeeze %dma_start3A_158 : memref<1x128x128xf32, #tpu.memory_space<hbm>> -> memref<128x128xf32, #tpu.memory_space<hbm>>
    %dma_start3A_160 = arith.constant 0 : i32
    %dma_start3A_161 = tpu.memref_slice %arg10[%dma_start3A_152, %mul3A_2, %dma_start3A_160] : memref<3x4096x128xf32, #tpu.memory_space<hbm>> -> memref<1x128x128xf32, #tpu.memory_space<hbm>>
    %dma_start3A_162 = tpu.memref_squeeze %dma_start3A_161 : memref<1x128x128xf32, #tpu.memory_space<hbm>> -> memref<128x128xf32, #tpu.memory_space<hbm>>
    %dma_start3A_163 = arith.constant 0 : i32
    %dma_start3A_164 = arith.constant 0 : i32
    %dma_start3A_165 = tpu.memref_slice %arg12[%dma_start3A_151, %dma_start3A_163, %dma_start3A_164] : memref<2x128x128xf32, #tpu.memory_space<vmem>> -> memref<1x128x128xf32, #tpu.memory_space<vmem>>
    %dma_start3A_166 = tpu.memref_squeeze %dma_start3A_165 : memref<1x128x128xf32, #tpu.memory_space<vmem>> -> memref<128x128xf32, #tpu.memory_space<vmem>>
    tpu.enqueue_dma source(%dma_start3A_166 : memref<128x128xf32, #tpu.memory_space<vmem>>) target(%dma_start3A_162 : memref<128x128xf32, #tpu.memory_space<hbm>>) target_semaphore(%arg17 : memref<!tpu.dma_semaphore, #tpu.memory_space<semaphore_mem>>)
    %dma_wait3A_167 = arith.constant 3 : i32
    %dma_wait3A_168 = arith.constant 1 : i32
    %dma_wait3A_169 = arith.constant 0 : i32
    %dma_wait3A_170 = arith.constant 0 : i32
    %dma_wait3A_171 = tpu.memref_slice %arg12[%dma_wait3A_168, %dma_wait3A_169, %dma_wait3A_170] : memref<2x128x128xf32, #tpu.memory_space<vmem>> -> memref<1x128x128xf32, #tpu.memory_space<vmem>>
    %dma_wait3A_172 = tpu.memref_squeeze %dma_wait3A_171 : memref<1x128x128xf32, #tpu.memory_space<vmem>> -> memref<128x128xf32, #tpu.memory_space<vmem>>
    %dma_wait3A_173 = arith.constant 0 : i32
    %dma_wait3A_174 = tpu.memref_slice %arg11[%dma_wait3A_167, %dma_wait3A_173] : memref<4x128xi32, #tpu.memory_space<vmem>> -> memref<1x128xi32, #tpu.memory_space<vmem>>
    %dma_wait3A_175 = tpu.memref_squeeze %dma_wait3A_174 : memref<1x128xi32, #tpu.memory_space<vmem>> -> memref<128xi32, #tpu.memory_space<vmem>>
    %dma_wait3A_176 = arith.constant 0 : i32
    %dma_wait3A_177 = arith.constant 0 : i32
    %dma_wait3A_178 = tpu.memref_slice %arg7[%dma_wait3A_176, %dma_wait3A_177] : memref<100000x128xf32, #tpu.memory_space<hbm>> -> memref<100000x128xf32, #tpu.memory_space<hbm>>
    tpu.wait_indirect_dma semaphore(%arg16 : memref<!tpu.dma_semaphore, #tpu.memory_space<semaphore_mem>>) src(%dma_wait3A_178 : memref<100000x128xf32, #tpu.memory_space<hbm>>) dst(%dma_wait3A_172 : memref<128x128xf32, #tpu.memory_space<vmem>>)
    %dma_start3A_179 = arith.constant 1 : i32
    %dma_start3A_180 = arith.constant 1 : i32
    %dma_start3A_181 = arith.constant 0 : i32
    %dma_start3A_182 = arith.constant 0 : i32
    %dma_start3A_183 = tpu.memref_slice %arg12[%dma_start3A_179, %dma_start3A_181, %dma_start3A_182] : memref<2x128x128xf32, #tpu.memory_space<vmem>> -> memref<1x128x128xf32, #tpu.memory_space<vmem>>
    %dma_start3A_184 = tpu.memref_squeeze %dma_start3A_183 : memref<1x128x128xf32, #tpu.memory_space<vmem>> -> memref<128x128xf32, #tpu.memory_space<vmem>>
    %dma_start3A_185 = arith.constant 0 : i32
    %dma_start3A_186 = tpu.memref_slice %arg10[%dma_start3A_180, %mul3A_2, %dma_start3A_185] : memref<3x4096x128xf32, #tpu.memory_space<hbm>> -> memref<1x128x128xf32, #tpu.memory_space<hbm>>
    %dma_start3A_187 = tpu.memref_squeeze %dma_start3A_186 : memref<1x128x128xf32, #tpu.memory_space<hbm>> -> memref<128x128xf32, #tpu.memory_space<hbm>>
    %dma_start3A_188 = arith.constant 0 : i32
    %dma_start3A_189 = tpu.memref_slice %arg10[%dma_start3A_180, %mul3A_2, %dma_start3A_188] : memref<3x4096x128xf32, #tpu.memory_space<hbm>> -> memref<1x128x128xf32, #tpu.memory_space<hbm>>
    %dma_start3A_190 = tpu.memref_squeeze %dma_start3A_189 : memref<1x128x128xf32, #tpu.memory_space<hbm>> -> memref<128x128xf32, #tpu.memory_space<hbm>>
    %dma_start3A_191 = arith.constant 0 : i32
    %dma_start3A_192 = arith.constant 0 : i32
    %dma_start3A_193 = tpu.memref_slice %arg12[%dma_start3A_179, %dma_start3A_191, %dma_start3A_192] : memref<2x128x128xf32, #tpu.memory_space<vmem>> -> memref<1x128x128xf32, #tpu.memory_space<vmem>>
    %dma_start3A_194 = tpu.memref_squeeze %dma_start3A_193 : memref<1x128x128xf32, #tpu.memory_space<vmem>> -> memref<128x128xf32, #tpu.memory_space<vmem>>
    tpu.enqueue_dma source(%dma_start3A_194 : memref<128x128xf32, #tpu.memory_space<vmem>>) target(%dma_start3A_190 : memref<128x128xf32, #tpu.memory_space<hbm>>) target_semaphore(%arg17 : memref<!tpu.dma_semaphore, #tpu.memory_space<semaphore_mem>>)
    %dma_wait3A_195 = arith.constant 2 : i32
    %dma_wait3A_196 = arith.constant 0 : i32
    %dma_wait3A_197 = tpu.memref_slice %arg10[%dma_wait3A_195, %mul3A_2, %dma_wait3A_196] : memref<3x4096x128xf32, #tpu.memory_space<hbm>> -> memref<1x128x128xf32, #tpu.memory_space<hbm>>
    %dma_wait3A_198 = tpu.memref_squeeze %dma_wait3A_197 : memref<1x128x128xf32, #tpu.memory_space<hbm>> -> memref<128x128xf32, #tpu.memory_space<hbm>>
    %dma_wait3A_199 = arith.constant 0 : i32
    %dma_wait3A_200 = tpu.memref_slice %arg10[%dma_wait3A_195, %mul3A_2, %dma_wait3A_199] : memref<3x4096x128xf32, #tpu.memory_space<hbm>> -> memref<1x128x128xf32, #tpu.memory_space<hbm>>
    %dma_wait3A_201 = tpu.memref_squeeze %dma_wait3A_200 : memref<1x128x128xf32, #tpu.memory_space<hbm>> -> memref<128x128xf32, #tpu.memory_space<hbm>>
    tpu.wait_dma2 semaphore(%arg17 : memref<!tpu.dma_semaphore, #tpu.memory_space<semaphore_mem>>) src(%arg13 : memref<128x128xf32, #tpu.memory_space<vmem>>) dst(%dma_wait3A_201 : memref<128x128xf32, #tpu.memory_space<hbm>>)
    %dma_wait3A_202 = arith.constant 0 : i32
    %dma_wait3A_203 = arith.constant 0 : i32
    %dma_wait3A_204 = arith.constant 0 : i32
    %dma_wait3A_205 = arith.constant 0 : i32
    %dma_wait3A_206 = tpu.memref_slice %arg12[%dma_wait3A_202, %dma_wait3A_204, %dma_wait3A_205] : memref<2x128x128xf32, #tpu.memory_space<vmem>> -> memref<1x128x128xf32, #tpu.memory_space<vmem>>
    %dma_wait3A_207 = tpu.memref_squeeze %dma_wait3A_206 : memref<1x128x128xf32, #tpu.memory_space<vmem>> -> memref<128x128xf32, #tpu.memory_space<vmem>>
    %dma_wait3A_208 = arith.constant 0 : i32
    %dma_wait3A_209 = tpu.memref_slice %arg10[%dma_wait3A_203, %mul3A_2, %dma_wait3A_208] : memref<3x4096x128xf32, #tpu.memory_space<hbm>> -> memref<1x128x128xf32, #tpu.memory_space<hbm>>
    %dma_wait3A_210 = tpu.memref_squeeze %dma_wait3A_209 : memref<1x128x128xf32, #tpu.memory_space<hbm>> -> memref<128x128xf32, #tpu.memory_space<hbm>>
    %dma_wait3A_211 = arith.constant 0 : i32
    %dma_wait3A_212 = tpu.memref_slice %arg10[%dma_wait3A_203, %mul3A_2, %dma_wait3A_211] : memref<3x4096x128xf32, #tpu.memory_space<hbm>> -> memref<1x128x128xf32, #tpu.memory_space<hbm>>
    %dma_wait3A_213 = tpu.memref_squeeze %dma_wait3A_212 : memref<1x128x128xf32, #tpu.memory_space<hbm>> -> memref<128x128xf32, #tpu.memory_space<hbm>>
    %dma_wait3A_214 = arith.constant 0 : i32
    %dma_wait3A_215 = arith.constant 0 : i32
    %dma_wait3A_216 = tpu.memref_slice %arg12[%dma_wait3A_202, %dma_wait3A_214, %dma_wait3A_215] : memref<2x128x128xf32, #tpu.memory_space<vmem>> -> memref<1x128x128xf32, #tpu.memory_space<vmem>>
    %dma_wait3A_217 = tpu.memref_squeeze %dma_wait3A_216 : memref<1x128x128xf32, #tpu.memory_space<vmem>> -> memref<128x128xf32, #tpu.memory_space<vmem>>
    tpu.wait_dma2 semaphore(%arg17 : memref<!tpu.dma_semaphore, #tpu.memory_space<semaphore_mem>>) src(%dma_wait3A_217 : memref<128x128xf32, #tpu.memory_space<vmem>>) dst(%dma_wait3A_213 : memref<128x128xf32, #tpu.memory_space<hbm>>)
    %dma_wait3A_218 = arith.constant 1 : i32
    %dma_wait3A_219 = arith.constant 1 : i32
    %dma_wait3A_220 = arith.constant 0 : i32
    %dma_wait3A_221 = arith.constant 0 : i32
    %dma_wait3A_222 = tpu.memref_slice %arg12[%dma_wait3A_218, %dma_wait3A_220, %dma_wait3A_221] : memref<2x128x128xf32, #tpu.memory_space<vmem>> -> memref<1x128x128xf32, #tpu.memory_space<vmem>>
    %dma_wait3A_223 = tpu.memref_squeeze %dma_wait3A_222 : memref<1x128x128xf32, #tpu.memory_space<vmem>> -> memref<128x128xf32, #tpu.memory_space<vmem>>
    %dma_wait3A_224 = arith.constant 0 : i32
    %dma_wait3A_225 = tpu.memref_slice %arg10[%dma_wait3A_219, %mul3A_2, %dma_wait3A_224] : memref<3x4096x128xf32, #tpu.memory_space<hbm>> -> memref<1x128x128xf32, #tpu.memory_space<hbm>>
    %dma_wait3A_226 = tpu.memref_squeeze %dma_wait3A_225 : memref<1x128x128xf32, #tpu.memory_space<hbm>> -> memref<128x128xf32, #tpu.memory_space<hbm>>
    %dma_wait3A_227 = arith.constant 0 : i32
    %dma_wait3A_228 = tpu.memref_slice %arg10[%dma_wait3A_219, %mul3A_2, %dma_wait3A_227] : memref<3x4096x128xf32, #tpu.memory_space<hbm>> -> memref<1x128x128xf32, #tpu.memory_space<hbm>>
    %dma_wait3A_229 = tpu.memref_squeeze %dma_wait3A_228 : memref<1x128x128xf32, #tpu.memory_space<hbm>> -> memref<128x128xf32, #tpu.memory_space<hbm>>
    %dma_wait3A_230 = arith.constant 0 : i32
    %dma_wait3A_231 = arith.constant 0 : i32
    %dma_wait3A_232 = tpu.memref_slice %arg12[%dma_wait3A_218, %dma_wait3A_230, %dma_wait3A_231] : memref<2x128x128xf32, #tpu.memory_space<vmem>> -> memref<1x128x128xf32, #tpu.memory_space<vmem>>
    %dma_wait3A_233 = tpu.memref_squeeze %dma_wait3A_232 : memref<1x128x128xf32, #tpu.memory_space<vmem>> -> memref<128x128xf32, #tpu.memory_space<vmem>>
    tpu.wait_dma2 semaphore(%arg17 : memref<!tpu.dma_semaphore, #tpu.memory_space<semaphore_mem>>) src(%dma_wait3A_233 : memref<128x128xf32, #tpu.memory_space<vmem>>) dst(%dma_wait3A_229 : memref<128x128xf32, #tpu.memory_space<hbm>>)
    return
  }
}

#map = affine_map<(d0, d1) -> (0)>
#map1 = affine_map<(d0, d1) -> (0, 0)>
#map2 = affine_map<(d0, d1) -> (0, 0, 0)>
module attributes {stable_mosaic.version = 14 : i64} {
  func.func @_sc_gather_body(%arg0: i32, %arg1: i32, %arg2: memref<16384xi32, #tpu.memory_space<hbm>>, %arg3: memref<16384xi32, #tpu.memory_space<hbm>>, %arg4: memref<16384xi32, #tpu.memory_space<hbm>>, %arg5: memref<16384xi32, #tpu.memory_space<hbm>>, %arg6: memref<100000x128xf32, #tpu.memory_space<hbm>>, %arg7: memref<100000x128xf32, #tpu.memory_space<hbm>>, %arg8: memref<1000x128xf32, #tpu.memory_space<hbm>>, %arg9: memref<1000x128xf32, #tpu.memory_space<hbm>>, %arg10: memref<3x4096x128xf32, #tpu.memory_space<hbm>>, %arg11: memref<4x128xi32, #tpu.memory_space<vmem>>, %arg12: memref<2x128x128xf32, #tpu.memory_space<vmem>>, %arg13: memref<128x128xf32, #tpu.memory_space<vmem>>, %arg14: memref<128x128xf32, #tpu.memory_space<vmem>>, %arg15: memref<!tpu.dma_semaphore, #tpu.memory_space<semaphore_mem>>, %arg16: memref<!tpu.dma_semaphore, #tpu.memory_space<semaphore_mem>>, %arg17: memref<!tpu.dma_semaphore, #tpu.memory_space<semaphore_mem>>) attributes {dimension_semantics = [#tpu.dimension_semantics<core_parallel>, #tpu.dimension_semantics<subcore_parallel>], iteration_bounds = array<i64: 2, 16>, scalar_prefetch = 0 : i64, scratch_operands = 7 : i64, tpu.core_type = #tpu.core_type<sc_vector_subcore>, window_params = [{transform_indices = #map}, {transform_indices = #map}, {transform_indices = #map}, {transform_indices = #map}, {transform_indices = #map1}, {transform_indices = #map1}, {transform_indices = #map1}, {transform_indices = #map1}, {transform_indices = #map2}]} {
    %mul3A = arith.constant 2 : i32
    %mul3A_0 = arith.muli %arg1, %mul3A : i32
    %add3A = arith.addi %mul3A_0, %arg0 : i32
    %mul3A_1 = arith.constant 128 : i32
    %mul3A_2 = arith.muli %add3A, %mul3A_1 : i32
    %add3A_3 = arith.constant 4096 : i32
    %add3A_4 = arith.addi %add3A_3, %mul3A_2 : i32
    %dma_start3A = arith.constant 0 : i32
    %dma_start3A_5 = arith.constant 0 : i32
    %dma_start3A_6 = tpu.memref_slice %arg11[%dma_start3A, %dma_start3A_5] : memref<4x128xi32, #tpu.memory_space<vmem>> -> memref<1x128xi32, #tpu.memory_space<vmem>>
    %dma_start3A_7 = tpu.memref_squeeze %dma_start3A_6 : memref<1x128xi32, #tpu.memory_space<vmem>> -> memref<128xi32, #tpu.memory_space<vmem>>
    %dma_start3A_8 = tpu.memref_slice %arg3[%add3A_4] : memref<16384xi32, #tpu.memory_space<hbm>> -> memref<128xi32, #tpu.memory_space<hbm>>
    %dma_start3A_9 = arith.constant 0 : i32
    %dma_start3A_10 = tpu.memref_slice %arg11[%dma_start3A, %dma_start3A_9] : memref<4x128xi32, #tpu.memory_space<vmem>> -> memref<1x128xi32, #tpu.memory_space<vmem>>
    %dma_start3A_11 = tpu.memref_squeeze %dma_start3A_10 : memref<1x128xi32, #tpu.memory_space<vmem>> -> memref<128xi32, #tpu.memory_space<vmem>>
    %dma_start3A_12 = tpu.memref_slice %arg3[%add3A_4] : memref<16384xi32, #tpu.memory_space<hbm>> -> memref<128xi32, #tpu.memory_space<hbm>>
    tpu.enqueue_dma source(%dma_start3A_12 : memref<128xi32, #tpu.memory_space<hbm>>) target(%dma_start3A_11 : memref<128xi32, #tpu.memory_space<vmem>>) target_semaphore(%arg15 : memref<!tpu.dma_semaphore, #tpu.memory_space<semaphore_mem>>)
    %dma_start3A_13 = arith.constant 1 : i32
    %dma_start3A_14 = arith.constant 0 : i32
    %dma_start3A_15 = tpu.memref_slice %arg11[%dma_start3A_13, %dma_start3A_14] : memref<4x128xi32, #tpu.memory_space<vmem>> -> memref<1x128xi32, #tpu.memory_space<vmem>>
    %dma_start3A_16 = tpu.memref_squeeze %dma_start3A_15 : memref<1x128xi32, #tpu.memory_space<vmem>> -> memref<128xi32, #tpu.memory_space<vmem>>
    %dma_start3A_17 = tpu.memref_slice %arg4[%add3A_4] : memref<16384xi32, #tpu.memory_space<hbm>> -> memref<128xi32, #tpu.memory_space<hbm>>
    %dma_start3A_18 = arith.constant 0 : i32
    %dma_start3A_19 = tpu.memref_slice %arg11[%dma_start3A_13, %dma_start3A_18] : memref<4x128xi32, #tpu.memory_space<vmem>> -> memref<1x128xi32, #tpu.memory_space<vmem>>
    %dma_start3A_20 = tpu.memref_squeeze %dma_start3A_19 : memref<1x128xi32, #tpu.memory_space<vmem>> -> memref<128xi32, #tpu.memory_space<vmem>>
    %dma_start3A_21 = tpu.memref_slice %arg4[%add3A_4] : memref<16384xi32, #tpu.memory_space<hbm>> -> memref<128xi32, #tpu.memory_space<hbm>>
    tpu.enqueue_dma source(%dma_start3A_21 : memref<128xi32, #tpu.memory_space<hbm>>) target(%dma_start3A_20 : memref<128xi32, #tpu.memory_space<vmem>>) target_semaphore(%arg15 : memref<!tpu.dma_semaphore, #tpu.memory_space<semaphore_mem>>)
    %dma_start3A_22 = arith.constant 2 : i32
    %dma_start3A_23 = arith.constant 0 : i32
    %dma_start3A_24 = tpu.memref_slice %arg11[%dma_start3A_22, %dma_start3A_23] : memref<4x128xi32, #tpu.memory_space<vmem>> -> memref<1x128xi32, #tpu.memory_space<vmem>>
    %dma_start3A_25 = tpu.memref_squeeze %dma_start3A_24 : memref<1x128xi32, #tpu.memory_space<vmem>> -> memref<128xi32, #tpu.memory_space<vmem>>
    %dma_start3A_26 = tpu.memref_slice %arg2[%add3A_4] : memref<16384xi32, #tpu.memory_space<hbm>> -> memref<128xi32, #tpu.memory_space<hbm>>
    %dma_start3A_27 = arith.constant 0 : i32
    %dma_start3A_28 = tpu.memref_slice %arg11[%dma_start3A_22, %dma_start3A_27] : memref<4x128xi32, #tpu.memory_space<vmem>> -> memref<1x128xi32, #tpu.memory_space<vmem>>
    %dma_start3A_29 = tpu.memref_squeeze %dma_start3A_28 : memref<1x128xi32, #tpu.memory_space<vmem>> -> memref<128xi32, #tpu.memory_space<vmem>>
    %dma_start3A_30 = tpu.memref_slice %arg2[%add3A_4] : memref<16384xi32, #tpu.memory_space<hbm>> -> memref<128xi32, #tpu.memory_space<hbm>>
    tpu.enqueue_dma source(%dma_start3A_30 : memref<128xi32, #tpu.memory_space<hbm>>) target(%dma_start3A_29 : memref<128xi32, #tpu.memory_space<vmem>>) target_semaphore(%arg15 : memref<!tpu.dma_semaphore, #tpu.memory_space<semaphore_mem>>)
    %dma_start3A_31 = arith.constant 3 : i32
    %dma_start3A_32 = arith.constant 0 : i32
    %dma_start3A_33 = tpu.memref_slice %arg11[%dma_start3A_31, %dma_start3A_32] : memref<4x128xi32, #tpu.memory_space<vmem>> -> memref<1x128xi32, #tpu.memory_space<vmem>>
    %dma_start3A_34 = tpu.memref_squeeze %dma_start3A_33 : memref<1x128xi32, #tpu.memory_space<vmem>> -> memref<128xi32, #tpu.memory_space<vmem>>
    %dma_start3A_35 = tpu.memref_slice %arg5[%add3A_4] : memref<16384xi32, #tpu.memory_space<hbm>> -> memref<128xi32, #tpu.memory_space<hbm>>
    %dma_start3A_36 = arith.constant 0 : i32
    %dma_start3A_37 = tpu.memref_slice %arg11[%dma_start3A_31, %dma_start3A_36] : memref<4x128xi32, #tpu.memory_space<vmem>> -> memref<1x128xi32, #tpu.memory_space<vmem>>
    %dma_start3A_38 = tpu.memref_squeeze %dma_start3A_37 : memref<1x128xi32, #tpu.memory_space<vmem>> -> memref<128xi32, #tpu.memory_space<vmem>>
    %dma_start3A_39 = tpu.memref_slice %arg5[%add3A_4] : memref<16384xi32, #tpu.memory_space<hbm>> -> memref<128xi32, #tpu.memory_space<hbm>>
    tpu.enqueue_dma source(%dma_start3A_39 : memref<128xi32, #tpu.memory_space<hbm>>) target(%dma_start3A_38 : memref<128xi32, #tpu.memory_space<vmem>>) target_semaphore(%arg15 : memref<!tpu.dma_semaphore, #tpu.memory_space<semaphore_mem>>)
    %dma_wait3A = arith.constant 0 : i32
    %dma_wait3A_40 = arith.constant 0 : i32
    %dma_wait3A_41 = tpu.memref_slice %arg11[%dma_wait3A, %dma_wait3A_40] : memref<4x128xi32, #tpu.memory_space<vmem>> -> memref<1x128xi32, #tpu.memory_space<vmem>>
    %dma_wait3A_42 = tpu.memref_squeeze %dma_wait3A_41 : memref<1x128xi32, #tpu.memory_space<vmem>> -> memref<128xi32, #tpu.memory_space<vmem>>
    %dma_wait3A_43 = tpu.memref_slice %arg3[%add3A_4] : memref<16384xi32, #tpu.memory_space<hbm>> -> memref<128xi32, #tpu.memory_space<hbm>>
    %dma_wait3A_44 = arith.constant 0 : i32
    %dma_wait3A_45 = tpu.memref_slice %arg11[%dma_wait3A, %dma_wait3A_44] : memref<4x128xi32, #tpu.memory_space<vmem>> -> memref<1x128xi32, #tpu.memory_space<vmem>>
    %dma_wait3A_46 = tpu.memref_squeeze %dma_wait3A_45 : memref<1x128xi32, #tpu.memory_space<vmem>> -> memref<128xi32, #tpu.memory_space<vmem>>
    %dma_wait3A_47 = tpu.memref_slice %arg3[%add3A_4] : memref<16384xi32, #tpu.memory_space<hbm>> -> memref<128xi32, #tpu.memory_space<hbm>>
    tpu.wait_dma2 semaphore(%arg15 : memref<!tpu.dma_semaphore, #tpu.memory_space<semaphore_mem>>) src(%dma_wait3A_47 : memref<128xi32, #tpu.memory_space<hbm>>) dst(%dma_wait3A_46 : memref<128xi32, #tpu.memory_space<vmem>>)
    %dma_wait3A_48 = arith.constant 1 : i32
    %dma_wait3A_49 = arith.constant 0 : i32
    %dma_wait3A_50 = tpu.memref_slice %arg11[%dma_wait3A_48, %dma_wait3A_49] : memref<4x128xi32, #tpu.memory_space<vmem>> -> memref<1x128xi32, #tpu.memory_space<vmem>>
    %dma_wait3A_51 = tpu.memref_squeeze %dma_wait3A_50 : memref<1x128xi32, #tpu.memory_space<vmem>> -> memref<128xi32, #tpu.memory_space<vmem>>
    %dma_wait3A_52 = tpu.memref_slice %arg4[%add3A_4] : memref<16384xi32, #tpu.memory_space<hbm>> -> memref<128xi32, #tpu.memory_space<hbm>>
    %dma_wait3A_53 = arith.constant 0 : i32
    %dma_wait3A_54 = tpu.memref_slice %arg11[%dma_wait3A_48, %dma_wait3A_53] : memref<4x128xi32, #tpu.memory_space<vmem>> -> memref<1x128xi32, #tpu.memory_space<vmem>>
    %dma_wait3A_55 = tpu.memref_squeeze %dma_wait3A_54 : memref<1x128xi32, #tpu.memory_space<vmem>> -> memref<128xi32, #tpu.memory_space<vmem>>
    %dma_wait3A_56 = tpu.memref_slice %arg4[%add3A_4] : memref<16384xi32, #tpu.memory_space<hbm>> -> memref<128xi32, #tpu.memory_space<hbm>>
    tpu.wait_dma2 semaphore(%arg15 : memref<!tpu.dma_semaphore, #tpu.memory_space<semaphore_mem>>) src(%dma_wait3A_56 : memref<128xi32, #tpu.memory_space<hbm>>) dst(%dma_wait3A_55 : memref<128xi32, #tpu.memory_space<vmem>>)
    %dma_wait3A_57 = arith.constant 2 : i32
    %dma_wait3A_58 = arith.constant 0 : i32
    %dma_wait3A_59 = tpu.memref_slice %arg11[%dma_wait3A_57, %dma_wait3A_58] : memref<4x128xi32, #tpu.memory_space<vmem>> -> memref<1x128xi32, #tpu.memory_space<vmem>>
    %dma_wait3A_60 = tpu.memref_squeeze %dma_wait3A_59 : memref<1x128xi32, #tpu.memory_space<vmem>> -> memref<128xi32, #tpu.memory_space<vmem>>
    %dma_wait3A_61 = tpu.memref_slice %arg2[%add3A_4] : memref<16384xi32, #tpu.memory_space<hbm>> -> memref<128xi32, #tpu.memory_space<hbm>>
    %dma_wait3A_62 = arith.constant 0 : i32
    %dma_wait3A_63 = tpu.memref_slice %arg11[%dma_wait3A_57, %dma_wait3A_62] : memref<4x128xi32, #tpu.memory_space<vmem>> -> memref<1x128xi32, #tpu.memory_space<vmem>>
    %dma_wait3A_64 = tpu.memref_squeeze %dma_wait3A_63 : memref<1x128xi32, #tpu.memory_space<vmem>> -> memref<128xi32, #tpu.memory_space<vmem>>
    %dma_wait3A_65 = tpu.memref_slice %arg2[%add3A_4] : memref<16384xi32, #tpu.memory_space<hbm>> -> memref<128xi32, #tpu.memory_space<hbm>>
    tpu.wait_dma2 semaphore(%arg15 : memref<!tpu.dma_semaphore, #tpu.memory_space<semaphore_mem>>) src(%dma_wait3A_65 : memref<128xi32, #tpu.memory_space<hbm>>) dst(%dma_wait3A_64 : memref<128xi32, #tpu.memory_space<vmem>>)
    %dma_wait3A_66 = arith.constant 3 : i32
    %dma_wait3A_67 = arith.constant 0 : i32
    %dma_wait3A_68 = tpu.memref_slice %arg11[%dma_wait3A_66, %dma_wait3A_67] : memref<4x128xi32, #tpu.memory_space<vmem>> -> memref<1x128xi32, #tpu.memory_space<vmem>>
    %dma_wait3A_69 = tpu.memref_squeeze %dma_wait3A_68 : memref<1x128xi32, #tpu.memory_space<vmem>> -> memref<128xi32, #tpu.memory_space<vmem>>
    %dma_wait3A_70 = tpu.memref_slice %arg5[%add3A_4] : memref<16384xi32, #tpu.memory_space<hbm>> -> memref<128xi32, #tpu.memory_space<hbm>>
    %dma_wait3A_71 = arith.constant 0 : i32
    %dma_wait3A_72 = tpu.memref_slice %arg11[%dma_wait3A_66, %dma_wait3A_71] : memref<4x128xi32, #tpu.memory_space<vmem>> -> memref<1x128xi32, #tpu.memory_space<vmem>>
    %dma_wait3A_73 = tpu.memref_squeeze %dma_wait3A_72 : memref<1x128xi32, #tpu.memory_space<vmem>> -> memref<128xi32, #tpu.memory_space<vmem>>
    %dma_wait3A_74 = tpu.memref_slice %arg5[%add3A_4] : memref<16384xi32, #tpu.memory_space<hbm>> -> memref<128xi32, #tpu.memory_space<hbm>>
    tpu.wait_dma2 semaphore(%arg15 : memref<!tpu.dma_semaphore, #tpu.memory_space<semaphore_mem>>) src(%dma_wait3A_74 : memref<128xi32, #tpu.memory_space<hbm>>) dst(%dma_wait3A_73 : memref<128xi32, #tpu.memory_space<vmem>>)
    %dma_start3A_75 = arith.constant 0 : i32
    %dma_start3A_76 = arith.constant 0 : i32
    %dma_start3A_77 = tpu.memref_slice %arg11[%dma_start3A_75, %dma_start3A_76] : memref<4x128xi32, #tpu.memory_space<vmem>> -> memref<1x128xi32, #tpu.memory_space<vmem>>
    %dma_start3A_78 = tpu.memref_squeeze %dma_start3A_77 : memref<1x128xi32, #tpu.memory_space<vmem>> -> memref<128xi32, #tpu.memory_space<vmem>>
    %dma_start3A_79 = arith.constant 0 : i32
    %dma_start3A_80 = arith.constant 0 : i32
    %dma_start3A_81 = tpu.memref_slice %arg8[%dma_start3A_79, %dma_start3A_80] : memref<1000x128xf32, #tpu.memory_space<hbm>> -> memref<1000x128xf32, #tpu.memory_space<hbm>>
    tpu.enqueue_indirect_dma source(%dma_start3A_81 : memref<1000x128xf32, #tpu.memory_space<hbm>>) target(%arg13 : memref<128x128xf32, #tpu.memory_space<vmem>>) offsets(%dma_start3A_78 : memref<128xi32, #tpu.memory_space<vmem>>) semaphore(%arg16 : memref<!tpu.dma_semaphore, #tpu.memory_space<semaphore_mem>>)
    %dma_start3A_82 = arith.constant 1 : i32
    %dma_start3A_83 = arith.constant 0 : i32
    %dma_start3A_84 = tpu.memref_slice %arg11[%dma_start3A_82, %dma_start3A_83] : memref<4x128xi32, #tpu.memory_space<vmem>> -> memref<1x128xi32, #tpu.memory_space<vmem>>
    %dma_start3A_85 = tpu.memref_squeeze %dma_start3A_84 : memref<1x128xi32, #tpu.memory_space<vmem>> -> memref<128xi32, #tpu.memory_space<vmem>>
    %dma_start3A_86 = arith.constant 0 : i32
    %dma_start3A_87 = arith.constant 0 : i32
    %dma_start3A_88 = tpu.memref_slice %arg9[%dma_start3A_86, %dma_start3A_87] : memref<1000x128xf32, #tpu.memory_space<hbm>> -> memref<1000x128xf32, #tpu.memory_space<hbm>>
    tpu.enqueue_indirect_dma source(%dma_start3A_88 : memref<1000x128xf32, #tpu.memory_space<hbm>>) target(%arg14 : memref<128x128xf32, #tpu.memory_space<vmem>>) offsets(%dma_start3A_85 : memref<128xi32, #tpu.memory_space<vmem>>) semaphore(%arg16 : memref<!tpu.dma_semaphore, #tpu.memory_space<semaphore_mem>>)
    %dma_start3A_89 = arith.constant 2 : i32
    %dma_start3A_90 = arith.constant 0 : i32
    %dma_start3A_91 = arith.constant 0 : i32
    %dma_start3A_92 = arith.constant 0 : i32
    %dma_start3A_93 = tpu.memref_slice %arg12[%dma_start3A_90, %dma_start3A_91, %dma_start3A_92] : memref<2x128x128xf32, #tpu.memory_space<vmem>> -> memref<1x128x128xf32, #tpu.memory_space<vmem>>
    %dma_start3A_94 = tpu.memref_squeeze %dma_start3A_93 : memref<1x128x128xf32, #tpu.memory_space<vmem>> -> memref<128x128xf32, #tpu.memory_space<vmem>>
    %dma_start3A_95 = arith.constant 0 : i32
    %dma_start3A_96 = tpu.memref_slice %arg11[%dma_start3A_89, %dma_start3A_95] : memref<4x128xi32, #tpu.memory_space<vmem>> -> memref<1x128xi32, #tpu.memory_space<vmem>>
    %dma_start3A_97 = tpu.memref_squeeze %dma_start3A_96 : memref<1x128xi32, #tpu.memory_space<vmem>> -> memref<128xi32, #tpu.memory_space<vmem>>
    %dma_start3A_98 = arith.constant 0 : i32
    %dma_start3A_99 = arith.constant 0 : i32
    %dma_start3A_100 = tpu.memref_slice %arg6[%dma_start3A_98, %dma_start3A_99] : memref<100000x128xf32, #tpu.memory_space<hbm>> -> memref<100000x128xf32, #tpu.memory_space<hbm>>
    tpu.enqueue_indirect_dma source(%dma_start3A_100 : memref<100000x128xf32, #tpu.memory_space<hbm>>) target(%dma_start3A_94 : memref<128x128xf32, #tpu.memory_space<vmem>>) offsets(%dma_start3A_97 : memref<128xi32, #tpu.memory_space<vmem>>) semaphore(%arg16 : memref<!tpu.dma_semaphore, #tpu.memory_space<semaphore_mem>>)
    %dma_start3A_101 = arith.constant 3 : i32
    %dma_start3A_102 = arith.constant 1 : i32
    %dma_start3A_103 = arith.constant 0 : i32
    %dma_start3A_104 = arith.constant 0 : i32
    %dma_start3A_105 = tpu.memref_slice %arg12[%dma_start3A_102, %dma_start3A_103, %dma_start3A_104] : memref<2x128x128xf32, #tpu.memory_space<vmem>> -> memref<1x128x128xf32, #tpu.memory_space<vmem>>
    %dma_start3A_106 = tpu.memref_squeeze %dma_start3A_105 : memref<1x128x128xf32, #tpu.memory_space<vmem>> -> memref<128x128xf32, #tpu.memory_space<vmem>>
    %dma_start3A_107 = arith.constant 0 : i32
    %dma_start3A_108 = tpu.memref_slice %arg11[%dma_start3A_101, %dma_start3A_107] : memref<4x128xi32, #tpu.memory_space<vmem>> -> memref<1x128xi32, #tpu.memory_space<vmem>>
    %dma_start3A_109 = tpu.memref_squeeze %dma_start3A_108 : memref<1x128xi32, #tpu.memory_space<vmem>> -> memref<128xi32, #tpu.memory_space<vmem>>
    %dma_start3A_110 = arith.constant 0 : i32
    %dma_start3A_111 = arith.constant 0 : i32
    %dma_start3A_112 = tpu.memref_slice %arg7[%dma_start3A_110, %dma_start3A_111] : memref<100000x128xf32, #tpu.memory_space<hbm>> -> memref<100000x128xf32, #tpu.memory_space<hbm>>
    tpu.enqueue_indirect_dma source(%dma_start3A_112 : memref<100000x128xf32, #tpu.memory_space<hbm>>) target(%dma_start3A_106 : memref<128x128xf32, #tpu.memory_space<vmem>>) offsets(%dma_start3A_109 : memref<128xi32, #tpu.memory_space<vmem>>) semaphore(%arg16 : memref<!tpu.dma_semaphore, #tpu.memory_space<semaphore_mem>>)
    %dma_wait3A_113 = arith.constant 0 : i32
    %dma_wait3A_114 = arith.constant 0 : i32
    %dma_wait3A_115 = tpu.memref_slice %arg11[%dma_wait3A_113, %dma_wait3A_114] : memref<4x128xi32, #tpu.memory_space<vmem>> -> memref<1x128xi32, #tpu.memory_space<vmem>>
    %dma_wait3A_116 = tpu.memref_squeeze %dma_wait3A_115 : memref<1x128xi32, #tpu.memory_space<vmem>> -> memref<128xi32, #tpu.memory_space<vmem>>
    %dma_wait3A_117 = arith.constant 0 : i32
    %dma_wait3A_118 = arith.constant 0 : i32
    %dma_wait3A_119 = tpu.memref_slice %arg8[%dma_wait3A_117, %dma_wait3A_118] : memref<1000x128xf32, #tpu.memory_space<hbm>> -> memref<1000x128xf32, #tpu.memory_space<hbm>>
    tpu.wait_indirect_dma semaphore(%arg16 : memref<!tpu.dma_semaphore, #tpu.memory_space<semaphore_mem>>) src(%dma_wait3A_119 : memref<1000x128xf32, #tpu.memory_space<hbm>>) dst(%arg13 : memref<128x128xf32, #tpu.memory_space<vmem>>)
    %dma_wait3A_120 = arith.constant 1 : i32
    %dma_wait3A_121 = arith.constant 0 : i32
    %dma_wait3A_122 = tpu.memref_slice %arg11[%dma_wait3A_120, %dma_wait3A_121] : memref<4x128xi32, #tpu.memory_space<vmem>> -> memref<1x128xi32, #tpu.memory_space<vmem>>
    %dma_wait3A_123 = tpu.memref_squeeze %dma_wait3A_122 : memref<1x128xi32, #tpu.memory_space<vmem>> -> memref<128xi32, #tpu.memory_space<vmem>>
    %dma_wait3A_124 = arith.constant 0 : i32
    %dma_wait3A_125 = arith.constant 0 : i32
    %dma_wait3A_126 = tpu.memref_slice %arg9[%dma_wait3A_124, %dma_wait3A_125] : memref<1000x128xf32, #tpu.memory_space<hbm>> -> memref<1000x128xf32, #tpu.memory_space<hbm>>
    tpu.wait_indirect_dma semaphore(%arg16 : memref<!tpu.dma_semaphore, #tpu.memory_space<semaphore_mem>>) src(%dma_wait3A_126 : memref<1000x128xf32, #tpu.memory_space<hbm>>) dst(%arg14 : memref<128x128xf32, #tpu.memory_space<vmem>>)
    %scan3A = arith.constant 0 : i32
    %scan3A_127 = arith.constant 0 : i32
    %scan3A_128 = arith.constant 128 : i32
    %scan3A_129 = arith.addi %scan3A_127, %scan3A_128 : i32
    %scan3A_130 = arith.constant 2 : i32
    scf.for %scan3A_234 = %scan3A_127 to %scan3A_129 step %scan3A_130  : i32 {
      %get3A = arith.index_cast %scan3A_234 : i32 to index
      %get3A_235 = arith.constant 0 : index
      %get3A_236 = tpu.vector_load %arg14[%get3A, %get3A_235] {strides = array<i32>} : memref<128x128xf32, #tpu.memory_space<vmem>>, vector<1x16xf32>,
      %get3A_237 = vector.shape_cast %get3A_236 : vector<1x16xf32> to vector<16xf32>
      %swap3A = arith.index_cast %scan3A_234 : i32 to index
      %swap3A_238 = arith.constant 0 : index
      %swap3A_239 = tpu.vector_load %arg13[%swap3A, %swap3A_238] {strides = array<i32>} : memref<128x128xf32, #tpu.memory_space<vmem>>, vector<1x16xf32>,
      %swap3A_240 = vector.shape_cast %swap3A_239 : vector<1x16xf32> to vector<16xf32>
      %swap3A_241 = vector.shape_cast %get3A_237 : vector<16xf32> to vector<1x16xf32>
      tpu.vector_store %arg13[%swap3A, %swap3A_238], %swap3A_241 {add = true, strides = array<i32>} : memref<128x128xf32, #tpu.memory_space<vmem>>, vector<1x16xf32>,
      %get3A_242 = arith.index_cast %scan3A_234 : i32 to index
      %get3A_243 = arith.constant 16 : index
      %get3A_244 = tpu.vector_load %arg14[%get3A_242, %get3A_243] {strides = array<i32>} : memref<128x128xf32, #tpu.memory_space<vmem>>, vector<1x16xf32>,
      %get3A_245 = vector.shape_cast %get3A_244 : vector<1x16xf32> to vector<16xf32>
      %swap3A_246 = arith.index_cast %scan3A_234 : i32 to index
      %swap3A_247 = arith.constant 16 : index
      %swap3A_248 = tpu.vector_load %arg13[%swap3A_246, %swap3A_247] {strides = array<i32>} : memref<128x128xf32, #tpu.memory_space<vmem>>, vector<1x16xf32>,
      %swap3A_249 = vector.shape_cast %swap3A_248 : vector<1x16xf32> to vector<16xf32>
      %swap3A_250 = vector.shape_cast %get3A_245 : vector<16xf32> to vector<1x16xf32>
      tpu.vector_store %arg13[%swap3A_246, %swap3A_247], %swap3A_250 {add = true, strides = array<i32>} : memref<128x128xf32, #tpu.memory_space<vmem>>, vector<1x16xf32>,
      %get3A_251 = arith.index_cast %scan3A_234 : i32 to index
      %get3A_252 = arith.constant 32 : index
      %get3A_253 = tpu.vector_load %arg14[%get3A_251, %get3A_252] {strides = array<i32>} : memref<128x128xf32, #tpu.memory_space<vmem>>, vector<1x16xf32>,
      %get3A_254 = vector.shape_cast %get3A_253 : vector<1x16xf32> to vector<16xf32>
      %swap3A_255 = arith.index_cast %scan3A_234 : i32 to index
      %swap3A_256 = arith.constant 32 : index
      %swap3A_257 = tpu.vector_load %arg13[%swap3A_255, %swap3A_256] {strides = array<i32>} : memref<128x128xf32, #tpu.memory_space<vmem>>, vector<1x16xf32>,
      %swap3A_258 = vector.shape_cast %swap3A_257 : vector<1x16xf32> to vector<16xf32>
      %swap3A_259 = vector.shape_cast %get3A_254 : vector<16xf32> to vector<1x16xf32>
      tpu.vector_store %arg13[%swap3A_255, %swap3A_256], %swap3A_259 {add = true, strides = array<i32>} : memref<128x128xf32, #tpu.memory_space<vmem>>, vector<1x16xf32>,
      %get3A_260 = arith.index_cast %scan3A_234 : i32 to index
      %get3A_261 = arith.constant 48 : index
      %get3A_262 = tpu.vector_load %arg14[%get3A_260, %get3A_261] {strides = array<i32>} : memref<128x128xf32, #tpu.memory_space<vmem>>, vector<1x16xf32>,
      %get3A_263 = vector.shape_cast %get3A_262 : vector<1x16xf32> to vector<16xf32>
      %swap3A_264 = arith.index_cast %scan3A_234 : i32 to index
      %swap3A_265 = arith.constant 48 : index
      %swap3A_266 = tpu.vector_load %arg13[%swap3A_264, %swap3A_265] {strides = array<i32>} : memref<128x128xf32, #tpu.memory_space<vmem>>, vector<1x16xf32>,
      %swap3A_267 = vector.shape_cast %swap3A_266 : vector<1x16xf32> to vector<16xf32>
      %swap3A_268 = vector.shape_cast %get3A_263 : vector<16xf32> to vector<1x16xf32>
      tpu.vector_store %arg13[%swap3A_264, %swap3A_265], %swap3A_268 {add = true, strides = array<i32>} : memref<128x128xf32, #tpu.memory_space<vmem>>, vector<1x16xf32>,
      %get3A_269 = arith.index_cast %scan3A_234 : i32 to index
      %get3A_270 = arith.constant 64 : index
      %get3A_271 = tpu.vector_load %arg14[%get3A_269, %get3A_270] {strides = array<i32>} : memref<128x128xf32, #tpu.memory_space<vmem>>, vector<1x16xf32>,
      %get3A_272 = vector.shape_cast %get3A_271 : vector<1x16xf32> to vector<16xf32>
      %swap3A_273 = arith.index_cast %scan3A_234 : i32 to index
      %swap3A_274 = arith.constant 64 : index
      %swap3A_275 = tpu.vector_load %arg13[%swap3A_273, %swap3A_274] {strides = array<i32>} : memref<128x128xf32, #tpu.memory_space<vmem>>, vector<1x16xf32>,
      %swap3A_276 = vector.shape_cast %swap3A_275 : vector<1x16xf32> to vector<16xf32>
      %swap3A_277 = vector.shape_cast %get3A_272 : vector<16xf32> to vector<1x16xf32>
      tpu.vector_store %arg13[%swap3A_273, %swap3A_274], %swap3A_277 {add = true, strides = array<i32>} : memref<128x128xf32, #tpu.memory_space<vmem>>, vector<1x16xf32>,
      %get3A_278 = arith.index_cast %scan3A_234 : i32 to index
      %get3A_279 = arith.constant 80 : index
      %get3A_280 = tpu.vector_load %arg14[%get3A_278, %get3A_279] {strides = array<i32>} : memref<128x128xf32, #tpu.memory_space<vmem>>, vector<1x16xf32>,
      %get3A_281 = vector.shape_cast %get3A_280 : vector<1x16xf32> to vector<16xf32>
      %swap3A_282 = arith.index_cast %scan3A_234 : i32 to index
      %swap3A_283 = arith.constant 80 : index
      %swap3A_284 = tpu.vector_load %arg13[%swap3A_282, %swap3A_283] {strides = array<i32>} : memref<128x128xf32, #tpu.memory_space<vmem>>, vector<1x16xf32>,
      %swap3A_285 = vector.shape_cast %swap3A_284 : vector<1x16xf32> to vector<16xf32>
      %swap3A_286 = vector.shape_cast %get3A_281 : vector<16xf32> to vector<1x16xf32>
      tpu.vector_store %arg13[%swap3A_282, %swap3A_283], %swap3A_286 {add = true, strides = array<i32>} : memref<128x128xf32, #tpu.memory_space<vmem>>, vector<1x16xf32>,
      %get3A_287 = arith.index_cast %scan3A_234 : i32 to index
      %get3A_288 = arith.constant 96 : index
      %get3A_289 = tpu.vector_load %arg14[%get3A_287, %get3A_288] {strides = array<i32>} : memref<128x128xf32, #tpu.memory_space<vmem>>, vector<1x16xf32>,
      %get3A_290 = vector.shape_cast %get3A_289 : vector<1x16xf32> to vector<16xf32>
      %swap3A_291 = arith.index_cast %scan3A_234 : i32 to index
      %swap3A_292 = arith.constant 96 : index
      %swap3A_293 = tpu.vector_load %arg13[%swap3A_291, %swap3A_292] {strides = array<i32>} : memref<128x128xf32, #tpu.memory_space<vmem>>, vector<1x16xf32>,
      %swap3A_294 = vector.shape_cast %swap3A_293 : vector<1x16xf32> to vector<16xf32>
      %swap3A_295 = vector.shape_cast %get3A_290 : vector<16xf32> to vector<1x16xf32>
      tpu.vector_store %arg13[%swap3A_291, %swap3A_292], %swap3A_295 {add = true, strides = array<i32>} : memref<128x128xf32, #tpu.memory_space<vmem>>, vector<1x16xf32>,
      %get3A_296 = arith.index_cast %scan3A_234 : i32 to index
      %get3A_297 = arith.constant 112 : index
      %get3A_298 = tpu.vector_load %arg14[%get3A_296, %get3A_297] {strides = array<i32>} : memref<128x128xf32, #tpu.memory_space<vmem>>, vector<1x16xf32>,
      %get3A_299 = vector.shape_cast %get3A_298 : vector<1x16xf32> to vector<16xf32>
      %swap3A_300 = arith.index_cast %scan3A_234 : i32 to index
      %swap3A_301 = arith.constant 112 : index
      %swap3A_302 = tpu.vector_load %arg13[%swap3A_300, %swap3A_301] {strides = array<i32>} : memref<128x128xf32, #tpu.memory_space<vmem>>, vector<1x16xf32>,
      %swap3A_303 = vector.shape_cast %swap3A_302 : vector<1x16xf32> to vector<16xf32>
      %swap3A_304 = vector.shape_cast %get3A_299 : vector<16xf32> to vector<1x16xf32>
      tpu.vector_store %arg13[%swap3A_300, %swap3A_301], %swap3A_304 {add = true, strides = array<i32>} : memref<128x128xf32, #tpu.memory_space<vmem>>, vector<1x16xf32>,
      %scan3A_305 = arith.constant 1 : i32
      %scan3A_306 = arith.addi %scan3A_234, %scan3A_305 : i32
      %get3A_307 = arith.index_cast %scan3A_306 : i32 to index
      %get3A_308 = arith.constant 0 : index
      %get3A_309 = tpu.vector_load %arg14[%get3A_307, %get3A_308] {strides = array<i32>} : memref<128x128xf32, #tpu.memory_space<vmem>>, vector<1x16xf32>,
      %get3A_310 = vector.shape_cast %get3A_309 : vector<1x16xf32> to vector<16xf32>
      %swap3A_311 = arith.index_cast %scan3A_306 : i32 to index
      %swap3A_312 = arith.constant 0 : index
      %swap3A_313 = tpu.vector_load %arg13[%swap3A_311, %swap3A_312] {strides = array<i32>} : memref<128x128xf32, #tpu.memory_space<vmem>>, vector<1x16xf32>,
      %swap3A_314 = vector.shape_cast %swap3A_313 : vector<1x16xf32> to vector<16xf32>
      %swap3A_315 = vector.shape_cast %get3A_310 : vector<16xf32> to vector<1x16xf32>
      tpu.vector_store %arg13[%swap3A_311, %swap3A_312], %swap3A_315 {add = true, strides = array<i32>} : memref<128x128xf32, #tpu.memory_space<vmem>>, vector<1x16xf32>,
      %get3A_316 = arith.index_cast %scan3A_306 : i32 to index
      %get3A_317 = arith.constant 16 : index
      %get3A_318 = tpu.vector_load %arg14[%get3A_316, %get3A_317] {strides = array<i32>} : memref<128x128xf32, #tpu.memory_space<vmem>>, vector<1x16xf32>,
      %get3A_319 = vector.shape_cast %get3A_318 : vector<1x16xf32> to vector<16xf32>
      %swap3A_320 = arith.index_cast %scan3A_306 : i32 to index
      %swap3A_321 = arith.constant 16 : index
      %swap3A_322 = tpu.vector_load %arg13[%swap3A_320, %swap3A_321] {strides = array<i32>} : memref<128x128xf32, #tpu.memory_space<vmem>>, vector<1x16xf32>,
      %swap3A_323 = vector.shape_cast %swap3A_322 : vector<1x16xf32> to vector<16xf32>
      %swap3A_324 = vector.shape_cast %get3A_319 : vector<16xf32> to vector<1x16xf32>
      tpu.vector_store %arg13[%swap3A_320, %swap3A_321], %swap3A_324 {add = true, strides = array<i32>} : memref<128x128xf32, #tpu.memory_space<vmem>>, vector<1x16xf32>,
      %get3A_325 = arith.index_cast %scan3A_306 : i32 to index
      %get3A_326 = arith.constant 32 : index
      %get3A_327 = tpu.vector_load %arg14[%get3A_325, %get3A_326] {strides = array<i32>} : memref<128x128xf32, #tpu.memory_space<vmem>>, vector<1x16xf32>,
      %get3A_328 = vector.shape_cast %get3A_327 : vector<1x16xf32> to vector<16xf32>
      %swap3A_329 = arith.index_cast %scan3A_306 : i32 to index
      %swap3A_330 = arith.constant 32 : index
      %swap3A_331 = tpu.vector_load %arg13[%swap3A_329, %swap3A_330] {strides = array<i32>} : memref<128x128xf32, #tpu.memory_space<vmem>>, vector<1x16xf32>,
      %swap3A_332 = vector.shape_cast %swap3A_331 : vector<1x16xf32> to vector<16xf32>
      %swap3A_333 = vector.shape_cast %get3A_328 : vector<16xf32> to vector<1x16xf32>
      tpu.vector_store %arg13[%swap3A_329, %swap3A_330], %swap3A_333 {add = true, strides = array<i32>} : memref<128x128xf32, #tpu.memory_space<vmem>>, vector<1x16xf32>,
      %get3A_334 = arith.index_cast %scan3A_306 : i32 to index
      %get3A_335 = arith.constant 48 : index
      %get3A_336 = tpu.vector_load %arg14[%get3A_334, %get3A_335] {strides = array<i32>} : memref<128x128xf32, #tpu.memory_space<vmem>>, vector<1x16xf32>,
      %get3A_337 = vector.shape_cast %get3A_336 : vector<1x16xf32> to vector<16xf32>
      %swap3A_338 = arith.index_cast %scan3A_306 : i32 to index
      %swap3A_339 = arith.constant 48 : index
      %swap3A_340 = tpu.vector_load %arg13[%swap3A_338, %swap3A_339] {strides = array<i32>} : memref<128x128xf32, #tpu.memory_space<vmem>>, vector<1x16xf32>,
      %swap3A_341 = vector.shape_cast %swap3A_340 : vector<1x16xf32> to vector<16xf32>
      %swap3A_342 = vector.shape_cast %get3A_337 : vector<16xf32> to vector<1x16xf32>
      tpu.vector_store %arg13[%swap3A_338, %swap3A_339], %swap3A_342 {add = true, strides = array<i32>} : memref<128x128xf32, #tpu.memory_space<vmem>>, vector<1x16xf32>,
      %get3A_343 = arith.index_cast %scan3A_306 : i32 to index
      %get3A_344 = arith.constant 64 : index
      %get3A_345 = tpu.vector_load %arg14[%get3A_343, %get3A_344] {strides = array<i32>} : memref<128x128xf32, #tpu.memory_space<vmem>>, vector<1x16xf32>,
      %get3A_346 = vector.shape_cast %get3A_345 : vector<1x16xf32> to vector<16xf32>
      %swap3A_347 = arith.index_cast %scan3A_306 : i32 to index
      %swap3A_348 = arith.constant 64 : index
      %swap3A_349 = tpu.vector_load %arg13[%swap3A_347, %swap3A_348] {strides = array<i32>} : memref<128x128xf32, #tpu.memory_space<vmem>>, vector<1x16xf32>,
      %swap3A_350 = vector.shape_cast %swap3A_349 : vector<1x16xf32> to vector<16xf32>
      %swap3A_351 = vector.shape_cast %get3A_346 : vector<16xf32> to vector<1x16xf32>
      tpu.vector_store %arg13[%swap3A_347, %swap3A_348], %swap3A_351 {add = true, strides = array<i32>} : memref<128x128xf32, #tpu.memory_space<vmem>>, vector<1x16xf32>,
      %get3A_352 = arith.index_cast %scan3A_306 : i32 to index
      %get3A_353 = arith.constant 80 : index
      %get3A_354 = tpu.vector_load %arg14[%get3A_352, %get3A_353] {strides = array<i32>} : memref<128x128xf32, #tpu.memory_space<vmem>>, vector<1x16xf32>,
      %get3A_355 = vector.shape_cast %get3A_354 : vector<1x16xf32> to vector<16xf32>
      %swap3A_356 = arith.index_cast %scan3A_306 : i32 to index
      %swap3A_357 = arith.constant 80 : index
      %swap3A_358 = tpu.vector_load %arg13[%swap3A_356, %swap3A_357] {strides = array<i32>} : memref<128x128xf32, #tpu.memory_space<vmem>>, vector<1x16xf32>,
      %swap3A_359 = vector.shape_cast %swap3A_358 : vector<1x16xf32> to vector<16xf32>
      %swap3A_360 = vector.shape_cast %get3A_355 : vector<16xf32> to vector<1x16xf32>
      tpu.vector_store %arg13[%swap3A_356, %swap3A_357], %swap3A_360 {add = true, strides = array<i32>} : memref<128x128xf32, #tpu.memory_space<vmem>>, vector<1x16xf32>,
      %get3A_361 = arith.index_cast %scan3A_306 : i32 to index
      %get3A_362 = arith.constant 96 : index
      %get3A_363 = tpu.vector_load %arg14[%get3A_361, %get3A_362] {strides = array<i32>} : memref<128x128xf32, #tpu.memory_space<vmem>>, vector<1x16xf32>,
      %get3A_364 = vector.shape_cast %get3A_363 : vector<1x16xf32> to vector<16xf32>
      %swap3A_365 = arith.index_cast %scan3A_306 : i32 to index
      %swap3A_366 = arith.constant 96 : index
      %swap3A_367 = tpu.vector_load %arg13[%swap3A_365, %swap3A_366] {strides = array<i32>} : memref<128x128xf32, #tpu.memory_space<vmem>>, vector<1x16xf32>,
      %swap3A_368 = vector.shape_cast %swap3A_367 : vector<1x16xf32> to vector<16xf32>
      %swap3A_369 = vector.shape_cast %get3A_364 : vector<16xf32> to vector<1x16xf32>
      tpu.vector_store %arg13[%swap3A_365, %swap3A_366], %swap3A_369 {add = true, strides = array<i32>} : memref<128x128xf32, #tpu.memory_space<vmem>>, vector<1x16xf32>,
      %get3A_370 = arith.index_cast %scan3A_306 : i32 to index
      %get3A_371 = arith.constant 112 : index
      %get3A_372 = tpu.vector_load %arg14[%get3A_370, %get3A_371] {strides = array<i32>} : memref<128x128xf32, #tpu.memory_space<vmem>>, vector<1x16xf32>,
      %get3A_373 = vector.shape_cast %get3A_372 : vector<1x16xf32> to vector<16xf32>
      %swap3A_374 = arith.index_cast %scan3A_306 : i32 to index
      %swap3A_375 = arith.constant 112 : index
      %swap3A_376 = tpu.vector_load %arg13[%swap3A_374, %swap3A_375] {strides = array<i32>} : memref<128x128xf32, #tpu.memory_space<vmem>>, vector<1x16xf32>,
      %swap3A_377 = vector.shape_cast %swap3A_376 : vector<1x16xf32> to vector<16xf32>
      %swap3A_378 = vector.shape_cast %get3A_373 : vector<16xf32> to vector<1x16xf32>
      tpu.vector_store %arg13[%swap3A_374, %swap3A_375], %swap3A_378 {add = true, strides = array<i32>} : memref<128x128xf32, #tpu.memory_space<vmem>>, vector<1x16xf32>,
    }
    %scan3A_131 = arith.constant 128 : i32
    %dma_start3A_132 = arith.constant 2 : i32
    %dma_start3A_133 = arith.constant 0 : i32
    %dma_start3A_134 = tpu.memref_slice %arg10[%dma_start3A_132, %mul3A_2, %dma_start3A_133] : memref<3x4096x128xf32, #tpu.memory_space<hbm>> -> memref<1x128x128xf32, #tpu.memory_space<hbm>>
    %dma_start3A_135 = tpu.memref_squeeze %dma_start3A_134 : memref<1x128x128xf32, #tpu.memory_space<hbm>> -> memref<128x128xf32, #tpu.memory_space<hbm>>
    %dma_start3A_136 = arith.constant 0 : i32
    %dma_start3A_137 = tpu.memref_slice %arg10[%dma_start3A_132, %mul3A_2, %dma_start3A_136] : memref<3x4096x128xf32, #tpu.memory_space<hbm>> -> memref<1x128x128xf32, #tpu.memory_space<hbm>>
    %dma_start3A_138 = tpu.memref_squeeze %dma_start3A_137 : memref<1x128x128xf32, #tpu.memory_space<hbm>> -> memref<128x128xf32, #tpu.memory_space<hbm>>
    tpu.enqueue_dma source(%arg13 : memref<128x128xf32, #tpu.memory_space<vmem>>) target(%dma_start3A_138 : memref<128x128xf32, #tpu.memory_space<hbm>>) target_semaphore(%arg17 : memref<!tpu.dma_semaphore, #tpu.memory_space<semaphore_mem>>)
    %dma_wait3A_139 = arith.constant 2 : i32
    %dma_wait3A_140 = arith.constant 0 : i32
    %dma_wait3A_141 = arith.constant 0 : i32
    %dma_wait3A_142 = arith.constant 0 : i32
    %dma_wait3A_143 = tpu.memref_slice %arg12[%dma_wait3A_140, %dma_wait3A_141, %dma_wait3A_142] : memref<2x128x128xf32, #tpu.memory_space<vmem>> -> memref<1x128x128xf32, #tpu.memory_space<vmem>>
    %dma_wait3A_144 = tpu.memref_squeeze %dma_wait3A_143 : memref<1x128x128xf32, #tpu.memory_space<vmem>> -> memref<128x128xf32, #tpu.memory_space<vmem>>
    %dma_wait3A_145 = arith.constant 0 : i32
    %dma_wait3A_146 = tpu.memref_slice %arg11[%dma_wait3A_139, %dma_wait3A_145] : memref<4x128xi32, #tpu.memory_space<vmem>> -> memref<1x128xi32, #tpu.memory_space<vmem>>
    %dma_wait3A_147 = tpu.memref_squeeze %dma_wait3A_146 : memref<1x128xi32, #tpu.memory_space<vmem>> -> memref<128xi32, #tpu.memory_space<vmem>>
    %dma_wait3A_148 = arith.constant 0 : i32
    %dma_wait3A_149 = arith.constant 0 : i32
    %dma_wait3A_150 = tpu.memref_slice %arg6[%dma_wait3A_148, %dma_wait3A_149] : memref<100000x128xf32, #tpu.memory_space<hbm>> -> memref<100000x128xf32, #tpu.memory_space<hbm>>
    tpu.wait_indirect_dma semaphore(%arg16 : memref<!tpu.dma_semaphore, #tpu.memory_space<semaphore_mem>>) src(%dma_wait3A_150 : memref<100000x128xf32, #tpu.memory_space<hbm>>) dst(%dma_wait3A_144 : memref<128x128xf32, #tpu.memory_space<vmem>>)
    %dma_start3A_151 = arith.constant 0 : i32
    %dma_start3A_152 = arith.constant 0 : i32
    %dma_start3A_153 = arith.constant 0 : i32
    %dma_start3A_154 = arith.constant 0 : i32
    %dma_start3A_155 = tpu.memref_slice %arg12[%dma_start3A_151, %dma_start3A_153, %dma_start3A_154] : memref<2x128x128xf32, #tpu.memory_space<vmem>> -> memref<1x128x128xf32, #tpu.memory_space<vmem>>
    %dma_start3A_156 = tpu.memref_squeeze %dma_start3A_155 : memref<1x128x128xf32, #tpu.memory_space<vmem>> -> memref<128x128xf32, #tpu.memory_space<vmem>>
    %dma_start3A_157 = arith.constant 0 : i32
    %dma_start3A_158 = tpu.memref_slice %arg10[%dma_start3A_152, %mul3A_2, %dma_start3A_157] : memref<3x4096x128xf32, #tpu.memory_space<hbm>> -> memref<1x128x128xf32, #tpu.memory_space<hbm>>
    %dma_start3A_159 = tpu.memref_squeeze %dma_start3A_158 : memref<1x128x128xf32, #tpu.memory_space<hbm>> -> memref<128x128xf32, #tpu.memory_space<hbm>>
    %dma_start3A_160 = arith.constant 0 : i32
    %dma_start3A_161 = tpu.memref_slice %arg10[%dma_start3A_152, %mul3A_2, %dma_start3A_160] : memref<3x4096x128xf32, #tpu.memory_space<hbm>> -> memref<1x128x128xf32, #tpu.memory_space<hbm>>
    %dma_start3A_162 = tpu.memref_squeeze %dma_start3A_161 : memref<1x128x128xf32, #tpu.memory_space<hbm>> -> memref<128x128xf32, #tpu.memory_space<hbm>>
    %dma_start3A_163 = arith.constant 0 : i32
    %dma_start3A_164 = arith.constant 0 : i32
    %dma_start3A_165 = tpu.memref_slice %arg12[%dma_start3A_151, %dma_start3A_163, %dma_start3A_164] : memref<2x128x128xf32, #tpu.memory_space<vmem>> -> memref<1x128x128xf32, #tpu.memory_space<vmem>>
    %dma_start3A_166 = tpu.memref_squeeze %dma_start3A_165 : memref<1x128x128xf32, #tpu.memory_space<vmem>> -> memref<128x128xf32, #tpu.memory_space<vmem>>
    tpu.enqueue_dma source(%dma_start3A_166 : memref<128x128xf32, #tpu.memory_space<vmem>>) target(%dma_start3A_162 : memref<128x128xf32, #tpu.memory_space<hbm>>) target_semaphore(%arg17 : memref<!tpu.dma_semaphore, #tpu.memory_space<semaphore_mem>>)
    %dma_wait3A_167 = arith.constant 3 : i32
    %dma_wait3A_168 = arith.constant 1 : i32
    %dma_wait3A_169 = arith.constant 0 : i32
    %dma_wait3A_170 = arith.constant 0 : i32
    %dma_wait3A_171 = tpu.memref_slice %arg12[%dma_wait3A_168, %dma_wait3A_169, %dma_wait3A_170] : memref<2x128x128xf32, #tpu.memory_space<vmem>> -> memref<1x128x128xf32, #tpu.memory_space<vmem>>
    %dma_wait3A_172 = tpu.memref_squeeze %dma_wait3A_171 : memref<1x128x128xf32, #tpu.memory_space<vmem>> -> memref<128x128xf32, #tpu.memory_space<vmem>>
    %dma_wait3A_173 = arith.constant 0 : i32
    %dma_wait3A_174 = tpu.memref_slice %arg11[%dma_wait3A_167, %dma_wait3A_173] : memref<4x128xi32, #tpu.memory_space<vmem>> -> memref<1x128xi32, #tpu.memory_space<vmem>>
    %dma_wait3A_175 = tpu.memref_squeeze %dma_wait3A_174 : memref<1x128xi32, #tpu.memory_space<vmem>> -> memref<128xi32, #tpu.memory_space<vmem>>
    %dma_wait3A_176 = arith.constant 0 : i32
    %dma_wait3A_177 = arith.constant 0 : i32
    %dma_wait3A_178 = tpu.memref_slice %arg7[%dma_wait3A_176, %dma_wait3A_177] : memref<100000x128xf32, #tpu.memory_space<hbm>> -> memref<100000x128xf32, #tpu.memory_space<hbm>>
    tpu.wait_indirect_dma semaphore(%arg16 : memref<!tpu.dma_semaphore, #tpu.memory_space<semaphore_mem>>) src(%dma_wait3A_178 : memref<100000x128xf32, #tpu.memory_space<hbm>>) dst(%dma_wait3A_172 : memref<128x128xf32, #tpu.memory_space<vmem>>)
    %dma_start3A_179 = arith.constant 1 : i32
    %dma_start3A_180 = arith.constant 1 : i32
    %dma_start3A_181 = arith.constant 0 : i32
    %dma_start3A_182 = arith.constant 0 : i32
    %dma_start3A_183 = tpu.memref_slice %arg12[%dma_start3A_179, %dma_start3A_181, %dma_start3A_182] : memref<2x128x128xf32, #tpu.memory_space<vmem>> -> memref<1x128x128xf32, #tpu.memory_space<vmem>>
    %dma_start3A_184 = tpu.memref_squeeze %dma_start3A_183 : memref<1x128x128xf32, #tpu.memory_space<vmem>> -> memref<128x128xf32, #tpu.memory_space<vmem>>
    %dma_start3A_185 = arith.constant 0 : i32
    %dma_start3A_186 = tpu.memref_slice %arg10[%dma_start3A_180, %mul3A_2, %dma_start3A_185] : memref<3x4096x128xf32, #tpu.memory_space<hbm>> -> memref<1x128x128xf32, #tpu.memory_space<hbm>>
    %dma_start3A_187 = tpu.memref_squeeze %dma_start3A_186 : memref<1x128x128xf32, #tpu.memory_space<hbm>> -> memref<128x128xf32, #tpu.memory_space<hbm>>
    %dma_start3A_188 = arith.constant 0 : i32
    %dma_start3A_189 = tpu.memref_slice %arg10[%dma_start3A_180, %mul3A_2, %dma_start3A_188] : memref<3x4096x128xf32, #tpu.memory_space<hbm>> -> memref<1x128x128xf32, #tpu.memory_space<hbm>>
    %dma_start3A_190 = tpu.memref_squeeze %dma_start3A_189 : memref<1x128x128xf32, #tpu.memory_space<hbm>> -> memref<128x128xf32, #tpu.memory_space<hbm>>
    %dma_start3A_191 = arith.constant 0 : i32
    %dma_start3A_192 = arith.constant 0 : i32
    %dma_start3A_193 = tpu.memref_slice %arg12[%dma_start3A_179, %dma_start3A_191, %dma_start3A_192] : memref<2x128x128xf32, #tpu.memory_space<vmem>> -> memref<1x128x128xf32, #tpu.memory_space<vmem>>
    %dma_start3A_194 = tpu.memref_squeeze %dma_start3A_193 : memref<1x128x128xf32, #tpu.memory_space<vmem>> -> memref<128x128xf32, #tpu.memory_space<vmem>>
    tpu.enqueue_dma source(%dma_start3A_194 : memref<128x128xf32, #tpu.memory_space<vmem>>) target(%dma_start3A_190 : memref<128x128xf32, #tpu.memory_space<hbm>>) target_semaphore(%arg17 : memref<!tpu.dma_semaphore, #tpu.memory_space<semaphore_mem>>)
    %dma_wait3A_195 = arith.constant 2 : i32
    %dma_wait3A_196 = arith.constant 0 : i32
    %dma_wait3A_197 = tpu.memref_slice %arg10[%dma_wait3A_195, %mul3A_2, %dma_wait3A_196] : memref<3x4096x128xf32, #tpu.memory_space<hbm>> -> memref<1x128x128xf32, #tpu.memory_space<hbm>>
    %dma_wait3A_198 = tpu.memref_squeeze %dma_wait3A_197 : memref<1x128x128xf32, #tpu.memory_space<hbm>> -> memref<128x128xf32, #tpu.memory_space<hbm>>
    %dma_wait3A_199 = arith.constant 0 : i32
    %dma_wait3A_200 = tpu.memref_slice %arg10[%dma_wait3A_195, %mul3A_2, %dma_wait3A_199] : memref<3x4096x128xf32, #tpu.memory_space<hbm>> -> memref<1x128x128xf32, #tpu.memory_space<hbm>>
    %dma_wait3A_201 = tpu.memref_squeeze %dma_wait3A_200 : memref<1x128x128xf32, #tpu.memory_space<hbm>> -> memref<128x128xf32, #tpu.memory_space<hbm>>
    tpu.wait_dma2 semaphore(%arg17 : memref<!tpu.dma_semaphore, #tpu.memory_space<semaphore_mem>>) src(%arg13 : memref<128x128xf32, #tpu.memory_space<vmem>>) dst(%dma_wait3A_201 : memref<128x128xf32, #tpu.memory_space<hbm>>)
    %dma_wait3A_202 = arith.constant 0 : i32
    %dma_wait3A_203 = arith.constant 0 : i32
    %dma_wait3A_204 = arith.constant 0 : i32
    %dma_wait3A_205 = arith.constant 0 : i32
    %dma_wait3A_206 = tpu.memref_slice %arg12[%dma_wait3A_202, %dma_wait3A_204, %dma_wait3A_205] : memref<2x128x128xf32, #tpu.memory_space<vmem>> -> memref<1x128x128xf32, #tpu.memory_space<vmem>>
    %dma_wait3A_207 = tpu.memref_squeeze %dma_wait3A_206 : memref<1x128x128xf32, #tpu.memory_space<vmem>> -> memref<128x128xf32, #tpu.memory_space<vmem>>
    %dma_wait3A_208 = arith.constant 0 : i32
    %dma_wait3A_209 = tpu.memref_slice %arg10[%dma_wait3A_203, %mul3A_2, %dma_wait3A_208] : memref<3x4096x128xf32, #tpu.memory_space<hbm>> -> memref<1x128x128xf32, #tpu.memory_space<hbm>>
    %dma_wait3A_210 = tpu.memref_squeeze %dma_wait3A_209 : memref<1x128x128xf32, #tpu.memory_space<hbm>> -> memref<128x128xf32, #tpu.memory_space<hbm>>
    %dma_wait3A_211 = arith.constant 0 : i32
    %dma_wait3A_212 = tpu.memref_slice %arg10[%dma_wait3A_203, %mul3A_2, %dma_wait3A_211] : memref<3x4096x128xf32, #tpu.memory_space<hbm>> -> memref<1x128x128xf32, #tpu.memory_space<hbm>>
    %dma_wait3A_213 = tpu.memref_squeeze %dma_wait3A_212 : memref<1x128x128xf32, #tpu.memory_space<hbm>> -> memref<128x128xf32, #tpu.memory_space<hbm>>
    %dma_wait3A_214 = arith.constant 0 : i32
    %dma_wait3A_215 = arith.constant 0 : i32
    %dma_wait3A_216 = tpu.memref_slice %arg12[%dma_wait3A_202, %dma_wait3A_214, %dma_wait3A_215] : memref<2x128x128xf32, #tpu.memory_space<vmem>> -> memref<1x128x128xf32, #tpu.memory_space<vmem>>
    %dma_wait3A_217 = tpu.memref_squeeze %dma_wait3A_216 : memref<1x128x128xf32, #tpu.memory_space<vmem>> -> memref<128x128xf32, #tpu.memory_space<vmem>>
    tpu.wait_dma2 semaphore(%arg17 : memref<!tpu.dma_semaphore, #tpu.memory_space<semaphore_mem>>) src(%dma_wait3A_217 : memref<128x128xf32, #tpu.memory_space<vmem>>) dst(%dma_wait3A_213 : memref<128x128xf32, #tpu.memory_space<hbm>>)
    %dma_wait3A_218 = arith.constant 1 : i32
    %dma_wait3A_219 = arith.constant 1 : i32
    %dma_wait3A_220 = arith.constant 0 : i32
    %dma_wait3A_221 = arith.constant 0 : i32
    %dma_wait3A_222 = tpu.memref_slice %arg12[%dma_wait3A_218, %dma_wait3A_220, %dma_wait3A_221] : memref<2x128x128xf32, #tpu.memory_space<vmem>> -> memref<1x128x128xf32, #tpu.memory_space<vmem>>
    %dma_wait3A_223 = tpu.memref_squeeze %dma_wait3A_222 : memref<1x128x128xf32, #tpu.memory_space<vmem>> -> memref<128x128xf32, #tpu.memory_space<vmem>>
    %dma_wait3A_224 = arith.constant 0 : i32
    %dma_wait3A_225 = tpu.memref_slice %arg10[%dma_wait3A_219, %mul3A_2, %dma_wait3A_224] : memref<3x4096x128xf32, #tpu.memory_space<hbm>> -> memref<1x128x128xf32, #tpu.memory_space<hbm>>
    %dma_wait3A_226 = tpu.memref_squeeze %dma_wait3A_225 : memref<1x128x128xf32, #tpu.memory_space<hbm>> -> memref<128x128xf32, #tpu.memory_space<hbm>>
    %dma_wait3A_227 = arith.constant 0 : i32
    %dma_wait3A_228 = tpu.memref_slice %arg10[%dma_wait3A_219, %mul3A_2, %dma_wait3A_227] : memref<3x4096x128xf32, #tpu.memory_space<hbm>> -> memref<1x128x128xf32, #tpu.memory_space<hbm>>
    %dma_wait3A_229 = tpu.memref_squeeze %dma_wait3A_228 : memref<1x128x128xf32, #tpu.memory_space<hbm>> -> memref<128x128xf32, #tpu.memory_space<hbm>>
    %dma_wait3A_230 = arith.constant 0 : i32
    %dma_wait3A_231 = arith.constant 0 : i32
    %dma_wait3A_232 = tpu.memref_slice %arg12[%dma_wait3A_218, %dma_wait3A_230, %dma_wait3A_231] : memref<2x128x128xf32, #tpu.memory_space<vmem>> -> memref<1x128x128xf32, #tpu.memory_space<vmem>>
    %dma_wait3A_233 = tpu.memref_squeeze %dma_wait3A_232 : memref<1x128x128xf32, #tpu.memory_space<vmem>> -> memref<128x128xf32, #tpu.memory_space<vmem>>
    tpu.wait_dma2 semaphore(%arg17 : memref<!tpu.dma_semaphore, #tpu.memory_space<semaphore_mem>>) src(%dma_wait3A_233 : memref<128x128xf32, #tpu.memory_space<vmem>>) dst(%dma_wait3A_229 : memref<128x128xf32, #tpu.memory_space<hbm>>)
    return
  }
}

module attributes {stable_mosaic.version = 14 : i64} {
  func.func @_proj_body_alias(%arg0: i32, %arg1: memref<3x1024x128xf32, #tpu.memory_space<vmem>>, %arg2: memref<512x128xf32, #tpu.memory_space<vmem>>, %arg3: memref<16384x128xf32, #tpu.memory_space<any>>, %arg4: memref<1024x128xf32, #tpu.memory_space<vmem>>) attributes {dimension_semantics = [#tpu.dimension_semantics<arbitrary>], iteration_bounds = array<i64: 4>, scalar_prefetch = 0 : i64, scratch_operands = 0 : i64, tpu.core_type = #tpu.core_type<tc>, window_params = [{transform_indices = @transform_0, window_bounds = array<i64: 3, 1024, 128>}, {pipeline_mode = #tpu.pipeline_mode<synchronous>, transform_indices = @transform_1, window_bounds = array<i64: 512, 128>}, {}, {transform_indices = @transform_3, window_bounds = array<i64: 1024, 128>}]} {
    %get3A = arith.constant 2 : index
    %get3A_0 = arith.constant 0 : index
    %get3A_1 = arith.constant 0 : index
    %get3A_2 = vector.load %arg1[%get3A, %get3A_0, %get3A_1] : memref<3x1024x128xf32, #tpu.memory_space<vmem>>, vector<1x1024x128xf32>
    %get3A_3 = vector.shape_cast %get3A_2 : vector<1x1024x128xf32> to vector<1024x128xf32>
    %get3A_4 = arith.constant 0 : index
    %get3A_5 = arith.constant 0 : index
    %get3A_6 = arith.constant 0 : index
    %get3A_7 = vector.load %arg1[%get3A_4, %get3A_5, %get3A_6] : memref<3x1024x128xf32, #tpu.memory_space<vmem>>, vector<1x1024x128xf32>
    %get3A_8 = vector.shape_cast %get3A_7 : vector<1x1024x128xf32> to vector<1024x128xf32>
    %get3A_9 = arith.constant 0 : index
    %get3A_10 = arith.constant 0 : index
    %get3A_11 = vector.load %arg2[%get3A_9, %get3A_10] : memref<512x128xf32, #tpu.memory_space<vmem>>, vector<128x128xf32>
    %dot_general3A = arith.constant dense<0.000000e+00> : vector<1024x128xf32>
    %dot_general3A_12 = tpu.matmul %get3A_8, %get3A_11, %dot_general3A {dimension_numbers = #tpu.dot_dimension_numbers<[1], [0], [0], [1], [0, 0, 1, 1], [], []>, transpose_lhs_hint = false} : vector<1024x128xf32>, vector<128x128xf32>, vector<1024x128xf32> -> vector<1024x128xf32>
    %add3A = arith.addf %get3A_3, %dot_general3A_12 : vector<1024x128xf32>
    %get3A_13 = arith.constant 1 : index
    %get3A_14 = arith.constant 0 : index
    %get3A_15 = arith.constant 0 : index
    %get3A_16 = vector.load %arg1[%get3A_13, %get3A_14, %get3A_15] : memref<3x1024x128xf32, #tpu.memory_space<vmem>>, vector<1x1024x128xf32>
    %get3A_17 = vector.shape_cast %get3A_16 : vector<1x1024x128xf32> to vector<1024x128xf32>
    %get3A_18 = arith.constant 384 : index
    %get3A_19 = arith.constant 0 : index
    %get3A_20 = vector.load %arg2[%get3A_18, %get3A_19] : memref<512x128xf32, #tpu.memory_space<vmem>>, vector<128x128xf32>
    %dot_general3A_21 = arith.constant dense<0.000000e+00> : vector<1024x128xf32>
    %dot_general3A_22 = tpu.matmul %get3A_17, %get3A_20, %dot_general3A_21 {dimension_numbers = #tpu.dot_dimension_numbers<[1], [0], [0], [1], [0, 0, 1, 1], [], []>, transpose_lhs_hint = false} : vector<1024x128xf32>, vector<128x128xf32>, vector<1024x128xf32> -> vector<1024x128xf32>
    %add3A_23 = arith.addf %add3A, %dot_general3A_22 : vector<1024x128xf32>
    %swap3A = arith.constant 0 : index
    %swap3A_24 = arith.constant 0 : index
    %swap3A_25 = vector.load %arg4[%swap3A, %swap3A_24] : memref<1024x128xf32, #tpu.memory_space<vmem>>, vector<1024x128xf32>
    tpu.vector_store %arg4[%swap3A, %swap3A_24], %add3A_23 {strides = array<i32>} : memref<1024x128xf32, #tpu.memory_space<vmem>>, vector<1024x128xf32>,
    return
  }
  func.func @transform_0(%arg0: i32) -> (i32, i32, i32) {
    %c0_i32 = arith.constant 0 : i32
    %c0_i32_0 = arith.constant 0 : i32
    %c0_i32_1 = arith.constant 0 : i32
    return %c0_i32, %arg0, %c0_i32_0 : i32, i32, i32
  }
  func.func @transform_1(%arg0: i32) -> (i32, i32) {
    %c0_i32 = arith.constant 0 : i32
    %c0_i32_0 = arith.constant 0 : i32
    %c0_i32_1 = arith.constant 0 : i32
    return %c0_i32, %c0_i32_0 : i32, i32
  }
  func.func @transform_3(%arg0: i32) -> (i32, i32) {
    %add3A = arith.constant 8 : i32
    %add3A_0 = arith.addi %add3A, %arg0 : i32
    %c0_i32 = arith.constant 0 : i32
    %c0_i32_1 = arith.constant 0 : i32
    return %add3A_0, %c0_i32 : i32, i32
  }
}

module attributes {stable_mosaic.version = 14 : i64} {
  func.func @_preproj_body(%arg0: memref<1000x128xf32, #tpu.memory_space<vmem>>, %arg1: memref<1000x128xf32, #tpu.memory_space<vmem>>, %arg2: memref<512x128xf32, #tpu.memory_space<vmem>>, %arg3: memref<1x128xf32, #tpu.memory_space<vmem>>, %arg4: memref<1000x128xf32, #tpu.memory_space<vmem>>, %arg5: memref<1000x128xf32, #tpu.memory_space<vmem>>) attributes {dimension_semantics = [], scalar_prefetch = 0 : i64, scratch_operands = 0 : i64, tpu.core_type = #tpu.core_type<tc>} {
    %get3A = arith.constant 0 : index
    %get3A_0 = arith.constant 0 : index
    %get3A_1 = vector.load %arg0[%get3A, %get3A_0] : memref<1000x128xf32, #tpu.memory_space<vmem>>, vector<1000x128xf32>
    %get3A_2 = arith.constant 128 : index
    %get3A_3 = arith.constant 0 : index
    %get3A_4 = vector.load %arg2[%get3A_2, %get3A_3] : memref<512x128xf32, #tpu.memory_space<vmem>>, vector<128x128xf32>
    %dot_general3A = arith.constant dense<0.000000e+00> : vector<1000x128xf32>
    %dot_general3A_5 = tpu.matmul %get3A_1, %get3A_4, %dot_general3A {dimension_numbers = #tpu.dot_dimension_numbers<[1], [0], [0], [1], [0, 0, 1, 1], [], []>, transpose_lhs_hint = false} : vector<1000x128xf32>, vector<128x128xf32>, vector<1000x128xf32> -> vector<1000x128xf32>
    %get3A_6 = arith.constant 0 : index
    %get3A_7 = arith.constant 0 : index
    %get3A_8 = vector.load %arg3[%get3A_6, %get3A_7] : memref<1x128xf32, #tpu.memory_space<vmem>>, vector<1x128xf32>
    %add3A = vector.broadcast %get3A_8 : vector<1x128xf32> to vector<1000x128xf32>
    %add3A_9 = arith.addf %dot_general3A_5, %add3A : vector<1000x128xf32>
    %swap3A = arith.constant 0 : index
    %swap3A_10 = arith.constant 0 : index
    %swap3A_11 = vector.load %arg4[%swap3A, %swap3A_10] : memref<1000x128xf32, #tpu.memory_space<vmem>>, vector<1000x128xf32>
    tpu.vector_store %arg4[%swap3A, %swap3A_10], %add3A_9 {strides = array<i32>} : memref<1000x128xf32, #tpu.memory_space<vmem>>, vector<1000x128xf32>,
    %get3A_12 = arith.constant 0 : index
    %get3A_13 = arith.constant 0 : index
    %get3A_14 = vector.load %arg1[%get3A_12, %get3A_13] : memref<1000x128xf32, #tpu.memory_space<vmem>>, vector<1000x128xf32>
    %get3A_15 = arith.constant 256 : index
    %get3A_16 = arith.constant 0 : index
    %get3A_17 = vector.load %arg2[%get3A_15, %get3A_16] : memref<512x128xf32, #tpu.memory_space<vmem>>, vector<128x128xf32>
    %dot_general3A_18 = arith.constant dense<0.000000e+00> : vector<1000x128xf32>
    %dot_general3A_19 = tpu.matmul %get3A_14, %get3A_17, %dot_general3A_18 {dimension_numbers = #tpu.dot_dimension_numbers<[1], [0], [0], [1], [0, 0, 1, 1], [], []>, transpose_lhs_hint = false} : vector<1000x128xf32>, vector<128x128xf32>, vector<1000x128xf32> -> vector<1000x128xf32>
    %swap3A_20 = arith.constant 0 : index
    %swap3A_21 = arith.constant 0 : index
    %swap3A_22 = vector.load %arg5[%swap3A_20, %swap3A_21] : memref<1000x128xf32, #tpu.memory_space<vmem>>, vector<1000x128xf32>
    tpu.vector_store %arg5[%swap3A_20, %swap3A_21], %dot_general3A_19 {strides = array<i32>} : memref<1000x128xf32, #tpu.memory_space<vmem>>, vector<1000x128xf32>,
    return
  }
}

module attributes {stable_mosaic.version = 14 : i64} {
  func.func @_proj_body(%arg0: i32, %arg1: memref<3x1024x128xf32, #tpu.memory_space<vmem>>, %arg2: memref<512x128xf32, #tpu.memory_space<vmem>>, %arg3: memref<1024x128xf32, #tpu.memory_space<vmem>>) attributes {dimension_semantics = [#tpu.dimension_semantics<arbitrary>], iteration_bounds = array<i64: 4>, scalar_prefetch = 0 : i64, scratch_operands = 0 : i64, tpu.core_type = #tpu.core_type<tc>, window_params = [{transform_indices = @transform_0, window_bounds = array<i64: 3, 1024, 128>}, {pipeline_mode = #tpu.pipeline_mode<synchronous>, transform_indices = @transform_1, window_bounds = array<i64: 512, 128>}, {transform_indices = @transform_2, window_bounds = array<i64: 1024, 128>}]} {
    %get3A = arith.constant 2 : index
    %get3A_0 = arith.constant 0 : index
    %get3A_1 = arith.constant 0 : index
    %get3A_2 = vector.load %arg1[%get3A, %get3A_0, %get3A_1] : memref<3x1024x128xf32, #tpu.memory_space<vmem>>, vector<1x1024x128xf32>
    %get3A_3 = vector.shape_cast %get3A_2 : vector<1x1024x128xf32> to vector<1024x128xf32>
    %get3A_4 = arith.constant 0 : index
    %get3A_5 = arith.constant 0 : index
    %get3A_6 = arith.constant 0 : index
    %get3A_7 = vector.load %arg1[%get3A_4, %get3A_5, %get3A_6] : memref<3x1024x128xf32, #tpu.memory_space<vmem>>, vector<1x1024x128xf32>
    %get3A_8 = vector.shape_cast %get3A_7 : vector<1x1024x128xf32> to vector<1024x128xf32>
    %get3A_9 = arith.constant 0 : index
    %get3A_10 = arith.constant 0 : index
    %get3A_11 = vector.load %arg2[%get3A_9, %get3A_10] : memref<512x128xf32, #tpu.memory_space<vmem>>, vector<128x128xf32>
    %dot_general3A = arith.constant dense<0.000000e+00> : vector<1024x128xf32>
    %dot_general3A_12 = tpu.matmul %get3A_8, %get3A_11, %dot_general3A {dimension_numbers = #tpu.dot_dimension_numbers<[1], [0], [0], [1], [0, 0, 1, 1], [], []>, transpose_lhs_hint = false} : vector<1024x128xf32>, vector<128x128xf32>, vector<1024x128xf32> -> vector<1024x128xf32>
    %add3A = arith.addf %get3A_3, %dot_general3A_12 : vector<1024x128xf32>
    %get3A_13 = arith.constant 1 : index
    %get3A_14 = arith.constant 0 : index
    %get3A_15 = arith.constant 0 : index
    %get3A_16 = vector.load %arg1[%get3A_13, %get3A_14, %get3A_15] : memref<3x1024x128xf32, #tpu.memory_space<vmem>>, vector<1x1024x128xf32>
    %get3A_17 = vector.shape_cast %get3A_16 : vector<1x1024x128xf32> to vector<1024x128xf32>
    %get3A_18 = arith.constant 384 : index
    %get3A_19 = arith.constant 0 : index
    %get3A_20 = vector.load %arg2[%get3A_18, %get3A_19] : memref<512x128xf32, #tpu.memory_space<vmem>>, vector<128x128xf32>
    %dot_general3A_21 = arith.constant dense<0.000000e+00> : vector<1024x128xf32>
    %dot_general3A_22 = tpu.matmul %get3A_17, %get3A_20, %dot_general3A_21 {dimension_numbers = #tpu.dot_dimension_numbers<[1], [0], [0], [1], [0, 0, 1, 1], [], []>, transpose_lhs_hint = false} : vector<1024x128xf32>, vector<128x128xf32>, vector<1024x128xf32> -> vector<1024x128xf32>
    %add3A_23 = arith.addf %add3A, %dot_general3A_22 : vector<1024x128xf32>
    %swap3A = arith.constant 0 : index
    %swap3A_24 = arith.constant 0 : index
    %swap3A_25 = vector.load %arg3[%swap3A, %swap3A_24] : memref<1024x128xf32, #tpu.memory_space<vmem>>, vector<1024x128xf32>
    tpu.vector_store %arg3[%swap3A, %swap3A_24], %add3A_23 {strides = array<i32>} : memref<1024x128xf32, #tpu.memory_space<vmem>>, vector<1024x128xf32>,
    return
  }
  func.func @transform_0(%arg0: i32) -> (i32, i32, i32) {
    %c0_i32 = arith.constant 0 : i32
    %c0_i32_0 = arith.constant 0 : i32
    %c0_i32_1 = arith.constant 0 : i32
    return %c0_i32, %arg0, %c0_i32_0 : i32, i32, i32
  }
  func.func @transform_1(%arg0: i32) -> (i32, i32) {
    %c0_i32 = arith.constant 0 : i32
    %c0_i32_0 = arith.constant 0 : i32
    %c0_i32_1 = arith.constant 0 : i32
    return %c0_i32, %c0_i32_0 : i32, i32
  }
  func.func @transform_2(%arg0: i32) -> (i32, i32) {
    %add3A = arith.constant 0 : i32
    %add3A_0 = arith.addi %add3A, %arg0 : i32
    %c0_i32 = arith.constant 0 : i32
    %c0_i32_1 = arith.constant 0 : i32
    return %add3A_0, %c0_i32 : i32, i32
  }
}

module attributes {stable_mosaic.version = 14 : i64} {
  func.func @_proj_body_alias(%arg0: i32, %arg1: memref<3x1024x128xf32, #tpu.memory_space<vmem>>, %arg2: memref<512x128xf32, #tpu.memory_space<vmem>>, %arg3: memref<16384x128xf32, #tpu.memory_space<any>>, %arg4: memref<1024x128xf32, #tpu.memory_space<vmem>>) attributes {dimension_semantics = [#tpu.dimension_semantics<arbitrary>], iteration_bounds = array<i64: 4>, scalar_prefetch = 0 : i64, scratch_operands = 0 : i64, tpu.core_type = #tpu.core_type<tc>, window_params = [{transform_indices = @transform_0, window_bounds = array<i64: 3, 1024, 128>}, {pipeline_mode = #tpu.pipeline_mode<synchronous>, transform_indices = @transform_1, window_bounds = array<i64: 512, 128>}, {}, {transform_indices = @transform_3, window_bounds = array<i64: 1024, 128>}]} {
    %get3A = arith.constant 2 : index
    %get3A_0 = arith.constant 0 : index
    %get3A_1 = arith.constant 0 : index
    %get3A_2 = vector.load %arg1[%get3A, %get3A_0, %get3A_1] : memref<3x1024x128xf32, #tpu.memory_space<vmem>>, vector<1x1024x128xf32>
    %get3A_3 = vector.shape_cast %get3A_2 : vector<1x1024x128xf32> to vector<1024x128xf32>
    %get3A_4 = arith.constant 0 : index
    %get3A_5 = arith.constant 0 : index
    %get3A_6 = arith.constant 0 : index
    %get3A_7 = vector.load %arg1[%get3A_4, %get3A_5, %get3A_6] : memref<3x1024x128xf32, #tpu.memory_space<vmem>>, vector<1x1024x128xf32>
    %get3A_8 = vector.shape_cast %get3A_7 : vector<1x1024x128xf32> to vector<1024x128xf32>
    %get3A_9 = arith.constant 0 : index
    %get3A_10 = arith.constant 0 : index
    %get3A_11 = vector.load %arg2[%get3A_9, %get3A_10] : memref<512x128xf32, #tpu.memory_space<vmem>>, vector<128x128xf32>
    %dot_general3A = arith.constant dense<0.000000e+00> : vector<1024x128xf32>
    %dot_general3A_12 = tpu.matmul %get3A_8, %get3A_11, %dot_general3A {dimension_numbers = #tpu.dot_dimension_numbers<[1], [0], [0], [1], [0, 0, 1, 1], [], []>, transpose_lhs_hint = false} : vector<1024x128xf32>, vector<128x128xf32>, vector<1024x128xf32> -> vector<1024x128xf32>
    %add3A = arith.addf %get3A_3, %dot_general3A_12 : vector<1024x128xf32>
    %get3A_13 = arith.constant 1 : index
    %get3A_14 = arith.constant 0 : index
    %get3A_15 = arith.constant 0 : index
    %get3A_16 = vector.load %arg1[%get3A_13, %get3A_14, %get3A_15] : memref<3x1024x128xf32, #tpu.memory_space<vmem>>, vector<1x1024x128xf32>
    %get3A_17 = vector.shape_cast %get3A_16 : vector<1x1024x128xf32> to vector<1024x128xf32>
    %get3A_18 = arith.constant 384 : index
    %get3A_19 = arith.constant 0 : index
    %get3A_20 = vector.load %arg2[%get3A_18, %get3A_19] : memref<512x128xf32, #tpu.memory_space<vmem>>, vector<128x128xf32>
    %dot_general3A_21 = arith.constant dense<0.000000e+00> : vector<1024x128xf32>
    %dot_general3A_22 = tpu.matmul %get3A_17, %get3A_20, %dot_general3A_21 {dimension_numbers = #tpu.dot_dimension_numbers<[1], [0], [0], [1], [0, 0, 1, 1], [], []>, transpose_lhs_hint = false} : vector<1024x128xf32>, vector<128x128xf32>, vector<1024x128xf32> -> vector<1024x128xf32>
    %add3A_23 = arith.addf %add3A, %dot_general3A_22 : vector<1024x128xf32>
    %swap3A = arith.constant 0 : index
    %swap3A_24 = arith.constant 0 : index
    %swap3A_25 = vector.load %arg4[%swap3A, %swap3A_24] : memref<1024x128xf32, #tpu.memory_space<vmem>>, vector<1024x128xf32>
    tpu.vector_store %arg4[%swap3A, %swap3A_24], %add3A_23 {strides = array<i32>} : memref<1024x128xf32, #tpu.memory_space<vmem>>, vector<1024x128xf32>,
    return
  }
  func.func @transform_0(%arg0: i32) -> (i32, i32, i32) {
    %c0_i32 = arith.constant 0 : i32
    %c0_i32_0 = arith.constant 0 : i32
    %c0_i32_1 = arith.constant 0 : i32
    return %c0_i32, %arg0, %c0_i32_0 : i32, i32, i32
  }
  func.func @transform_1(%arg0: i32) -> (i32, i32) {
    %c0_i32 = arith.constant 0 : i32
    %c0_i32_0 = arith.constant 0 : i32
    %c0_i32_1 = arith.constant 0 : i32
    return %c0_i32, %c0_i32_0 : i32, i32
  }
  func.func @transform_3(%arg0: i32) -> (i32, i32) {
    %add3A = arith.constant 4 : i32
    %add3A_0 = arith.addi %add3A, %arg0 : i32
    %c0_i32 = arith.constant 0 : i32
    %c0_i32_1 = arith.constant 0 : i32
    return %add3A_0, %c0_i32 : i32, i32
  }
}

module attributes {stable_mosaic.version = 14 : i64} {
  func.func @_proj_body_alias(%arg0: i32, %arg1: memref<3x1024x128xf32, #tpu.memory_space<vmem>>, %arg2: memref<512x128xf32, #tpu.memory_space<vmem>>, %arg3: memref<16384x128xf32, #tpu.memory_space<any>>, %arg4: memref<1024x128xf32, #tpu.memory_space<vmem>>) attributes {dimension_semantics = [#tpu.dimension_semantics<arbitrary>], iteration_bounds = array<i64: 4>, scalar_prefetch = 0 : i64, scratch_operands = 0 : i64, tpu.core_type = #tpu.core_type<tc>, window_params = [{transform_indices = @transform_0, window_bounds = array<i64: 3, 1024, 128>}, {pipeline_mode = #tpu.pipeline_mode<synchronous>, transform_indices = @transform_1, window_bounds = array<i64: 512, 128>}, {}, {transform_indices = @transform_3, window_bounds = array<i64: 1024, 128>}]} {
    %get3A = arith.constant 2 : index
    %get3A_0 = arith.constant 0 : index
    %get3A_1 = arith.constant 0 : index
    %get3A_2 = vector.load %arg1[%get3A, %get3A_0, %get3A_1] : memref<3x1024x128xf32, #tpu.memory_space<vmem>>, vector<1x1024x128xf32>
    %get3A_3 = vector.shape_cast %get3A_2 : vector<1x1024x128xf32> to vector<1024x128xf32>
    %get3A_4 = arith.constant 0 : index
    %get3A_5 = arith.constant 0 : index
    %get3A_6 = arith.constant 0 : index
    %get3A_7 = vector.load %arg1[%get3A_4, %get3A_5, %get3A_6] : memref<3x1024x128xf32, #tpu.memory_space<vmem>>, vector<1x1024x128xf32>
    %get3A_8 = vector.shape_cast %get3A_7 : vector<1x1024x128xf32> to vector<1024x128xf32>
    %get3A_9 = arith.constant 0 : index
    %get3A_10 = arith.constant 0 : index
    %get3A_11 = vector.load %arg2[%get3A_9, %get3A_10] : memref<512x128xf32, #tpu.memory_space<vmem>>, vector<128x128xf32>
    %dot_general3A = arith.constant dense<0.000000e+00> : vector<1024x128xf32>
    %dot_general3A_12 = tpu.matmul %get3A_8, %get3A_11, %dot_general3A {dimension_numbers = #tpu.dot_dimension_numbers<[1], [0], [0], [1], [0, 0, 1, 1], [], []>, transpose_lhs_hint = false} : vector<1024x128xf32>, vector<128x128xf32>, vector<1024x128xf32> -> vector<1024x128xf32>
    %add3A = arith.addf %get3A_3, %dot_general3A_12 : vector<1024x128xf32>
    %get3A_13 = arith.constant 1 : index
    %get3A_14 = arith.constant 0 : index
    %get3A_15 = arith.constant 0 : index
    %get3A_16 = vector.load %arg1[%get3A_13, %get3A_14, %get3A_15] : memref<3x1024x128xf32, #tpu.memory_space<vmem>>, vector<1x1024x128xf32>
    %get3A_17 = vector.shape_cast %get3A_16 : vector<1x1024x128xf32> to vector<1024x128xf32>
    %get3A_18 = arith.constant 384 : index
    %get3A_19 = arith.constant 0 : index
    %get3A_20 = vector.load %arg2[%get3A_18, %get3A_19] : memref<512x128xf32, #tpu.memory_space<vmem>>, vector<128x128xf32>
    %dot_general3A_21 = arith.constant dense<0.000000e+00> : vector<1024x128xf32>
    %dot_general3A_22 = tpu.matmul %get3A_17, %get3A_20, %dot_general3A_21 {dimension_numbers = #tpu.dot_dimension_numbers<[1], [0], [0], [1], [0, 0, 1, 1], [], []>, transpose_lhs_hint = false} : vector<1024x128xf32>, vector<128x128xf32>, vector<1024x128xf32> -> vector<1024x128xf32>
    %add3A_23 = arith.addf %add3A, %dot_general3A_22 : vector<1024x128xf32>
    %swap3A = arith.constant 0 : index
    %swap3A_24 = arith.constant 0 : index
    %swap3A_25 = vector.load %arg4[%swap3A, %swap3A_24] : memref<1024x128xf32, #tpu.memory_space<vmem>>, vector<1024x128xf32>
    tpu.vector_store %arg4[%swap3A, %swap3A_24], %add3A_23 {strides = array<i32>} : memref<1024x128xf32, #tpu.memory_space<vmem>>, vector<1024x128xf32>,
    return
  }
  func.func @transform_0(%arg0: i32) -> (i32, i32, i32) {
    %c0_i32 = arith.constant 0 : i32
    %c0_i32_0 = arith.constant 0 : i32
    %c0_i32_1 = arith.constant 0 : i32
    return %c0_i32, %arg0, %c0_i32_0 : i32, i32, i32
  }
  func.func @transform_1(%arg0: i32) -> (i32, i32) {
    %c0_i32 = arith.constant 0 : i32
    %c0_i32_0 = arith.constant 0 : i32
    %c0_i32_1 = arith.constant 0 : i32
    return %c0_i32, %c0_i32_0 : i32, i32
  }
  func.func @transform_3(%arg0: i32) -> (i32, i32) {
    %add3A = arith.constant 12 : i32
    %add3A_0 = arith.addi %add3A, %arg0 : i32
    %c0_i32 = arith.constant 0 : i32
    %c0_i32_1 = arith.constant 0 : i32
    return %add3A_0, %c0_i32 : i32, i32
  }
}

</mosaic_0001>

<sc_bundles>
// kernel: kernel.11.cloned.1.call-start
scs
__scs_entry_jumppad:
0x0: {  	(pc) =	sbr.rel $0x88, $3  }
0x1: {  	(tag) =	ssettag $0x0;
	lr =	simm.s32 $0x1  }
0x2: {  	[smem:$0x3F97] =	sst lr;
	_ =	strace $0xD0000000  }
0x3: {  	_ = 	snop  }
0x4: {  	_ = 	snop  }
0x5: {  	_ = 	snop  }
0x6: {  	_ = 	snop  }
0x7: {  	_ = 	snop  }
__scs_overlays_trampoline_lowered:
0x8: {  	[smem:$0x3FA6] =	sst s0  }
0x9: {  	[smem:$0x3FA7] =	sst s1  }
0xa: {  	[smem:$0x3FA8] =	sst s2  }
0xb: {  	[smem:$0x3FA9] =	sst s3  }
0xc: {  	[smem:$0x3FAA] =	sst s4  }
0xd: {  	[smem:$0x3FAB] =	sst s5  }
0xe: {  	[smem:$0x3FAC] =	sst s6  }
0xf: {  	[smem:$0x3FAD] =	sst s7  }
0x10: {  	[smem:$0x3FAE] =	sst s8  }
0x11: {  	[smem:$0x3FAF] =	sst s9;
	s0 =	simm.s32 @!p0 $0x0  }
0x12: {  	s1 =	sld [smem:$0x3F95];
	s0 =	simm.s32 @p0 $0x1  }
0x13: {  	[smem:$0x3FB0] =	sst s0;
	s0 =	simm.s32 @!p1 $0x0  }
0x14: {  	s2 =	sld [smem:$0x3F94];
	s0 =	simm.s32 @p1 $0x1  }
0x15: {  	[smem:$0x3FB1] =	sst s0;
	s0 =	simm.s32 @!p2 $0x0  }
0x16: {  	s3 =	sld [smem:$0x3FDB];
	s0 =	simm.s32 @p2 $0x1  }
0x17: {  	s4 =	simm.s32 $0x1BF5;
	[smem:$0x3FB3] =	sst s0  }
0x18: {  	s0 =	sld [smem:$0x3F96];
	_ =	swait.ge [sflag:s4], $0x0  }
0x19: {  	s7 =	sld [smem:$0x3F97]  }
0x1a: {  	s8 =	sadd.s32 $0xFFFFE003, lr  }
0x1b: {  	s9 =	sadd.s32 $0xFFFFFEF7, lr;
	s5 =	simm.s32 $0xFFFFFFFF;
	p2 =	slt.u32 s8, $0xFFFFF086  }
0x1c: {  	p1 =	slt.u32 s9, $0xF7A;
	s5 =	simm.s32 @!p2 $0x0  }
0x1d: {  	s5 =	simm.s32 @p1 $0x1;
	p0 =	seq.s32 s7, s2  }
0x1e: {  	s7 =	smul.u32 @!p0 $0xF7A, s2;
	p2 =	seq.s32 @!p0 s5, $0x0  }
0x1f: {  	s9 =	smul.u32 $0xF7A, s1;
	s8 =	simm.s32 @!p0 $0x1BF5;
	p2 =	por !p2, p0  }
0x20: {  	[sflag:s8] =	ssyncset.s32 @!p0 $0xFFFFF086;
	s6 =	sadd.s32 @!p0 s3, s7;
	s7 =	simm.s32 @!p0 $0x108  }
0x21: {  	s3 =	sadd.s32 s3, s9;
	s6 =	sadd.s32 @!p0 $0x88, s6;
	s7 =	simm.s32 @p2 $0x1082  }
0x22: {  	[simem:s7], [sflag:s8] =	dma.local @!p0 [hbm:s6], $0xF7A  }
0x23: {  	s9 =	sor.u32 $0xD0000000, s2;
	s6 =	simm.s32 $0x108;
	_ =	swait.ge @!p0 [sflag:s8], $0x0  }
0x24: {  	s3 =	sadd.s32 $0x88, s3;
	s6 =	simm.s32 @!p1 $0x1082;
	[sflag:s4] =	ssyncset.s32 $0xFFFFF086  }
0x25: {  	[simem:s6], [sflag:s4] =	dma.local [hbm:s3], $0xF7A  }
0x26: {  	[smem:$0x3F97] =	sst s1;
	(tag) =	ssettag s2;
	_ =	strace s9  }
0x27: {  	s1 =	sld [smem:$0x3FA7]  }
0x28: {  	s2 =	sld [smem:$0x3FA8]  }
0x29: {  	s4 =	sld [smem:$0x3FAA]  }
0x2a: {  	p0 =	seq.s32 s5, $0x0;
	s5 =	sld [smem:$0x3FAB]  }
0x2b: {  	s6 =	sld [smem:$0x3FAC]  }
0x2c: {  	s7 =	sld [smem:$0x3FAD]  }
0x2d: {  	s3 =	simm.s32 $0x108;
	s8 =	sld [smem:$0x3FAE]  }
0x2e: {  	s3 =	simm.s32 @!p0 $0x1082;
	s9 =	sld [smem:$0x3FAF]  }
0x2f: {  	lr =	sadd.s32 s0, s3;
	s0 =	sld [smem:$0x3FA6]  }
0x30: {  	s3 =	sld [smem:$0x3FA9]  }
0x31: {  	[smem:$0x3FB2] =	sst s10  }
0x32: {  	s10 =	sld [smem:$0x3FB0];
	_ =	sdelay $0x3  }
0x33: {  	p0 =	seq.s32 s10, $0x1;
	s10 =	sld [smem:$0x3FB2];
	_ =	sdelay $0x3  }
0x34: {  	[smem:$0x3FB2] =	sst s10  }
0x35: {  	s10 =	sld [smem:$0x3FB1];
	_ =	sdelay $0x3  }
0x36: {  	p1 =	seq.s32 s10, $0x1;
	s10 =	sld [smem:$0x3FB2];
	_ =	sdelay $0x3  }
0x37: {  	[smem:$0x3FB2] =	sst s10  }
0x38: {  	s10 =	sld [smem:$0x3FB3]  }
0x39: {  	_ = 	snop;
	(pc) =	sbr.ind lr, $3  }
0x3a: {  	_ = 	snop  }
0x3b: {  	_ = 	snop  }
0x3c: {  	p2 =	seq.s32 s10, $0x1;
	s10 =	sld [smem:$0x3FB2]  }
0x3d: {  	_ =	shalt  }
0x3e: {  	_ =	shalt  }
0x3f: {  	_ =	shalt  }
0x40: {  	_ =	shalt  }
0x41: {  	_ =	shalt  }
0x42: {  	_ =	shalt  }
0x43: {  	_ =	shalt  }
0x44: {  	_ =	shalt  }
0x45: {  	_ =	shalt  }
0x46: {  	_ =	shalt  }
0x47: {  	_ =	shalt  }
0x48: {  	_ =	shalt  }
0x49: {  	_ =	shalt  }
0x4a: {  	_ =	shalt  }
0x4b: {  	_ =	shalt  }
0x4c: {  	_ =	shalt  }
0x4d: {  	_ =	shalt  }
0x4e: {  	_ =	shalt  }
0x4f: {  	_ =	shalt  }
0x50: {  	_ =	shalt  }
0x51: {  	_ =	shalt  }
0x52: {  	_ =	shalt  }
0x53: {  	_ =	shalt  }
0x54: {  	_ =	shalt  }
0x55: {  	_ =	shalt  }
0x56: {  	_ =	shalt  }
0x57: {  	_ =	shalt  }
0x58: {  	_ =	shalt  }
0x59: {  	_ =	shalt  }
0x5a: {  	_ =	shalt  }
0x5b: {  	_ =	shalt  }
0x5c: {  	_ =	shalt  }
0x5d: {  	_ =	shalt  }
0x5e: {  	_ =	shalt  }
0x5f: {  	_ =	shalt  }
0x60: {  	_ =	shalt  }
0x61: {  	_ =	shalt  }
0x62: {  	_ =	shalt  }
0x63: {  	_ =	shalt  }
0x64: {  	_ =	shalt  }
0x65: {  	_ =	shalt  }
0x66: {  	_ =	shalt  }
0x67: {  	_ =	shalt  }
0x68: {  	_ =	shalt  }
0x69: {  	_ =	shalt  }
0x6a: {  	_ =	shalt  }
0x6b: {  	_ =	shalt  }
0x6c: {  	_ =	shalt  }
0x6d: {  	_ =	shalt  }
0x6e: {  	_ =	shalt  }
0x6f: {  	_ =	shalt  }
0x70: {  	_ =	shalt  }
0x71: {  	_ =	shalt  }
0x72: {  	_ =	shalt  }
0x73: {  	_ =	shalt  }
0x74: {  	_ =	shalt  }
0x75: {  	_ =	shalt  }
0x76: {  	_ =	shalt  }
0x77: {  	_ =	shalt  }
0x78: {  	_ =	shalt  }
0x79: {  	_ =	shalt  }
0x7a: {  	_ =	shalt  }
0x7b: {  	_ =	shalt  }
0x7c: {  	_ =	shalt  }
0x7d: {  	_ =	shalt  }
0x7e: {  	_ =	shalt  }
0x7f: {  	_ =	shalt  }
0x80: {  	_ =	shalt  }
0x81: {  	_ =	shalt  }
0x82: {  	_ =	shalt  }
0x83: {  	_ =	shalt  }
0x84: {  	_ =	shalt  }
0x85: {  	_ =	shalt  }
0x86: {  	_ =	shalt  }
0x87: {  	_ =	shalt  }
.Lfunc_end0:
.L_simem_size_0:
called_computation_lowered:
.L_overlay_start_0:
0x88: {  	s2 =	sld [smem:$0x3FD9]  }
0x89: {  	s3 =	sld [smem:$0x3FFE];
	_ =	sdelay $0x1  }
0x8a: {  	s1 =	srdreg.scid  }
0x8b: {  	s0 =	sand.u32 $0x1, s1  }
0x8c: {  	s17 =	sshll.u32 s0, $0xA;
	s2 =	sadd.s32 s3, s2  }
0x8d: {  	s2 =	sadd.s32 s2, s17  }
0x8e: {  	[smem:$0x3FBE] =	sst s2  }
0x8f: {  	_ = 	snop  }
0x90: {  	s2 =	sld [smem:$0x3FC9]  }
0x91: {  	s18 =	sld [smem:$0x3FC8]  }
0x92: {  	s4 =	sld [smem:$0x3FC7]  }
0x93: {  	s5 =	sld [smem:$0x3FC6]  }
0x94: {  	s6 =	sld [smem:$0x3FC5]  }
0x95: {  	s7 =	sld [smem:$0x3FC2]  }
0x96: {  	s8 =	sld [smem:$0x3FD0];
	(tm) =	ssettm $0x1  }
0x97: {  	s9 =	sld [smem:$0x3FFB];
	_ =	sdelay $0x3  }
0x98: {  	_ =	strace s9  }
0x99: {  	s9 =	sld [smem:$0x3FFC];
	_ =	sdelay $0x3  }
0x9a: {  	_ =	strace s9  }
0x9b: {  	s9 =	sld [smem:$0x3FFD];
	_ =	sdelay $0x3  }
0x9c: {  	_ =	strace s9  }
0x9d: {  	_ =	strace $0x8FFFFFFF  }
0x9e: {  	s19 =	sld [smem:$0x3FDB];
	_ =	sdelay $0x1  }
0x9f: {  	s10 =	simm.s32 $_scs_section_size  }
0xa0: {  	s11 =	simm.s32 $_size__tile_overlayer_lowered;
	s12 =	simm.s32 $_tile_overlayer_lowered  }
0xa1: {  	s22 =	simm.s32 $0x1BFF;
	s21 =	sshll.u32 s12, $0x1;
	s9 =	sadd.s32 s10, s19  }
0xa2: {  	s13 =	simm.s32 $0x0;
	s20 =	sshll.u32 s11, $0x1;
	s11 =	sadd.s32 s21, s9  }
0xa3: {  	[timem:s13], [sflag:s22] =	dma.local [hbm:s11], s20  }
0xa4: {  	_ =	swait.ge [sflag:s22], s20  }
0xa5: {  	s10 =	ssub.s32 $0x0, s20;
	[sflag:s22] =	ssyncset.done $0x0  }
0xa6: {  	[sflag:s22] =	ssyncadd.s32 s10;
	_ =	sdelay $0x1  }
0xa7: {  	s23 =	simm.s32 $0x1B8B  }
0xa8: {  	_ =	swait.ge [sflag:s23], $0x1  }
0xa9: {  	[sflag:s23] =	ssyncset.done $0x0  }
0xaa: {  	s25 =	simm.s32 $0x1B8E;
	s24 =	sld [smem:$0x3FFE];
	[sflag:s23] =	ssyncadd.s32 $0xFFFFFFFF  }
0xab: {  	s26 =	simm.s32 $execute0_lowered;
	[smem:$0x3FD2] =	sst s25  }
0xac: {  	s11 =	sshll.u32 s26, $0x1;
	_ =	strace $0x80000046;
	[dreg:$0x1] =	wrdreg $0xFFFFFFFF  }
0xad: {  	s28 =	simm.s32 $_size_execute0_lowered;
	s9 =	sadd.s32 s9, s11;
	[dreg:$0x0] =	wrdreg $0x0  }
0xae: {  	s11 =	sshll.u32 s28, $0x1;
	[dreg:$0x2] =	wrdreg s9  }
0xaf: {  	[dreg:$0x3] =	wrdreg s11  }
0xb0: {  	[dreg:$0x4] =	wrdreg $0xC0  }
0xb1: {  	_ =	task [dreg:s13], $0x5FFFF  }
0xb2: {  	[dreg:$0x1] =	wrdreg $0xFFFFFFFF  }
0xb3: {  	[dreg:$0x0] =	wrdreg $0x60  }
0xb4: {  	[dreg:$0x2] =	wrdreg s2  }
0xb5: {  	[dreg:$0x3] =	wrdreg s18  }
0xb6: {  	[dreg:$0x4] =	wrdreg s4  }
0xb7: {  	[dreg:$0x5] =	wrdreg s5  }
0xb8: {  	[dreg:$0x6] =	wrdreg s6  }
0xb9: {  	[dreg:$0x7] =	wrdreg s7  }
0xba: {  	[dreg:$0x8] =	wrdreg s24  }
0xbb: {  	[dreg:$0x9] =	wrdreg s8  }
0xbc: {  	[dreg:$0xa] =	wrdreg $0x9  }
0xbd: {  	_ =	task.clear_ibuf [dreg:s13], $0xBFFFF;
	_ =	strace $0x90000046  }
0xbe: {  	s29 =	simm.s32 $0x9;
	_ =	strace $0x80000048  }
0xbf: {  	_ =	swait.ge [sflag:s29], $0x1  }
0xc0: {  	[sflag:s29] =	ssyncadd.s32 $0xFFFFFFFF  }
0xc1: {  	_ =	strace $0x90000048  }
0xc2: {  	_ =	sfence  }
0xc3: {  	s30 =	sld [smem:$0x0];
	_ =	sdelay $0x2  }
0xc4: {  	s31 =	sshll.u32 s1, $0xD;
	s1 =	sshrl.u32 s1, $0x2  }
0xc5: {  	s3 =	sand.u32 $0x4000, s31;
	s1 =	sadd.s32 s1, s30  }
0xc6: {  	s0 =	sor.u32 s3, s0;
	s1 =	sshll.u32 s1, $0x11  }
0xc7: {  	s0 =	sor.u32 s1, s0  }
0xc8: {  	s0 =	sadd.s32 $0x8F2B, s0  }
0xc9: {  	[sflag:s0] =	ssyncadd.remote.s32 $0x1  }
0xca: {  	_ =	sfence.sel $0xFFFF  }
0xcb: {  	[dreg:$0x0] =	wrdreg $0xFFFFFFFF;
	(pc) =	sbr.abs _section_cstart, $3  }
0xcc: {  	[dreg:$0x1] =	wrdreg $0xFFFFFFFF  }
0xcd: {  	_ =	task.clear_ibuf [dreg:s13], $0x2FFFF;
	_ =	strace $0x9FFFFFFF  }
0xce: {  	(tm) =	ssettm $0x7FFFFFFF  }
0xcf: {  	_ =	shalt  }
tec
execute0_lowered:
.L_overlay_start_1:
0x0: {  	(tag) =	ssettag $0x1  }
0x1: {  	s9 =	rddreg [dreg:$0x0]  }
0x2: {  	s7 =	rddreg [dreg:$0x1]  }
0x3: {  	s8 =	rddreg [dreg:$0x2]  }
0x4: {  	s11 =	rddreg [dreg:$0x3]  }
0x5: {  	s1 =	rddreg [dreg:$0x4]  }
0x6: {  	s2 =	rddreg [dreg:$0x5]  }
0x7: {  	s6 =	rddreg [dreg:$0x6]  }
0x8: {  	s10 =	rddreg [dreg:$0x7]  }
0x9: {  	s0 =	rddreg [dreg:$0x8];
	s4 =	simm.s32 $0x0;
	s5 =	srdreg.scid  }
0xa: {  	s3 =	stileid.u32;
	s16 =	simm.s32 $0x100;
	s17 =	simm.s32 $0x180  }
0xb: {  	s18 =	simm.s32 $0x1;
	s19 =	simm.s32 $0x8200;
	s20 =	simm.s32 $0xC200  }
0xc: {  	s21 =	simm.s32 $0x200;
	s22 =	simm.s32 $0x4200;
	s23 =	simm.s32 $0x2  }
0xd: {  	s24 =	simm.s32 $0x3;
	s25 =	simm.s32 $0x0;
	[smem:$0x7FF] =	sst s4  }
0xe: {  	s12 =	sand.u32 $0x1, s5;
	s13 =	sshll.u32 s3, $0x8;
	s5 =	sadd.s32 $0x2800, s6  }
0xf: {  	s6 =	sadd.s32 $0x6800, s6;
	s14 =	sshll.u32 s12, $0x7;
	s12 =	ssub.s32 $0x2, s12  }
0x10: {  	_ =	strace $0x80000047;
	s13 =	sor.u32 s14, s13;
	s30 =	sshrl.u32 s12, $0x1  }
0x11: {  	s15 =	sshrl.u32 s13, $0x3;
	s14 =	ssub.s32 s12, s30;
	s31 =	sshll.u32 s13, $0x4  }
0x12: {  	s7 =	sadd.s32 s7, s15;
	s8 =	sadd.s32 s8, s15;
	s9 =	sadd.s32 s9, s15  }
0x13: {  	s10 =	sadd.s32 s10, s31;
	s11 =	sadd.s32 s11, s15;
	s14 =	smax.u32 s14, $0x1  }
0x14: {  	s15 =	simm.s32 $0x80;
	s12 =	sadd.s32 $0x20000, s10;
	s13 =	sadd.s32 $0x10000, s10  }
.LBB2_1:
0x15: {  	[tilespmem:s4], [sflag:$0x1] =	stream.linear.gather [hbm4b:s7+s4], $0x80, $0x38;
	[tilespmem:$0x10200] =	vst v63  }
0x16: {  	_ = 	snop  }
0x17: {  	[tilespmem:s15], [sflag:$0x1] =	stream.linear.gather [hbm4b:s8+s4], $0x80, $0x38;
	[tilespmem:$0x10200] =	vst v63  }
0x18: {  	_ = 	snop  }
0x19: {  	[tilespmem:s16], [sflag:$0x1] =	stream.linear.gather [hbm4b:s9+s4], $0x80, $0x38;
	[tilespmem:$0x10200] =	vst v63  }
0x1a: {  	_ = 	snop  }
0x1b: {  	[tilespmem:s17], [sflag:$0x1] =	stream.linear.gather [hbm4b:s11+s4], $0x80, $0x38;
	[tilespmem:$0x10200] =	vst v63  }
0x1c: {  	_ =	swait.ge [sflag:s18], $0x80  }
0x1d: {  	[sflag:s18] =	ssyncset.done $0x0  }
0x1e: {  	[sflag:s18] =	ssyncadd.s32 $0xFFFFFF80  }
0x1f: {  	_ =	swait.ge [sflag:s18], $0x80  }
0x20: {  	[sflag:s18] =	ssyncset.done $0x0  }
0x21: {  	[sflag:s18] =	ssyncadd.s32 $0xFFFFFF80  }
0x22: {  	_ =	swait.ge [sflag:s18], $0x80  }
0x23: {  	[sflag:s18] =	ssyncset.done $0x0  }
0x24: {  	[sflag:s18] =	ssyncadd.s32 $0xFFFFFF80  }
0x25: {  	_ =	swait.ge [sflag:s18], $0x80  }
0x26: {  	[sflag:s18] =	ssyncset.done $0x0  }
0x27: {  	[sflag:s18] =	ssyncadd.s32 $0xFFFFFF80  }
0x28: {  	[tilespmem:s19], [sflag:$0x2] =	stream.indirect.gather [hbm4b:s5+s15], $0x80, s4, s15, $0xb8;
	[tilespmem:$0x10200] =	vst v63  }
0x29: {  	_ = 	snop  }
0x2a: {  	[tilespmem:s20], [sflag:$0x2] =	stream.indirect.gather [hbm4b:s6+s15], $0x80, s15, s15, $0xb8;
	[tilespmem:$0x10200] =	vst v63  }
0x2b: {  	_ = 	snop  }
0x2c: {  	[tilespmem:s21], [sflag:$0x2] =	stream.indirect.gather [hbm4b:s1+s15], $0x80, s16, s15, $0xb8;
	[tilespmem:$0x10200] =	vst v63  }
0x2d: {  	_ = 	snop  }
0x2e: {  	[tilespmem:s22], [sflag:$0x2] =	stream.indirect.gather [hbm4b:s2+s15], $0x80, s17, s15, $0xb8;
	[tilespmem:$0x10200] =	vst v63  }
0x2f: {  	_ =	swait.ge [sflag:s23], $0x4000  }
0x30: {  	[sflag:s23] =	ssyncset.done $0x0  }
0x31: {  	[sflag:s23] =	ssyncadd.s32 $0xFFFFC000  }
0x32: {  	_ =	swait.ge [sflag:s23], $0x4000  }
0x33: {  	[sflag:s23] =	ssyncset.done $0x0  }
0x34: {  	s26 =	simm.s32 $0x0;
	[sflag:s23] =	ssyncadd.s32 $0xFFFFC000  }
0x35: {  	v0 =	vld [tilespmem:s26+$0xC2F0]  }
0x36: {  	v1 =	vld [tilespmem:s26+$0xC200]  }
0x37: {  	v2 =	vld [tilespmem:s26+$0xC210]  }
0x38: {  	v3 =	vld [tilespmem:s26+$0xC220]  }
0x39: {  	v4 =	vld [tilespmem:s26+$0xC230]  }
0x3a: {  	v5 =	vld [tilespmem:s26+$0xC240]  }
0x3b: {  	v6 =	vld [tilespmem:s26+$0xC250]  }
0x3c: {  	v7 =	vld [tilespmem:s26+$0xC260]  }
0x3d: {  	v8 =	vld [tilespmem:s26+$0xC270]  }
0x3e: {  	v9 =	vld [tilespmem:s26+$0xC280]  }
0x3f: {  	v10 =	vld [tilespmem:s26+$0xC290]  }
0x40: {  	v11 =	vld [tilespmem:s26+$0xC2A0]  }
0x41: {  	v12 =	vld [tilespmem:s26+$0xC2B0]  }
0x42: {  	v13 =	vld [tilespmem:s26+$0xC2C0]  }
0x43: {  	v14 =	vld [tilespmem:s26+$0xC2D0]  }
0x44: {  	[tilespmem:s26+$0x82F0] =	vst.add.f32.msk $0xffff, v0  }
0x45: {  	v0 =	vld [tilespmem:s26+$0xC2E0]  }
0x46: {  	[tilespmem:s26+$0x8200] =	vst.add.f32.msk $0xffff, v1  }
0x47: {  	[tilespmem:s26+$0x8210] =	vst.add.f32.msk $0xffff, v2  }
0x48: {  	[tilespmem:s26+$0x8220] =	vst.add.f32.msk $0xffff, v3  }
0x49: {  	[tilespmem:s26+$0x8230] =	vst.add.f32.msk $0xffff, v4  }
0x4a: {  	[tilespmem:s26+$0x8240] =	vst.add.f32.msk $0xffff, v5  }
0x4b: {  	[tilespmem:s26+$0x8250] =	vst.add.f32.msk $0xffff, v6  }
0x4c: {  	[tilespmem:s26+$0x8260] =	vst.add.f32.msk $0xffff, v7  }
0x4d: {  	[tilespmem:s26+$0x8270] =	vst.add.f32.msk $0xffff, v8  }
0x4e: {  	[tilespmem:s26+$0x8280] =	vst.add.f32.msk $0xffff, v9  }
0x4f: {  	[tilespmem:s26+$0x8290] =	vst.add.f32.msk $0xffff, v10  }
0x50: {  	[tilespmem:s26+$0x82A0] =	vst.add.f32.msk $0xffff, v11  }
0x51: {  	[tilespmem:s26+$0x82B0] =	vst.add.f32.msk $0xffff, v12  }
0x52: {  	[tilespmem:s26+$0x82C0] =	vst.add.f32.msk $0xffff, v13  }
0x53: {  	s28 =	simm.s32 $0x0;
	s29 =	simm.s32 $0x400;
	[tilespmem:s26+$0x82D0] =	vst.add.f32.msk $0xffff, v14  }
.LBB2_2:
0x54: {  	s28 =	sadd.s32 $0x2, s28;
	[tilespmem:s26+$0x82E0] =	vst.add.f32.msk $0xffff, v0;
	s26 =	sshra.s32 s29, $0x2  }
0x55: {  	v0 =	vld [tilespmem:s26+$0xC2F0];
	p0 =	slt.u32 s28, $0x7E  }
0x56: {  	v1 =	vld [tilespmem:s26+$0xC200]  }
0x57: {  	v2 =	vld [tilespmem:s26+$0xC210]  }
0x58: {  	v3 =	vld [tilespmem:s26+$0xC220]  }
0x59: {  	v4 =	vld [tilespmem:s26+$0xC230]  }
0x5a: {  	[tilespmem:s26+$0x82F0] =	vst.add.f32.msk $0xffff, v0  }
0x5b: {  	v5 =	vld [tilespmem:s26+$0xC240]  }
0x5c: {  	v6 =	vld [tilespmem:s26+$0xC250]  }
0x5d: {  	v7 =	vld [tilespmem:s26+$0xC260]  }
0x5e: {  	v8 =	vld [tilespmem:s26+$0xC270]  }
0x5f: {  	v9 =	vld [tilespmem:s26+$0xC280]  }
0x60: {  	v10 =	vld [tilespmem:s26+$0xC290]  }
0x61: {  	v11 =	vld [tilespmem:s26+$0xC2A0]  }
0x62: {  	v12 =	vld [tilespmem:s26+$0xC2B0]  }
0x63: {  	v13 =	vld [tilespmem:s26+$0xC2C0]  }
0x64: {  	v14 =	vld [tilespmem:s26+$0xC2D0]  }
0x65: {  	v0 =	vld [tilespmem:s26+$0xC2E0]  }
0x66: {  	[tilespmem:s26+$0x8200] =	vst.add.f32.msk $0xffff, v1  }
0x67: {  	[tilespmem:s26+$0x8210] =	vst.add.f32.msk $0xffff, v2  }
0x68: {  	[tilespmem:s26+$0x8220] =	vst.add.f32.msk $0xffff, v3  }
0x69: {  	[tilespmem:s26+$0x8230] =	vst.add.f32.msk $0xffff, v4  }
0x6a: {  	[tilespmem:s26+$0x8240] =	vst.add.f32.msk $0xffff, v5  }
0x6b: {  	[tilespmem:s26+$0x8250] =	vst.add.f32.msk $0xffff, v6  }
0x6c: {  	[tilespmem:s26+$0x8260] =	vst.add.f32.msk $0xffff, v7  }
0x6d: {  	[tilespmem:s26+$0x8270] =	vst.add.f32.msk $0xffff, v8  }
0x6e: {  	[tilespmem:s26+$0x8280] =	vst.add.f32.msk $0xffff, v9  }
.Ltmp0:
0x6f: {  	[tilespmem:s26+$0x8290] =	vst.add.f32.msk $0xffff, v10;
	(pc) =	sbr.rel @p0 .LBB2_2-.Ltmp0, $4  }
0x70: {  	[tilespmem:s26+$0x82A0] =	vst.add.f32.msk $0xffff, v11  }
0x71: {  	[tilespmem:s26+$0x82B0] =	vst.add.f32.msk $0xffff, v12  }
0x72: {  	[tilespmem:s26+$0x82C0] =	vst.add.f32.msk $0xffff, v13  }
0x73: {  	s29 =	sadd.s32 $0x400, s29;
	[tilespmem:s26+$0x82D0] =	vst.add.f32.msk $0xffff, v14  }
0x74: {  	[tilespmem:s26+$0x82E0] =	vst.add.f32.msk $0xffff, v0  }
0x75: {  	[hbm4b:s12+s4] =	stream.linear.scatter [tilespmem:s19], [sflag:$0x3], $0x4000, $0x38;
	[tilespmem:$0x10200] =	vst v63  }
0x76: {  	_ =	swait.ge [sflag:s23], $0x4000  }
0x77: {  	[sflag:s23] =	ssyncset.done $0x0  }
0x78: {  	[sflag:s23] =	ssyncadd.s32 $0xFFFFC000  }
0x79: {  	[hbm4b:s10+s4] =	stream.linear.scatter [tilespmem:s21], [sflag:$0x3], $0x4000, $0x38;
	[tilespmem:$0x10200] =	vst v63  }
0x7a: {  	_ =	swait.ge [sflag:s23], $0x4000  }
0x7b: {  	[sflag:s23] =	ssyncset.done $0x0  }
0x7c: {  	[sflag:s23] =	ssyncadd.s32 $0xFFFFC000  }
0x7d: {  	[hbm4b:s13+s4] =	stream.linear.scatter [tilespmem:s22], [sflag:$0x3], $0x4000, $0x38;
	[tilespmem:$0x10200] =	vst v63  }
0x7e: {  	_ =	swait.ge [sflag:s24], $0x4000  }
0x7f: {  	[sflag:s24] =	ssyncset.done $0x0  }
0x80: {  	s25 =	sadd.s32 $0x1, s25;
	[sflag:s24] =	ssyncadd.s32 $0xFFFFC000  }
0x81: {  	p0 =	sne.s32 s25, s14;
	_ =	swait.ge [sflag:s24], $0x4000  }
.Ltmp1:
0x82: {  	[sflag:s24] =	ssyncset.done $0x0;
	(pc) =	sbr.rel @p0 .LBB2_1-.Ltmp1, $4  }
0x83: {  	[sflag:s24] =	ssyncadd.s32 $0xFFFFC000  }
0x84: {  	_ =	swait.ge [sflag:s24], $0x4000  }
0x85: {  	[sflag:s24] =	ssyncset.done $0x0  }
0x86: {  	[sflag:s24] =	ssyncadd.s32 $0xFFFFC000  }
0x87: {  	_ =	sfence.sel $0x180000  }
0x88: {  	[bflag:$0x0] =	sbarrier.arrive $0xFFFF  }
0x89: {  	p0 =	sne.s32 s3, $0x0;
	_ =	strace $0x90000047  }
0x8a: {  	s0 =	sadd.s32 @!p0 $0x100000, s0;
	[bflag:$0x2] =	sbarrier.arrive $0xFFFF  }
0x8b: {  	[sflag:s0] =	ssyncadd.tile.s32 @!p0 $0x1;
	_ =	shalt  }
.Lfunc_end2:
_tile_overlayer_lowered:
.L_overlay_start_2:
0x8c: {  	(tag) =	ssettag $0x2  }
0x8d: {  	s0 =	rddreg [dreg:$0x0];
	s2 =	stileid.u32  }
0x8e: {  	s1 =	rddreg [dreg:$0x1];
	p0 =	sne.s32 s2, $0x0  }
0x8f: {  	s3 =	rddreg [dreg:$0x2];
	[bflag:$0x3] =	sbarrier.arrive $0xFFFF;
	s2 =	simm.s32 @!p0 $0x1C04  }
0x90: {  	[timem:s3], [sflag:s2] =	dma.local @!p0 [hbm:s0], s1  }
0x91: {  	s0 =	simm.s32 @!p0 $0x4  }
0x92: {  	_ =	swait.ge @!p0 [sflag:s0], s1  }
0x93: {  	s1 =	ssub.s32 @!p0 $0x0, s1;
	[sflag:s0] =	ssyncset.done @!p0 $0x0  }
0x94: {  	[sflag:s0] =	ssyncadd.s32 @!p0 s1  }
0x95: {  	[bflag:$0x3] =	sbarrier.arrive $0xFFFF  }
0x96: {  	_ =	shalt  }

// kernel: kernel.14.cloned.1.call-start
scs
__scs_entry_jumppad:
0x0: {  	(pc) =	sbr.rel $0x88, $3  }
0x1: {  	(tag) =	ssettag $0x0;
	lr =	simm.s32 $0x1  }
0x2: {  	[smem:$0x3F97] =	sst lr;
	_ =	strace $0xD0000000  }
0x3: {  	_ = 	snop  }
0x4: {  	_ = 	snop  }
0x5: {  	_ = 	snop  }
0x6: {  	_ = 	snop  }
0x7: {  	_ = 	snop  }
__scs_overlays_trampoline_lowered:
0x8: {  	[smem:$0x3FA6] =	sst s0  }
0x9: {  	[smem:$0x3FA7] =	sst s1  }
0xa: {  	[smem:$0x3FA8] =	sst s2  }
0xb: {  	[smem:$0x3FA9] =	sst s3  }
0xc: {  	[smem:$0x3FAA] =	sst s4  }
0xd: {  	[smem:$0x3FAB] =	sst s5  }
0xe: {  	[smem:$0x3FAC] =	sst s6  }
0xf: {  	[smem:$0x3FAD] =	sst s7  }
0x10: {  	[smem:$0x3FAE] =	sst s8  }
0x11: {  	[smem:$0x3FAF] =	sst s9;
	s0 =	simm.s32 @!p0 $0x0  }
0x12: {  	s1 =	sld [smem:$0x3F95];
	s0 =	simm.s32 @p0 $0x1  }
0x13: {  	[smem:$0x3FB0] =	sst s0;
	s0 =	simm.s32 @!p1 $0x0  }
0x14: {  	s2 =	sld [smem:$0x3F94];
	s0 =	simm.s32 @p1 $0x1  }
0x15: {  	[smem:$0x3FB1] =	sst s0;
	s0 =	simm.s32 @!p2 $0x0  }
0x16: {  	s3 =	sld [smem:$0x3FDB];
	s0 =	simm.s32 @p2 $0x1  }
0x17: {  	s4 =	simm.s32 $0x1BF5;
	[smem:$0x3FB3] =	sst s0  }
0x18: {  	s0 =	sld [smem:$0x3F96];
	_ =	swait.ge [sflag:s4], $0x0  }
0x19: {  	s7 =	sld [smem:$0x3F97]  }
0x1a: {  	s8 =	sadd.s32 $0xFFFFE003, lr  }
0x1b: {  	s9 =	sadd.s32 $0xFFFFFEF7, lr;
	s5 =	simm.s32 $0xFFFFFFFF;
	p2 =	slt.u32 s8, $0xFFFFF086  }
0x1c: {  	p1 =	slt.u32 s9, $0xF7A;
	s5 =	simm.s32 @!p2 $0x0  }
0x1d: {  	s5 =	simm.s32 @p1 $0x1;
	p0 =	seq.s32 s7, s2  }
0x1e: {  	s7 =	smul.u32 @!p0 $0xF7A, s2;
	p2 =	seq.s32 @!p0 s5, $0x0  }
0x1f: {  	s9 =	smul.u32 $0xF7A, s1;
	s8 =	simm.s32 @!p0 $0x1BF5;
	p2 =	por !p2, p0  }
0x20: {  	[sflag:s8] =	ssyncset.s32 @!p0 $0xFFFFF086;
	s6 =	sadd.s32 @!p0 s3, s7;
	s7 =	simm.s32 @!p0 $0x108  }
0x21: {  	s3 =	sadd.s32 s3, s9;
	s6 =	sadd.s32 @!p0 $0x88, s6;
	s7 =	simm.s32 @p2 $0x1082  }
0x22: {  	[simem:s7], [sflag:s8] =	dma.local @!p0 [hbm:s6], $0xF7A  }
0x23: {  	s9 =	sor.u32 $0xD0000000, s2;
	s6 =	simm.s32 $0x108;
	_ =	swait.ge @!p0 [sflag:s8], $0x0  }
0x24: {  	s3 =	sadd.s32 $0x88, s3;
	s6 =	simm.s32 @!p1 $0x1082;
	[sflag:s4] =	ssyncset.s32 $0xFFFFF086  }
0x25: {  	[simem:s6], [sflag:s4] =	dma.local [hbm:s3], $0xF7A  }
0x26: {  	[smem:$0x3F97] =	sst s1;
	(tag) =	ssettag s2;
	_ =	strace s9  }
0x27: {  	s1 =	sld [smem:$0x3FA7]  }
0x28: {  	s2 =	sld [smem:$0x3FA8]  }
0x29: {  	s4 =	sld [smem:$0x3FAA]  }
0x2a: {  	p0 =	seq.s32 s5, $0x0;
	s5 =	sld [smem:$0x3FAB]  }
0x2b: {  	s6 =	sld [smem:$0x3FAC]  }
0x2c: {  	s7 =	sld [smem:$0x3FAD]  }
0x2d: {  	s3 =	simm.s32 $0x108;
	s8 =	sld [smem:$0x3FAE]  }
0x2e: {  	s3 =	simm.s32 @!p0 $0x1082;
	s9 =	sld [smem:$0x3FAF]  }
0x2f: {  	lr =	sadd.s32 s0, s3;
	s0 =	sld [smem:$0x3FA6]  }
0x30: {  	s3 =	sld [smem:$0x3FA9]  }
0x31: {  	[smem:$0x3FB2] =	sst s10  }
0x32: {  	s10 =	sld [smem:$0x3FB0];
	_ =	sdelay $0x3  }
0x33: {  	p0 =	seq.s32 s10, $0x1;
	s10 =	sld [smem:$0x3FB2];
	_ =	sdelay $0x3  }
0x34: {  	[smem:$0x3FB2] =	sst s10  }
0x35: {  	s10 =	sld [smem:$0x3FB1];
	_ =	sdelay $0x3  }
0x36: {  	p1 =	seq.s32 s10, $0x1;
	s10 =	sld [smem:$0x3FB2];
	_ =	sdelay $0x3  }
0x37: {  	[smem:$0x3FB2] =	sst s10  }
0x38: {  	s10 =	sld [smem:$0x3FB3]  }
0x39: {  	_ = 	snop;
	(pc) =	sbr.ind lr, $3  }
0x3a: {  	_ = 	snop  }
0x3b: {  	_ = 	snop  }
0x3c: {  	p2 =	seq.s32 s10, $0x1;
	s10 =	sld [smem:$0x3FB2]  }
0x3d: {  	_ =	shalt  }
0x3e: {  	_ =	shalt  }
0x3f: {  	_ =	shalt  }
0x40: {  	_ =	shalt  }
0x41: {  	_ =	shalt  }
0x42: {  	_ =	shalt  }
0x43: {  	_ =	shalt  }
0x44: {  	_ =	shalt  }
0x45: {  	_ =	shalt  }
0x46: {  	_ =	shalt  }
0x47: {  	_ =	shalt  }
0x48: {  	_ =	shalt  }
0x49: {  	_ =	shalt  }
0x4a: {  	_ =	shalt  }
0x4b: {  	_ =	shalt  }
0x4c: {  	_ =	shalt  }
0x4d: {  	_ =	shalt  }
0x4e: {  	_ =	shalt  }
0x4f: {  	_ =	shalt  }
0x50: {  	_ =	shalt  }
0x51: {  	_ =	shalt  }
0x52: {  	_ =	shalt  }
0x53: {  	_ =	shalt  }
0x54: {  	_ =	shalt  }
0x55: {  	_ =	shalt  }
0x56: {  	_ =	shalt  }
0x57: {  	_ =	shalt  }
0x58: {  	_ =	shalt  }
0x59: {  	_ =	shalt  }
0x5a: {  	_ =	shalt  }
0x5b: {  	_ =	shalt  }
0x5c: {  	_ =	shalt  }
0x5d: {  	_ =	shalt  }
0x5e: {  	_ =	shalt  }
0x5f: {  	_ =	shalt  }
0x60: {  	_ =	shalt  }
0x61: {  	_ =	shalt  }
0x62: {  	_ =	shalt  }
0x63: {  	_ =	shalt  }
0x64: {  	_ =	shalt  }
0x65: {  	_ =	shalt  }
0x66: {  	_ =	shalt  }
0x67: {  	_ =	shalt  }
0x68: {  	_ =	shalt  }
0x69: {  	_ =	shalt  }
0x6a: {  	_ =	shalt  }
0x6b: {  	_ =	shalt  }
0x6c: {  	_ =	shalt  }
0x6d: {  	_ =	shalt  }
0x6e: {  	_ =	shalt  }
0x6f: {  	_ =	shalt  }
0x70: {  	_ =	shalt  }
0x71: {  	_ =	shalt  }
0x72: {  	_ =	shalt  }
0x73: {  	_ =	shalt  }
0x74: {  	_ =	shalt  }
0x75: {  	_ =	shalt  }
0x76: {  	_ =	shalt  }
0x77: {  	_ =	shalt  }
0x78: {  	_ =	shalt  }
0x79: {  	_ =	shalt  }
0x7a: {  	_ =	shalt  }
0x7b: {  	_ =	shalt  }
0x7c: {  	_ =	shalt  }
0x7d: {  	_ =	shalt  }
0x7e: {  	_ =	shalt  }
0x7f: {  	_ =	shalt  }
0x80: {  	_ =	shalt  }
0x81: {  	_ =	shalt  }
0x82: {  	_ =	shalt  }
0x83: {  	_ =	shalt  }
0x84: {  	_ =	shalt  }
0x85: {  	_ =	shalt  }
0x86: {  	_ =	shalt  }
0x87: {  	_ =	shalt  }
.Lfunc_end0:
.L_simem_size_0:
called_computation.1_lowered:
.L_overlay_start_0:
0x88: {  	s2 =	sld [smem:$0x3FD9]  }
0x89: {  	s3 =	sld [smem:$0x3FFE];
	_ =	sdelay $0x1  }
0x8a: {  	s1 =	srdreg.scid  }
0x8b: {  	s0 =	sand.u32 $0x1, s1  }
0x8c: {  	s17 =	sshll.u32 s0, $0xA;
	s2 =	sadd.s32 s3, s2  }
0x8d: {  	s2 =	sadd.s32 s2, s17  }
0x8e: {  	[smem:$0x3FBE] =	sst s2  }
0x8f: {  	_ = 	snop  }
0x90: {  	s18 =	sld [smem:$0x3FC9]  }
0x91: {  	s4 =	sld [smem:$0x3FC8]  }
0x92: {  	s5 =	sld [smem:$0x3FC7]  }
0x93: {  	s6 =	sld [smem:$0x3FC6]  }
0x94: {  	s7 =	sld [smem:$0x3FC5]  }
0x95: {  	s8 =	sld [smem:$0x3FC2];
	(tm) =	ssettm $0x1  }
0x96: {  	s19 =	sld [smem:$0x3FFB];
	_ =	sdelay $0x3  }
0x97: {  	_ =	strace s19  }
0x98: {  	s2 =	sld [smem:$0x3FFC];
	_ =	sdelay $0x3  }
0x99: {  	_ =	strace s2  }
0x9a: {  	s2 =	sld [smem:$0x3FFD];
	_ =	sdelay $0x3  }
0x9b: {  	_ =	strace s2  }
0x9c: {  	_ =	strace $0x8FFFFFFF  }
0x9d: {  	s20 =	sld [smem:$0x3FDB];
	_ =	sdelay $0x1  }
0x9e: {  	s9 =	simm.s32 $_scs_section_size  }
0x9f: {  	s10 =	simm.s32 $_size__tile_overlayer_lowered;
	s11 =	simm.s32 $_tile_overlayer_lowered  }
0xa0: {  	s12 =	simm.s32 $0x1BFF;
	s21 =	sshll.u32 s11, $0x1;
	s9 =	sadd.s32 s9, s20  }
0xa1: {  	s22 =	simm.s32 $0x0;
	s10 =	sshll.u32 s10, $0x1;
	s11 =	sadd.s32 s21, s9  }
0xa2: {  	[timem:s22], [sflag:s12] =	dma.local [hbm:s11], s10  }
0xa3: {  	_ =	swait.ge [sflag:s12], s10  }
0xa4: {  	s10 =	ssub.s32 $0x0, s10;
	[sflag:s12] =	ssyncset.done $0x0  }
0xa5: {  	[sflag:s12] =	ssyncadd.s32 s10;
	_ =	sdelay $0x1  }
0xa6: {  	s23 =	simm.s32 $0x1B8B  }
0xa7: {  	_ =	swait.ge [sflag:s23], $0x1  }
0xa8: {  	[sflag:s23] =	ssyncset.done $0x0  }
0xa9: {  	[sflag:s23] =	ssyncadd.s32 $0xFFFFFFFF  }
0xaa: {  	s10 =	sld [smem:$0x0]  }
0xab: {  	s11 =	sand.u32 $0xFFFFFFFE, s1  }
0xac: {  	p0 =	sne.s32 s1, s11  }
0xad: {  	s11 =	sshll.u32 @p0 s11, $0xE  }
0xae: {  	s11 =	sadd.s32 @p0 $0x11B8D, s11;
	s12 =	sshll.u32 @p0 s10, $0x11  }
0xaf: {  	s11 =	sor.u32 @p0 s12, s11  }
0xb0: {  	[sflag:s11] =	ssyncadd.remote.s32 @p0 $0x1;
	_ =	sdelay $0x1  }
0xb1: {  	s11 =	simm.s32 @p0 $0x1B8D  }
0xb2: {  	_ =	swait.eq @p0 [sflag:s11], $0x1  }
0xb3: {  	[sflag:s11] =	ssyncadd.s32 @p0 $0xFFFFFFFF  }
0xb4: {  	s12 =	sshll.u32 @!p0 s1, $0xE  }
0xb5: {  	s12 =	sor.u32 @!p0 $0x4000, s12;
	s11 =	simm.s32 @!p0 $0x1B8D  }
0xb6: {  	s10 =	sshll.u32 @!p0 s10, $0x11;
	s12 =	sadd.s32 @!p0 $0x11B8D, s12;
	_ =	swait.eq @!p0 [sflag:s11], $0x1  }
0xb7: {  	s10 =	sor.u32 @!p0 s10, s12;
	[sflag:s11] =	ssyncadd.s32 @!p0 $0xFFFFFFFF  }
0xb8: {  	s25 =	simm.s32 $0x1B8E;
	s24 =	sld [smem:$0x3FFE];
	[sflag:s10] =	ssyncadd.remote.s32 @!p0 $0x1  }
0xb9: {  	s26 =	simm.s32 $execute0_lowered;
	[smem:$0x3FD2] =	sst s25  }
0xba: {  	s11 =	sshll.u32 s26, $0x1;
	_ =	strace $0x80000049;
	[dreg:$0x1] =	wrdreg $0xFFFFFFFF  }
0xbb: {  	s28 =	simm.s32 $_size_execute0_lowered;
	s9 =	sadd.s32 s9, s11;
	[dreg:$0x0] =	wrdreg $0x0  }
0xbc: {  	s11 =	sshll.u32 s28, $0x1;
	[dreg:$0x2] =	wrdreg s9  }
0xbd: {  	[dreg:$0x3] =	wrdreg s11  }
0xbe: {  	[dreg:$0x4] =	wrdreg $0xC0  }
0xbf: {  	_ =	task [dreg:s22], $0x5FFFF  }
0xc0: {  	[dreg:$0x1] =	wrdreg $0xFFFFFFFF  }
0xc1: {  	[dreg:$0x0] =	wrdreg $0x60  }
0xc2: {  	[dreg:$0x2] =	wrdreg s18  }
0xc3: {  	[dreg:$0x3] =	wrdreg s4  }
0xc4: {  	[dreg:$0x4] =	wrdreg s5  }
0xc5: {  	[dreg:$0x5] =	wrdreg s6  }
0xc6: {  	[dreg:$0x6] =	wrdreg s7  }
0xc7: {  	[dreg:$0x7] =	wrdreg s8  }
0xc8: {  	[dreg:$0x8] =	wrdreg s24  }
0xc9: {  	[dreg:$0x9] =	wrdreg $0xA  }
0xca: {  	_ =	task.clear_ibuf [dreg:s22], $0xAFFFF;
	_ =	strace $0x90000049  }
0xcb: {  	s29 =	simm.s32 $0xA;
	_ =	strace $0x8000004B  }
0xcc: {  	_ =	swait.ge [sflag:s29], $0x1  }
0xcd: {  	[sflag:s29] =	ssyncadd.s32 $0xFFFFFFFF  }
0xce: {  	_ =	strace $0x9000004B  }
0xcf: {  	_ =	sfence  }
0xd0: {  	s30 =	sld [smem:$0x0];
	_ =	sdelay $0x2  }
0xd1: {  	s31 =	sshll.u32 s1, $0xD;
	s1 =	sshrl.u32 s1, $0x2  }
0xd2: {  	s4 =	sand.u32 $0x4000, s31;
	s1 =	sadd.s32 s1, s30  }
0xd3: {  	s0 =	sor.u32 s4, s0;
	s1 =	sshll.u32 s1, $0x11  }
0xd4: {  	s0 =	sor.u32 s1, s0  }
0xd5: {  	s0 =	sadd.s32 $0x8F2B, s0  }
0xd6: {  	[sflag:s0] =	ssyncadd.remote.s32 $0x1  }
0xd7: {  	_ =	sfence.sel $0xFFFF  }
0xd8: {  	[dreg:$0x0] =	wrdreg $0xFFFFFFFF;
	(pc) =	sbr.abs _section_cstart, $3  }
0xd9: {  	[dreg:$0x1] =	wrdreg $0xFFFFFFFF  }
0xda: {  	_ =	task.clear_ibuf [dreg:s22], $0x2FFFF;
	_ =	strace $0x9FFFFFFF  }
0xdb: {  	(tm) =	ssettm $0x7FFFFFFF  }
tec
execute0_lowered:
.L_overlay_start_1:
0x0: {  	(tag) =	ssettag $0x1  }
0x1: {  	s9 =	rddreg [dreg:$0x0]  }
0x2: {  	s7 =	rddreg [dreg:$0x1]  }
0x3: {  	s8 =	rddreg [dreg:$0x2]  }
0x4: {  	s10 =	rddreg [dreg:$0x3]  }
0x5: {  	s1 =	rddreg [dreg:$0x4]  }
0x6: {  	s2 =	rddreg [dreg:$0x5]  }
0x7: {  	s11 =	rddreg [dreg:$0x6]  }
0x8: {  	s0 =	rddreg [dreg:$0x7];
	s5 =	srdreg.scid  }
0x9: {  	s4 =	simm.s32 $0x0;
	s3 =	stileid.u32;
	s16 =	simm.s32 $0x100  }
0xa: {  	s17 =	simm.s32 $0x180;
	s18 =	simm.s32 $0x1;
	s19 =	simm.s32 $0x8200  }
0xb: {  	s20 =	simm.s32 $0xC200;
	s21 =	simm.s32 $0x200;
	s22 =	simm.s32 $0x4200  }
0xc: {  	s23 =	simm.s32 $0x2;
	s24 =	simm.s32 $0x3;
	s25 =	simm.s32 $0x0  }
0xd: {  	s12 =	sand.u32 $0x1, s5;
	[smem:$0x7FF] =	sst s4;
	s6 =	sshll.u32 s3, $0x8  }
0xe: {  	s5 =	sadd.s32 $0x2800, s11;
	s13 =	sshll.u32 s12, $0x7;
	_ =	strace $0x8000004A  }
0xf: {  	s12 =	ssub.s32 $0x2, s12;
	s13 =	sor.u32 s13, s6;
	s6 =	sadd.s32 $0x6800, s11  }
0x10: {  	s15 =	sshrl.u32 s12, $0x1;
	s14 =	sshrl.u32 s13, $0x3;
	s13 =	sshll.u32 s13, $0x4  }
0x11: {  	s15 =	ssub.s32 s12, s15;
	s14 =	sor.u32 $0x200, s14;
	s13 =	sadd.s32 s13, s11  }
0x12: {  	s7 =	sadd.s32 s7, s14;
	s8 =	sadd.s32 s8, s14;
	s9 =	sadd.s32 s9, s14  }
0x13: {  	s10 =	sadd.s32 s10, s14;
	s11 =	sadd.s32 $0x2A800, s13;
	s12 =	sadd.s32 $0xA800, s13  }
0x14: {  	s13 =	sadd.s32 $0x1A800, s13;
	s14 =	smax.u32 s15, $0x1;
	s15 =	simm.s32 $0x80  }
.LBB2_1:
0x15: {  	[tilespmem:s4], [sflag:$0x1] =	stream.linear.gather [hbm4b:s7+s4], $0x80, $0x38;
	[tilespmem:$0x10200] =	vst v63  }
0x16: {  	_ = 	snop  }
0x17: {  	[tilespmem:s15], [sflag:$0x1] =	stream.linear.gather [hbm4b:s8+s4], $0x80, $0x38;
	[tilespmem:$0x10200] =	vst v63  }
0x18: {  	_ = 	snop  }
0x19: {  	[tilespmem:s16], [sflag:$0x1] =	stream.linear.gather [hbm4b:s9+s4], $0x80, $0x38;
	[tilespmem:$0x10200] =	vst v63  }
0x1a: {  	_ = 	snop  }
0x1b: {  	[tilespmem:s17], [sflag:$0x1] =	stream.linear.gather [hbm4b:s10+s4], $0x80, $0x38;
	[tilespmem:$0x10200] =	vst v63  }
0x1c: {  	_ =	swait.ge [sflag:s18], $0x80  }
0x1d: {  	[sflag:s18] =	ssyncset.done $0x0  }
0x1e: {  	[sflag:s18] =	ssyncadd.s32 $0xFFFFFF80  }
0x1f: {  	_ =	swait.ge [sflag:s18], $0x80  }
0x20: {  	[sflag:s18] =	ssyncset.done $0x0  }
0x21: {  	[sflag:s18] =	ssyncadd.s32 $0xFFFFFF80  }
0x22: {  	_ =	swait.ge [sflag:s18], $0x80  }
0x23: {  	[sflag:s18] =	ssyncset.done $0x0  }
0x24: {  	[sflag:s18] =	ssyncadd.s32 $0xFFFFFF80  }
0x25: {  	_ =	swait.ge [sflag:s18], $0x80  }
0x26: {  	[sflag:s18] =	ssyncset.done $0x0  }
0x27: {  	[sflag:s18] =	ssyncadd.s32 $0xFFFFFF80  }
0x28: {  	[tilespmem:s19], [sflag:$0x2] =	stream.indirect.gather [hbm4b:s5+s15], $0x80, s4, s15, $0xb8;
	[tilespmem:$0x10200] =	vst v63  }
0x29: {  	_ = 	snop  }
0x2a: {  	[tilespmem:s20], [sflag:$0x2] =	stream.indirect.gather [hbm4b:s6+s15], $0x80, s15, s15, $0xb8;
	[tilespmem:$0x10200] =	vst v63  }
0x2b: {  	_ = 	snop  }
0x2c: {  	[tilespmem:s21], [sflag:$0x2] =	stream.indirect.gather [hbm4b:s1+s15], $0x80, s16, s15, $0xb8;
	[tilespmem:$0x10200] =	vst v63  }
0x2d: {  	_ = 	snop  }
0x2e: {  	[tilespmem:s22], [sflag:$0x2] =	stream.indirect.gather [hbm4b:s2+s15], $0x80, s17, s15, $0xb8;
	[tilespmem:$0x10200] =	vst v63  }
0x2f: {  	_ =	swait.ge [sflag:s23], $0x4000  }
0x30: {  	[sflag:s23] =	ssyncset.done $0x0  }
0x31: {  	[sflag:s23] =	ssyncadd.s32 $0xFFFFC000  }
0x32: {  	_ =	swait.ge [sflag:s23], $0x4000  }
0x33: {  	[sflag:s23] =	ssyncset.done $0x0  }
0x34: {  	s26 =	simm.s32 $0x0;
	[sflag:s23] =	ssyncadd.s32 $0xFFFFC000  }
0x35: {  	v0 =	vld [tilespmem:s26+$0xC2F0]  }
0x36: {  	v1 =	vld [tilespmem:s26+$0xC200]  }
0x37: {  	v2 =	vld [tilespmem:s26+$0xC210]  }
0x38: {  	v3 =	vld [tilespmem:s26+$0xC220]  }
0x39: {  	v4 =	vld [tilespmem:s26+$0xC230]  }
0x3a: {  	v5 =	vld [tilespmem:s26+$0xC240]  }
0x3b: {  	v6 =	vld [tilespmem:s26+$0xC250]  }
0x3c: {  	v7 =	vld [tilespmem:s26+$0xC260]  }
0x3d: {  	v8 =	vld [tilespmem:s26+$0xC270]  }
0x3e: {  	v9 =	vld [tilespmem:s26+$0xC280]  }
0x3f: {  	v10 =	vld [tilespmem:s26+$0xC290]  }
0x40: {  	v11 =	vld [tilespmem:s26+$0xC2A0]  }
0x41: {  	v12 =	vld [tilespmem:s26+$0xC2B0]  }
0x42: {  	v13 =	vld [tilespmem:s26+$0xC2C0]  }
0x43: {  	v14 =	vld [tilespmem:s26+$0xC2D0]  }
0x44: {  	[tilespmem:s26+$0x82F0] =	vst.add.f32.msk $0xffff, v0  }
0x45: {  	v0 =	vld [tilespmem:s26+$0xC2E0]  }
0x46: {  	[tilespmem:s26+$0x8200] =	vst.add.f32.msk $0xffff, v1  }
0x47: {  	[tilespmem:s26+$0x8210] =	vst.add.f32.msk $0xffff, v2  }
0x48: {  	[tilespmem:s26+$0x8220] =	vst.add.f32.msk $0xffff, v3  }
0x49: {  	[tilespmem:s26+$0x8230] =	vst.add.f32.msk $0xffff, v4  }
0x4a: {  	[tilespmem:s26+$0x8240] =	vst.add.f32.msk $0xffff, v5  }
0x4b: {  	[tilespmem:s26+$0x8250] =	vst.add.f32.msk $0xffff, v6  }
0x4c: {  	[tilespmem:s26+$0x8260] =	vst.add.f32.msk $0xffff, v7  }
0x4d: {  	[tilespmem:s26+$0x8270] =	vst.add.f32.msk $0xffff, v8  }
0x4e: {  	[tilespmem:s26+$0x8280] =	vst.add.f32.msk $0xffff, v9  }
0x4f: {  	[tilespmem:s26+$0x8290] =	vst.add.f32.msk $0xffff, v10  }
0x50: {  	[tilespmem:s26+$0x82A0] =	vst.add.f32.msk $0xffff, v11  }
0x51: {  	[tilespmem:s26+$0x82B0] =	vst.add.f32.msk $0xffff, v12  }
0x52: {  	[tilespmem:s26+$0x82C0] =	vst.add.f32.msk $0xffff, v13  }
0x53: {  	s28 =	simm.s32 $0x0;
	s29 =	simm.s32 $0x400;
	[tilespmem:s26+$0x82D0] =	vst.add.f32.msk $0xffff, v14  }
.LBB2_2:
0x54: {  	s28 =	sadd.s32 $0x2, s28;
	[tilespmem:s26+$0x82E0] =	vst.add.f32.msk $0xffff, v0;
	s26 =	sshra.s32 s29, $0x2  }
0x55: {  	v0 =	vld [tilespmem:s26+$0xC2F0];
	p0 =	slt.u32 s28, $0x7E  }
0x56: {  	v1 =	vld [tilespmem:s26+$0xC200]  }
0x57: {  	v2 =	vld [tilespmem:s26+$0xC210]  }
0x58: {  	v3 =	vld [tilespmem:s26+$0xC220]  }
0x59: {  	v4 =	vld [tilespmem:s26+$0xC230]  }
0x5a: {  	[tilespmem:s26+$0x82F0] =	vst.add.f32.msk $0xffff, v0  }
0x5b: {  	v5 =	vld [tilespmem:s26+$0xC240]  }
0x5c: {  	v6 =	vld [tilespmem:s26+$0xC250]  }
0x5d: {  	v7 =	vld [tilespmem:s26+$0xC260]  }
0x5e: {  	v8 =	vld [tilespmem:s26+$0xC270]  }
0x5f: {  	v9 =	vld [tilespmem:s26+$0xC280]  }
0x60: {  	v10 =	vld [tilespmem:s26+$0xC290]  }
0x61: {  	v11 =	vld [tilespmem:s26+$0xC2A0]  }
0x62: {  	v12 =	vld [tilespmem:s26+$0xC2B0]  }
0x63: {  	v13 =	vld [tilespmem:s26+$0xC2C0]  }
0x64: {  	v14 =	vld [tilespmem:s26+$0xC2D0]  }
0x65: {  	v0 =	vld [tilespmem:s26+$0xC2E0]  }
0x66: {  	[tilespmem:s26+$0x8200] =	vst.add.f32.msk $0xffff, v1  }
0x67: {  	[tilespmem:s26+$0x8210] =	vst.add.f32.msk $0xffff, v2  }
0x68: {  	[tilespmem:s26+$0x8220] =	vst.add.f32.msk $0xffff, v3  }
0x69: {  	[tilespmem:s26+$0x8230] =	vst.add.f32.msk $0xffff, v4  }
0x6a: {  	[tilespmem:s26+$0x8240] =	vst.add.f32.msk $0xffff, v5  }
0x6b: {  	[tilespmem:s26+$0x8250] =	vst.add.f32.msk $0xffff, v6  }
0x6c: {  	[tilespmem:s26+$0x8260] =	vst.add.f32.msk $0xffff, v7  }
0x6d: {  	[tilespmem:s26+$0x8270] =	vst.add.f32.msk $0xffff, v8  }
0x6e: {  	[tilespmem:s26+$0x8280] =	vst.add.f32.msk $0xffff, v9  }
.Ltmp0:
0x6f: {  	[tilespmem:s26+$0x8290] =	vst.add.f32.msk $0xffff, v10;
	(pc) =	sbr.rel @p0 .LBB2_2-.Ltmp0, $4  }
0x70: {  	[tilespmem:s26+$0x82A0] =	vst.add.f32.msk $0xffff, v11  }
0x71: {  	[tilespmem:s26+$0x82B0] =	vst.add.f32.msk $0xffff, v12  }
0x72: {  	[tilespmem:s26+$0x82C0] =	vst.add.f32.msk $0xffff, v13  }
0x73: {  	s29 =	sadd.s32 $0x400, s29;
	[tilespmem:s26+$0x82D0] =	vst.add.f32.msk $0xffff, v14  }
0x74: {  	[tilespmem:s26+$0x82E0] =	vst.add.f32.msk $0xffff, v0  }
0x75: {  	[hbm4b:s11+s4] =	stream.linear.scatter [tilespmem:s19], [sflag:$0x3], $0x4000, $0x38;
	[tilespmem:$0x10200] =	vst v63  }
0x76: {  	_ =	swait.ge [sflag:s23], $0x4000  }
0x77: {  	[sflag:s23] =	ssyncset.done $0x0  }
0x78: {  	[sflag:s23] =	ssyncadd.s32 $0xFFFFC000  }
0x79: {  	[hbm4b:s12+s4] =	stream.linear.scatter [tilespmem:s21], [sflag:$0x3], $0x4000, $0x38;
	[tilespmem:$0x10200] =	vst v63  }
0x7a: {  	_ =	swait.ge [sflag:s23], $0x4000  }
0x7b: {  	[sflag:s23] =	ssyncset.done $0x0  }
0x7c: {  	[sflag:s23] =	ssyncadd.s32 $0xFFFFC000  }
0x7d: {  	[hbm4b:s13+s4] =	stream.linear.scatter [tilespmem:s22], [sflag:$0x3], $0x4000, $0x38;
	[tilespmem:$0x10200] =	vst v63  }
0x7e: {  	_ =	swait.ge [sflag:s24], $0x4000  }
0x7f: {  	[sflag:s24] =	ssyncset.done $0x0  }
0x80: {  	s25 =	sadd.s32 $0x1, s25;
	[sflag:s24] =	ssyncadd.s32 $0xFFFFC000  }
0x81: {  	p0 =	sne.s32 s25, s14;
	_ =	swait.ge [sflag:s24], $0x4000  }
.Ltmp1:
0x82: {  	[sflag:s24] =	ssyncset.done $0x0;
	(pc) =	sbr.rel @p0 .LBB2_1-.Ltmp1, $4  }
0x83: {  	[sflag:s24] =	ssyncadd.s32 $0xFFFFC000  }
0x84: {  	_ =	swait.ge [sflag:s24], $0x4000  }
0x85: {  	[sflag:s24] =	ssyncset.done $0x0  }
0x86: {  	[sflag:s24] =	ssyncadd.s32 $0xFFFFC000  }
0x87: {  	_ =	sfence.sel $0x180000  }
0x88: {  	[bflag:$0x0] =	sbarrier.arrive $0xFFFF  }
0x89: {  	p0 =	sne.s32 s3, $0x0;
	_ =	strace $0x9000004A  }
0x8a: {  	s0 =	sadd.s32 @!p0 $0x100000, s0;
	[bflag:$0x2] =	sbarrier.arrive $0xFFFF  }
0x8b: {  	[sflag:s0] =	ssyncadd.tile.s32 @!p0 $0x1;
	_ =	shalt  }
.Lfunc_end2:
_tile_overlayer_lowered:
.L_overlay_start_2:
0x8c: {  	(tag) =	ssettag $0x2  }
0x8d: {  	s0 =	rddreg [dreg:$0x0];
	s2 =	stileid.u32  }
0x8e: {  	s1 =	rddreg [dreg:$0x1];
	p0 =	sne.s32 s2, $0x0  }
0x8f: {  	s3 =	rddreg [dreg:$0x2];
	[bflag:$0x3] =	sbarrier.arrive $0xFFFF;
	s2 =	simm.s32 @!p0 $0x1C04  }
0x90: {  	[timem:s3], [sflag:s2] =	dma.local @!p0 [hbm:s0], s1  }
0x91: {  	s0 =	simm.s32 @!p0 $0x4  }
0x92: {  	_ =	swait.ge @!p0 [sflag:s0], s1  }
0x93: {  	s1 =	ssub.s32 @!p0 $0x0, s1;
	[sflag:s0] =	ssyncset.done @!p0 $0x0  }
0x94: {  	[sflag:s0] =	ssyncadd.s32 @!p0 s1  }
0x95: {  	[bflag:$0x3] =	sbarrier.arrive $0xFFFF  }
0x96: {  	_ =	shalt  }

// kernel: kernel.17.cloned.1.call-start
scs
__scs_entry_jumppad:
0x0: {  	(pc) =	sbr.rel $0x88, $3  }
0x1: {  	(tag) =	ssettag $0x0;
	lr =	simm.s32 $0x1  }
0x2: {  	[smem:$0x3F97] =	sst lr;
	_ =	strace $0xD0000000  }
0x3: {  	_ = 	snop  }
0x4: {  	_ = 	snop  }
0x5: {  	_ = 	snop  }
0x6: {  	_ = 	snop  }
0x7: {  	_ = 	snop  }
__scs_overlays_trampoline_lowered:
0x8: {  	[smem:$0x3FA6] =	sst s0  }
0x9: {  	[smem:$0x3FA7] =	sst s1  }
0xa: {  	[smem:$0x3FA8] =	sst s2  }
0xb: {  	[smem:$0x3FA9] =	sst s3  }
0xc: {  	[smem:$0x3FAA] =	sst s4  }
0xd: {  	[smem:$0x3FAB] =	sst s5  }
0xe: {  	[smem:$0x3FAC] =	sst s6  }
0xf: {  	[smem:$0x3FAD] =	sst s7  }
0x10: {  	[smem:$0x3FAE] =	sst s8  }
0x11: {  	[smem:$0x3FAF] =	sst s9;
	s0 =	simm.s32 @!p0 $0x0  }
0x12: {  	s1 =	sld [smem:$0x3F95];
	s0 =	simm.s32 @p0 $0x1  }
0x13: {  	[smem:$0x3FB0] =	sst s0;
	s0 =	simm.s32 @!p1 $0x0  }
0x14: {  	s2 =	sld [smem:$0x3F94];
	s0 =	simm.s32 @p1 $0x1  }
0x15: {  	[smem:$0x3FB1] =	sst s0;
	s0 =	simm.s32 @!p2 $0x0  }
0x16: {  	s3 =	sld [smem:$0x3FDB];
	s0 =	simm.s32 @p2 $0x1  }
0x17: {  	s4 =	simm.s32 $0x1BF5;
	[smem:$0x3FB3] =	sst s0  }
0x18: {  	s0 =	sld [smem:$0x3F96];
	_ =	swait.ge [sflag:s4], $0x0  }
0x19: {  	s7 =	sld [smem:$0x3F97]  }
0x1a: {  	s8 =	sadd.s32 $0xFFFFE003, lr  }
0x1b: {  	s9 =	sadd.s32 $0xFFFFFEF7, lr;
	s5 =	simm.s32 $0xFFFFFFFF;
	p2 =	slt.u32 s8, $0xFFFFF086  }
0x1c: {  	p1 =	slt.u32 s9, $0xF7A;
	s5 =	simm.s32 @!p2 $0x0  }
0x1d: {  	s5 =	simm.s32 @p1 $0x1;
	p0 =	seq.s32 s7, s2  }
0x1e: {  	s7 =	smul.u32 @!p0 $0xF7A, s2;
	p2 =	seq.s32 @!p0 s5, $0x0  }
0x1f: {  	s9 =	smul.u32 $0xF7A, s1;
	s8 =	simm.s32 @!p0 $0x1BF5;
	p2 =	por !p2, p0  }
0x20: {  	[sflag:s8] =	ssyncset.s32 @!p0 $0xFFFFF086;
	s6 =	sadd.s32 @!p0 s3, s7;
	s7 =	simm.s32 @!p0 $0x108  }
0x21: {  	s3 =	sadd.s32 s3, s9;
	s6 =	sadd.s32 @!p0 $0x88, s6;
	s7 =	simm.s32 @p2 $0x1082  }
0x22: {  	[simem:s7], [sflag:s8] =	dma.local @!p0 [hbm:s6], $0xF7A  }
0x23: {  	s9 =	sor.u32 $0xD0000000, s2;
	s6 =	simm.s32 $0x108;
	_ =	swait.ge @!p0 [sflag:s8], $0x0  }
0x24: {  	s3 =	sadd.s32 $0x88, s3;
	s6 =	simm.s32 @!p1 $0x1082;
	[sflag:s4] =	ssyncset.s32 $0xFFFFF086  }
0x25: {  	[simem:s6], [sflag:s4] =	dma.local [hbm:s3], $0xF7A  }
0x26: {  	[smem:$0x3F97] =	sst s1;
	(tag) =	ssettag s2;
	_ =	strace s9  }
0x27: {  	s1 =	sld [smem:$0x3FA7]  }
0x28: {  	s2 =	sld [smem:$0x3FA8]  }
0x29: {  	s4 =	sld [smem:$0x3FAA]  }
0x2a: {  	p0 =	seq.s32 s5, $0x0;
	s5 =	sld [smem:$0x3FAB]  }
0x2b: {  	s6 =	sld [smem:$0x3FAC]  }
0x2c: {  	s7 =	sld [smem:$0x3FAD]  }
0x2d: {  	s3 =	simm.s32 $0x108;
	s8 =	sld [smem:$0x3FAE]  }
0x2e: {  	s3 =	simm.s32 @!p0 $0x1082;
	s9 =	sld [smem:$0x3FAF]  }
0x2f: {  	lr =	sadd.s32 s0, s3;
	s0 =	sld [smem:$0x3FA6]  }
0x30: {  	s3 =	sld [smem:$0x3FA9]  }
0x31: {  	[smem:$0x3FB2] =	sst s10  }
0x32: {  	s10 =	sld [smem:$0x3FB0];
	_ =	sdelay $0x3  }
0x33: {  	p0 =	seq.s32 s10, $0x1;
	s10 =	sld [smem:$0x3FB2];
	_ =	sdelay $0x3  }
0x34: {  	[smem:$0x3FB2] =	sst s10  }
0x35: {  	s10 =	sld [smem:$0x3FB1];
	_ =	sdelay $0x3  }
0x36: {  	p1 =	seq.s32 s10, $0x1;
	s10 =	sld [smem:$0x3FB2];
	_ =	sdelay $0x3  }
0x37: {  	[smem:$0x3FB2] =	sst s10  }
0x38: {  	s10 =	sld [smem:$0x3FB3]  }
0x39: {  	_ = 	snop;
	(pc) =	sbr.ind lr, $3  }
0x3a: {  	_ = 	snop  }
0x3b: {  	_ = 	snop  }
0x3c: {  	p2 =	seq.s32 s10, $0x1;
	s10 =	sld [smem:$0x3FB2]  }
0x3d: {  	_ =	shalt  }
0x3e: {  	_ =	shalt  }
0x3f: {  	_ =	shalt  }
0x40: {  	_ =	shalt  }
0x41: {  	_ =	shalt  }
0x42: {  	_ =	shalt  }
0x43: {  	_ =	shalt  }
0x44: {  	_ =	shalt  }
0x45: {  	_ =	shalt  }
0x46: {  	_ =	shalt  }
0x47: {  	_ =	shalt  }
0x48: {  	_ =	shalt  }
0x49: {  	_ =	shalt  }
0x4a: {  	_ =	shalt  }
0x4b: {  	_ =	shalt  }
0x4c: {  	_ =	shalt  }
0x4d: {  	_ =	shalt  }
0x4e: {  	_ =	shalt  }
0x4f: {  	_ =	shalt  }
0x50: {  	_ =	shalt  }
0x51: {  	_ =	shalt  }
0x52: {  	_ =	shalt  }
0x53: {  	_ =	shalt  }
0x54: {  	_ =	shalt  }
0x55: {  	_ =	shalt  }
0x56: {  	_ =	shalt  }
0x57: {  	_ =	shalt  }
0x58: {  	_ =	shalt  }
0x59: {  	_ =	shalt  }
0x5a: {  	_ =	shalt  }
0x5b: {  	_ =	shalt  }
0x5c: {  	_ =	shalt  }
0x5d: {  	_ =	shalt  }
0x5e: {  	_ =	shalt  }
0x5f: {  	_ =	shalt  }
0x60: {  	_ =	shalt  }
0x61: {  	_ =	shalt  }
0x62: {  	_ =	shalt  }
0x63: {  	_ =	shalt  }
0x64: {  	_ =	shalt  }
0x65: {  	_ =	shalt  }
0x66: {  	_ =	shalt  }
0x67: {  	_ =	shalt  }
0x68: {  	_ =	shalt  }
0x69: {  	_ =	shalt  }
0x6a: {  	_ =	shalt  }
0x6b: {  	_ =	shalt  }
0x6c: {  	_ =	shalt  }
0x6d: {  	_ =	shalt  }
0x6e: {  	_ =	shalt  }
0x6f: {  	_ =	shalt  }
0x70: {  	_ =	shalt  }
0x71: {  	_ =	shalt  }
0x72: {  	_ =	shalt  }
0x73: {  	_ =	shalt  }
0x74: {  	_ =	shalt  }
0x75: {  	_ =	shalt  }
0x76: {  	_ =	shalt  }
0x77: {  	_ =	shalt  }
0x78: {  	_ =	shalt  }
0x79: {  	_ =	shalt  }
0x7a: {  	_ =	shalt  }
0x7b: {  	_ =	shalt  }
0x7c: {  	_ =	shalt  }
0x7d: {  	_ =	shalt  }
0x7e: {  	_ =	shalt  }
0x7f: {  	_ =	shalt  }
0x80: {  	_ =	shalt  }
0x81: {  	_ =	shalt  }
0x82: {  	_ =	shalt  }
0x83: {  	_ =	shalt  }
0x84: {  	_ =	shalt  }
0x85: {  	_ =	shalt  }
0x86: {  	_ =	shalt  }
0x87: {  	_ =	shalt  }
.Lfunc_end0:
.L_simem_size_0:
called_computation.2_lowered:
.L_overlay_start_0:
0x88: {  	s2 =	sld [smem:$0x3FD9]  }
0x89: {  	s3 =	sld [smem:$0x3FFE];
	_ =	sdelay $0x1  }
0x8a: {  	s1 =	srdreg.scid  }
0x8b: {  	s0 =	sand.u32 $0x1, s1  }
0x8c: {  	s17 =	sshll.u32 s0, $0xA;
	s2 =	sadd.s32 s3, s2  }
0x8d: {  	s2 =	sadd.s32 s2, s17  }
0x8e: {  	[smem:$0x3FBE] =	sst s2  }
0x8f: {  	_ = 	snop  }
0x90: {  	s18 =	sld [smem:$0x3FC9]  }
0x91: {  	s4 =	sld [smem:$0x3FC8]  }
0x92: {  	s5 =	sld [smem:$0x3FC7]  }
0x93: {  	s6 =	sld [smem:$0x3FC6]  }
0x94: {  	s7 =	sld [smem:$0x3FC5]  }
0x95: {  	s8 =	sld [smem:$0x3FC2];
	(tm) =	ssettm $0x1  }
0x96: {  	s19 =	sld [smem:$0x3FFB];
	_ =	sdelay $0x3  }
0x97: {  	_ =	strace s19  }
0x98: {  	s2 =	sld [smem:$0x3FFC];
	_ =	sdelay $0x3  }
0x99: {  	_ =	strace s2  }
0x9a: {  	s2 =	sld [smem:$0x3FFD];
	_ =	sdelay $0x3  }
0x9b: {  	_ =	strace s2  }
0x9c: {  	_ =	strace $0x8FFFFFFF  }
0x9d: {  	s20 =	sld [smem:$0x3FDB];
	_ =	sdelay $0x1  }
0x9e: {  	s9 =	simm.s32 $_scs_section_size  }
0x9f: {  	s10 =	simm.s32 $_size__tile_overlayer_lowered;
	s11 =	simm.s32 $_tile_overlayer_lowered  }
0xa0: {  	s12 =	simm.s32 $0x1BFF;
	s21 =	sshll.u32 s11, $0x1;
	s9 =	sadd.s32 s9, s20  }
0xa1: {  	s22 =	simm.s32 $0x0;
	s10 =	sshll.u32 s10, $0x1;
	s11 =	sadd.s32 s21, s9  }
0xa2: {  	[timem:s22], [sflag:s12] =	dma.local [hbm:s11], s10  }
0xa3: {  	_ =	swait.ge [sflag:s12], s10  }
0xa4: {  	s10 =	ssub.s32 $0x0, s10;
	[sflag:s12] =	ssyncset.done $0x0  }
0xa5: {  	[sflag:s12] =	ssyncadd.s32 s10;
	_ =	sdelay $0x1  }
0xa6: {  	s23 =	simm.s32 $0x1B8B  }
0xa7: {  	_ =	swait.ge [sflag:s23], $0x1  }
0xa8: {  	[sflag:s23] =	ssyncset.done $0x0  }
0xa9: {  	[sflag:s23] =	ssyncadd.s32 $0xFFFFFFFF  }
0xaa: {  	s10 =	sld [smem:$0x0]  }
0xab: {  	s11 =	sand.u32 $0xFFFFFFFE, s1  }
0xac: {  	p0 =	sne.s32 s1, s11  }
0xad: {  	s11 =	sshll.u32 @p0 s11, $0xE  }
0xae: {  	s11 =	sadd.s32 @p0 $0x11B8D, s11;
	s12 =	sshll.u32 @p0 s10, $0x11  }
0xaf: {  	s11 =	sor.u32 @p0 s12, s11  }
0xb0: {  	[sflag:s11] =	ssyncadd.remote.s32 @p0 $0x1;
	_ =	sdelay $0x1  }
0xb1: {  	s11 =	simm.s32 @p0 $0x1B8D  }
0xb2: {  	_ =	swait.eq @p0 [sflag:s11], $0x1  }
0xb3: {  	[sflag:s11] =	ssyncadd.s32 @p0 $0xFFFFFFFF  }
0xb4: {  	s12 =	sshll.u32 @!p0 s1, $0xE  }
0xb5: {  	s12 =	sor.u32 @!p0 $0x4000, s12;
	s11 =	simm.s32 @!p0 $0x1B8D  }
0xb6: {  	s10 =	sshll.u32 @!p0 s10, $0x11;
	s12 =	sadd.s32 @!p0 $0x11B8D, s12;
	_ =	swait.eq @!p0 [sflag:s11], $0x1  }
0xb7: {  	s10 =	sor.u32 @!p0 s10, s12;
	[sflag:s11] =	ssyncadd.s32 @!p0 $0xFFFFFFFF  }
0xb8: {  	s25 =	simm.s32 $0x1B8E;
	s24 =	sld [smem:$0x3FFE];
	[sflag:s10] =	ssyncadd.remote.s32 @!p0 $0x1  }
0xb9: {  	s26 =	simm.s32 $execute0_lowered;
	[smem:$0x3FD2] =	sst s25  }
0xba: {  	s11 =	sshll.u32 s26, $0x1;
	_ =	strace $0x8000004C;
	[dreg:$0x1] =	wrdreg $0xFFFFFFFF  }
0xbb: {  	s28 =	simm.s32 $_size_execute0_lowered;
	s9 =	sadd.s32 s9, s11;
	[dreg:$0x0] =	wrdreg $0x0  }
0xbc: {  	s11 =	sshll.u32 s28, $0x1;
	[dreg:$0x2] =	wrdreg s9  }
0xbd: {  	[dreg:$0x3] =	wrdreg s11  }
0xbe: {  	[dreg:$0x4] =	wrdreg $0xC0  }
0xbf: {  	_ =	task [dreg:s22], $0x5FFFF  }
0xc0: {  	[dreg:$0x1] =	wrdreg $0xFFFFFFFF  }
0xc1: {  	[dreg:$0x0] =	wrdreg $0x60  }
0xc2: {  	[dreg:$0x2] =	wrdreg s18  }
0xc3: {  	[dreg:$0x3] =	wrdreg s4  }
0xc4: {  	[dreg:$0x4] =	wrdreg s5  }
0xc5: {  	[dreg:$0x5] =	wrdreg s6  }
0xc6: {  	[dreg:$0x6] =	wrdreg s7  }
0xc7: {  	[dreg:$0x7] =	wrdreg s8  }
0xc8: {  	[dreg:$0x8] =	wrdreg s24  }
0xc9: {  	[dreg:$0x9] =	wrdreg $0xB  }
0xca: {  	_ =	task.clear_ibuf [dreg:s22], $0xAFFFF;
	_ =	strace $0x9000004C  }
0xcb: {  	s29 =	simm.s32 $0xB;
	_ =	strace $0x8000004E  }
0xcc: {  	_ =	swait.ge [sflag:s29], $0x1  }
0xcd: {  	[sflag:s29] =	ssyncadd.s32 $0xFFFFFFFF  }
0xce: {  	_ =	strace $0x9000004E  }
0xcf: {  	_ =	sfence  }
0xd0: {  	s30 =	sld [smem:$0x0];
	_ =	sdelay $0x2  }
0xd1: {  	s31 =	sshll.u32 s1, $0xD;
	s1 =	sshrl.u32 s1, $0x2  }
0xd2: {  	s4 =	sand.u32 $0x4000, s31;
	s1 =	sadd.s32 s1, s30  }
0xd3: {  	s0 =	sor.u32 s4, s0;
	s1 =	sshll.u32 s1, $0x11  }
0xd4: {  	s0 =	sor.u32 s1, s0  }
0xd5: {  	s0 =	sadd.s32 $0x8F2B, s0  }
0xd6: {  	[sflag:s0] =	ssyncadd.remote.s32 $0x1  }
0xd7: {  	_ =	sfence.sel $0xFFFF  }
0xd8: {  	[dreg:$0x0] =	wrdreg $0xFFFFFFFF;
	(pc) =	sbr.abs _section_cstart, $3  }
0xd9: {  	[dreg:$0x1] =	wrdreg $0xFFFFFFFF  }
0xda: {  	_ =	task.clear_ibuf [dreg:s22], $0x2FFFF;
	_ =	strace $0x9FFFFFFF  }
0xdb: {  	(tm) =	ssettm $0x7FFFFFFF  }
tec
execute0_lowered:
.L_overlay_start_1:
0x0: {  	(tag) =	ssettag $0x1  }
0x1: {  	s9 =	rddreg [dreg:$0x0]  }
0x2: {  	s7 =	rddreg [dreg:$0x1]  }
0x3: {  	s8 =	rddreg [dreg:$0x2]  }
0x4: {  	s10 =	rddreg [dreg:$0x3]  }
0x5: {  	s1 =	rddreg [dreg:$0x4]  }
0x6: {  	s2 =	rddreg [dreg:$0x5]  }
0x7: {  	s11 =	rddreg [dreg:$0x6]  }
0x8: {  	s0 =	rddreg [dreg:$0x7];
	s5 =	srdreg.scid  }
0x9: {  	s4 =	simm.s32 $0x0;
	s3 =	stileid.u32;
	s16 =	simm.s32 $0x100  }
0xa: {  	s17 =	simm.s32 $0x180;
	s18 =	simm.s32 $0x1;
	s19 =	simm.s32 $0x8200  }
0xb: {  	s20 =	simm.s32 $0xC200;
	s21 =	simm.s32 $0x200;
	s22 =	simm.s32 $0x4200  }
0xc: {  	s23 =	simm.s32 $0x2;
	s24 =	simm.s32 $0x3;
	s25 =	simm.s32 $0x0  }
0xd: {  	s12 =	sand.u32 $0x1, s5;
	[smem:$0x7FF] =	sst s4;
	s6 =	sshll.u32 s3, $0x8  }
0xe: {  	s5 =	sadd.s32 $0x2800, s11;
	s13 =	sshll.u32 s12, $0x7;
	_ =	strace $0x8000004D  }
0xf: {  	s12 =	ssub.s32 $0x2, s12;
	s13 =	sor.u32 s13, s6;
	s6 =	sadd.s32 $0x6800, s11  }
0x10: {  	s15 =	sshrl.u32 s12, $0x1;
	s14 =	sshrl.u32 s13, $0x3;
	s13 =	sshll.u32 s13, $0x4  }
0x11: {  	s15 =	ssub.s32 s12, s15;
	s14 =	sor.u32 $0x400, s14;
	s13 =	sadd.s32 s13, s11  }
0x12: {  	s7 =	sadd.s32 s7, s14;
	s8 =	sadd.s32 s8, s14;
	s9 =	sadd.s32 s9, s14  }
0x13: {  	s10 =	sadd.s32 s10, s14;
	s11 =	sadd.s32 $0x5A800, s13;
	s12 =	sadd.s32 $0x3A800, s13  }
0x14: {  	s13 =	sadd.s32 $0x4A800, s13;
	s14 =	smax.u32 s15, $0x1;
	s15 =	simm.s32 $0x80  }
.LBB2_1:
0x15: {  	[tilespmem:s4], [sflag:$0x1] =	stream.linear.gather [hbm4b:s7+s4], $0x80, $0x38;
	[tilespmem:$0x10200] =	vst v63  }
0x16: {  	_ = 	snop  }
0x17: {  	[tilespmem:s15], [sflag:$0x1] =	stream.linear.gather [hbm4b:s8+s4], $0x80, $0x38;
	[tilespmem:$0x10200] =	vst v63  }
0x18: {  	_ = 	snop  }
0x19: {  	[tilespmem:s16], [sflag:$0x1] =	stream.linear.gather [hbm4b:s9+s4], $0x80, $0x38;
	[tilespmem:$0x10200] =	vst v63  }
0x1a: {  	_ = 	snop  }
0x1b: {  	[tilespmem:s17], [sflag:$0x1] =	stream.linear.gather [hbm4b:s10+s4], $0x80, $0x38;
	[tilespmem:$0x10200] =	vst v63  }
0x1c: {  	_ =	swait.ge [sflag:s18], $0x80  }
0x1d: {  	[sflag:s18] =	ssyncset.done $0x0  }
0x1e: {  	[sflag:s18] =	ssyncadd.s32 $0xFFFFFF80  }
0x1f: {  	_ =	swait.ge [sflag:s18], $0x80  }
0x20: {  	[sflag:s18] =	ssyncset.done $0x0  }
0x21: {  	[sflag:s18] =	ssyncadd.s32 $0xFFFFFF80  }
0x22: {  	_ =	swait.ge [sflag:s18], $0x80  }
0x23: {  	[sflag:s18] =	ssyncset.done $0x0  }
0x24: {  	[sflag:s18] =	ssyncadd.s32 $0xFFFFFF80  }
0x25: {  	_ =	swait.ge [sflag:s18], $0x80  }
0x26: {  	[sflag:s18] =	ssyncset.done $0x0  }
0x27: {  	[sflag:s18] =	ssyncadd.s32 $0xFFFFFF80  }
0x28: {  	[tilespmem:s19], [sflag:$0x2] =	stream.indirect.gather [hbm4b:s5+s15], $0x80, s4, s15, $0xb8;
	[tilespmem:$0x10200] =	vst v63  }
0x29: {  	_ = 	snop  }
0x2a: {  	[tilespmem:s20], [sflag:$0x2] =	stream.indirect.gather [hbm4b:s6+s15], $0x80, s15, s15, $0xb8;
	[tilespmem:$0x10200] =	vst v63  }
0x2b: {  	_ = 	snop  }
0x2c: {  	[tilespmem:s21], [sflag:$0x2] =	stream.indirect.gather [hbm4b:s1+s15], $0x80, s16, s15, $0xb8;
	[tilespmem:$0x10200] =	vst v63  }
0x2d: {  	_ = 	snop  }
0x2e: {  	[tilespmem:s22], [sflag:$0x2] =	stream.indirect.gather [hbm4b:s2+s15], $0x80, s17, s15, $0xb8;
	[tilespmem:$0x10200] =	vst v63  }
0x2f: {  	_ =	swait.ge [sflag:s23], $0x4000  }
0x30: {  	[sflag:s23] =	ssyncset.done $0x0  }
0x31: {  	[sflag:s23] =	ssyncadd.s32 $0xFFFFC000  }
0x32: {  	_ =	swait.ge [sflag:s23], $0x4000  }
0x33: {  	[sflag:s23] =	ssyncset.done $0x0  }
0x34: {  	s26 =	simm.s32 $0x0;
	[sflag:s23] =	ssyncadd.s32 $0xFFFFC000  }
0x35: {  	v0 =	vld [tilespmem:s26+$0xC2F0]  }
0x36: {  	v1 =	vld [tilespmem:s26+$0xC200]  }
0x37: {  	v2 =	vld [tilespmem:s26+$0xC210]  }
0x38: {  	v3 =	vld [tilespmem:s26+$0xC220]  }
0x39: {  	v4 =	vld [tilespmem:s26+$0xC230]  }
0x3a: {  	v5 =	vld [tilespmem:s26+$0xC240]  }
0x3b: {  	v6 =	vld [tilespmem:s26+$0xC250]  }
0x3c: {  	v7 =	vld [tilespmem:s26+$0xC260]  }
0x3d: {  	v8 =	vld [tilespmem:s26+$0xC270]  }
0x3e: {  	v9 =	vld [tilespmem:s26+$0xC280]  }
0x3f: {  	v10 =	vld [tilespmem:s26+$0xC290]  }
0x40: {  	v11 =	vld [tilespmem:s26+$0xC2A0]  }
0x41: {  	v12 =	vld [tilespmem:s26+$0xC2B0]  }
0x42: {  	v13 =	vld [tilespmem:s26+$0xC2C0]  }
0x43: {  	v14 =	vld [tilespmem:s26+$0xC2D0]  }
0x44: {  	[tilespmem:s26+$0x82F0] =	vst.add.f32.msk $0xffff, v0  }
0x45: {  	v0 =	vld [tilespmem:s26+$0xC2E0]  }
0x46: {  	[tilespmem:s26+$0x8200] =	vst.add.f32.msk $0xffff, v1  }
0x47: {  	[tilespmem:s26+$0x8210] =	vst.add.f32.msk $0xffff, v2  }
0x48: {  	[tilespmem:s26+$0x8220] =	vst.add.f32.msk $0xffff, v3  }
0x49: {  	[tilespmem:s26+$0x8230] =	vst.add.f32.msk $0xffff, v4  }
0x4a: {  	[tilespmem:s26+$0x8240] =	vst.add.f32.msk $0xffff, v5  }
0x4b: {  	[tilespmem:s26+$0x8250] =	vst.add.f32.msk $0xffff, v6  }
0x4c: {  	[tilespmem:s26+$0x8260] =	vst.add.f32.msk $0xffff, v7  }
0x4d: {  	[tilespmem:s26+$0x8270] =	vst.add.f32.msk $0xffff, v8  }
0x4e: {  	[tilespmem:s26+$0x8280] =	vst.add.f32.msk $0xffff, v9  }
0x4f: {  	[tilespmem:s26+$0x8290] =	vst.add.f32.msk $0xffff, v10  }
0x50: {  	[tilespmem:s26+$0x82A0] =	vst.add.f32.msk $0xffff, v11  }
0x51: {  	[tilespmem:s26+$0x82B0] =	vst.add.f32.msk $0xffff, v12  }
0x52: {  	[tilespmem:s26+$0x82C0] =	vst.add.f32.msk $0xffff, v13  }
0x53: {  	s28 =	simm.s32 $0x0;
	s29 =	simm.s32 $0x400;
	[tilespmem:s26+$0x82D0] =	vst.add.f32.msk $0xffff, v14  }
.LBB2_2:
0x54: {  	s28 =	sadd.s32 $0x2, s28;
	[tilespmem:s26+$0x82E0] =	vst.add.f32.msk $0xffff, v0;
	s26 =	sshra.s32 s29, $0x2  }
0x55: {  	v0 =	vld [tilespmem:s26+$0xC2F0];
	p0 =	slt.u32 s28, $0x7E  }
0x56: {  	v1 =	vld [tilespmem:s26+$0xC200]  }
0x57: {  	v2 =	vld [tilespmem:s26+$0xC210]  }
0x58: {  	v3 =	vld [tilespmem:s26+$0xC220]  }
0x59: {  	v4 =	vld [tilespmem:s26+$0xC230]  }
0x5a: {  	[tilespmem:s26+$0x82F0] =	vst.add.f32.msk $0xffff, v0  }
0x5b: {  	v5 =	vld [tilespmem:s26+$0xC240]  }
0x5c: {  	v6 =	vld [tilespmem:s26+$0xC250]  }
0x5d: {  	v7 =	vld [tilespmem:s26+$0xC260]  }
0x5e: {  	v8 =	vld [tilespmem:s26+$0xC270]  }
0x5f: {  	v9 =	vld [tilespmem:s26+$0xC280]  }
0x60: {  	v10 =	vld [tilespmem:s26+$0xC290]  }
0x61: {  	v11 =	vld [tilespmem:s26+$0xC2A0]  }
0x62: {  	v12 =	vld [tilespmem:s26+$0xC2B0]  }
0x63: {  	v13 =	vld [tilespmem:s26+$0xC2C0]  }
0x64: {  	v14 =	vld [tilespmem:s26+$0xC2D0]  }
0x65: {  	v0 =	vld [tilespmem:s26+$0xC2E0]  }
0x66: {  	[tilespmem:s26+$0x8200] =	vst.add.f32.msk $0xffff, v1  }
0x67: {  	[tilespmem:s26+$0x8210] =	vst.add.f32.msk $0xffff, v2  }
0x68: {  	[tilespmem:s26+$0x8220] =	vst.add.f32.msk $0xffff, v3  }
0x69: {  	[tilespmem:s26+$0x8230] =	vst.add.f32.msk $0xffff, v4  }
0x6a: {  	[tilespmem:s26+$0x8240] =	vst.add.f32.msk $0xffff, v5  }
0x6b: {  	[tilespmem:s26+$0x8250] =	vst.add.f32.msk $0xffff, v6  }
0x6c: {  	[tilespmem:s26+$0x8260] =	vst.add.f32.msk $0xffff, v7  }
0x6d: {  	[tilespmem:s26+$0x8270] =	vst.add.f32.msk $0xffff, v8  }
0x6e: {  	[tilespmem:s26+$0x8280] =	vst.add.f32.msk $0xffff, v9  }
.Ltmp0:
0x6f: {  	[tilespmem:s26+$0x8290] =	vst.add.f32.msk $0xffff, v10;
	(pc) =	sbr.rel @p0 .LBB2_2-.Ltmp0, $4  }
0x70: {  	[tilespmem:s26+$0x82A0] =	vst.add.f32.msk $0xffff, v11  }
0x71: {  	[tilespmem:s26+$0x82B0] =	vst.add.f32.msk $0xffff, v12  }
0x72: {  	[tilespmem:s26+$0x82C0] =	vst.add.f32.msk $0xffff, v13  }
0x73: {  	s29 =	sadd.s32 $0x400, s29;
	[tilespmem:s26+$0x82D0] =	vst.add.f32.msk $0xffff, v14  }
0x74: {  	[tilespmem:s26+$0x82E0] =	vst.add.f32.msk $0xffff, v0  }
0x75: {  	[hbm4b:s11+s4] =	stream.linear.scatter [tilespmem:s19], [sflag:$0x3], $0x4000, $0x38;
	[tilespmem:$0x10200] =	vst v63  }
0x76: {  	_ =	swait.ge [sflag:s23], $0x4000  }
0x77: {  	[sflag:s23] =	ssyncset.done $0x0  }
0x78: {  	[sflag:s23] =	ssyncadd.s32 $0xFFFFC000  }
0x79: {  	[hbm4b:s12+s4] =	stream.linear.scatter [tilespmem:s21], [sflag:$0x3], $0x4000, $0x38;
	[tilespmem:$0x10200] =	vst v63  }
0x7a: {  	_ =	swait.ge [sflag:s23], $0x4000  }
0x7b: {  	[sflag:s23] =	ssyncset.done $0x0  }
0x7c: {  	[sflag:s23] =	ssyncadd.s32 $0xFFFFC000  }
0x7d: {  	[hbm4b:s13+s4] =	stream.linear.scatter [tilespmem:s22], [sflag:$0x3], $0x4000, $0x38;
	[tilespmem:$0x10200] =	vst v63  }
0x7e: {  	_ =	swait.ge [sflag:s24], $0x4000  }
0x7f: {  	[sflag:s24] =	ssyncset.done $0x0  }
0x80: {  	s25 =	sadd.s32 $0x1, s25;
	[sflag:s24] =	ssyncadd.s32 $0xFFFFC000  }
0x81: {  	p0 =	sne.s32 s25, s14;
	_ =	swait.ge [sflag:s24], $0x4000  }
.Ltmp1:
0x82: {  	[sflag:s24] =	ssyncset.done $0x0;
	(pc) =	sbr.rel @p0 .LBB2_1-.Ltmp1, $4  }
0x83: {  	[sflag:s24] =	ssyncadd.s32 $0xFFFFC000  }
0x84: {  	_ =	swait.ge [sflag:s24], $0x4000  }
0x85: {  	[sflag:s24] =	ssyncset.done $0x0  }
0x86: {  	[sflag:s24] =	ssyncadd.s32 $0xFFFFC000  }
0x87: {  	_ =	sfence.sel $0x180000  }
0x88: {  	[bflag:$0x0] =	sbarrier.arrive $0xFFFF  }
0x89: {  	p0 =	sne.s32 s3, $0x0;
	_ =	strace $0x9000004D  }
0x8a: {  	s0 =	sadd.s32 @!p0 $0x100000, s0;
	[bflag:$0x2] =	sbarrier.arrive $0xFFFF  }
0x8b: {  	[sflag:s0] =	ssyncadd.tile.s32 @!p0 $0x1;
	_ =	shalt  }
.Lfunc_end2:
_tile_overlayer_lowered:
.L_overlay_start_2:
0x8c: {  	(tag) =	ssettag $0x2  }
0x8d: {  	s0 =	rddreg [dreg:$0x0];
	s2 =	stileid.u32  }
0x8e: {  	s1 =	rddreg [dreg:$0x1];
	p0 =	sne.s32 s2, $0x0  }
0x8f: {  	s3 =	rddreg [dreg:$0x2];
	[bflag:$0x3] =	sbarrier.arrive $0xFFFF;
	s2 =	simm.s32 @!p0 $0x1C04  }
0x90: {  	[timem:s3], [sflag:s2] =	dma.local @!p0 [hbm:s0], s1  }
0x91: {  	s0 =	simm.s32 @!p0 $0x4  }
0x92: {  	_ =	swait.ge @!p0 [sflag:s0], s1  }
0x93: {  	s1 =	ssub.s32 @!p0 $0x0, s1;
	[sflag:s0] =	ssyncset.done @!p0 $0x0  }
0x94: {  	[sflag:s0] =	ssyncadd.s32 @!p0 s1  }
0x95: {  	[bflag:$0x3] =	sbarrier.arrive $0xFFFF  }
0x96: {  	_ =	shalt  }

// kernel: kernel.20.cloned.1.call-start
scs
__scs_entry_jumppad:
0x0: {  	(pc) =	sbr.rel $0x88, $3  }
0x1: {  	(tag) =	ssettag $0x0;
	lr =	simm.s32 $0x1  }
0x2: {  	[smem:$0x3F97] =	sst lr;
	_ =	strace $0xD0000000  }
0x3: {  	_ = 	snop  }
0x4: {  	_ = 	snop  }
0x5: {  	_ = 	snop  }
0x6: {  	_ = 	snop  }
0x7: {  	_ = 	snop  }
__scs_overlays_trampoline_lowered:
0x8: {  	[smem:$0x3FA6] =	sst s0  }
0x9: {  	[smem:$0x3FA7] =	sst s1  }
0xa: {  	[smem:$0x3FA8] =	sst s2  }
0xb: {  	[smem:$0x3FA9] =	sst s3  }
0xc: {  	[smem:$0x3FAA] =	sst s4  }
0xd: {  	[smem:$0x3FAB] =	sst s5  }
0xe: {  	[smem:$0x3FAC] =	sst s6  }
0xf: {  	[smem:$0x3FAD] =	sst s7  }
0x10: {  	[smem:$0x3FAE] =	sst s8  }
0x11: {  	[smem:$0x3FAF] =	sst s9;
	s0 =	simm.s32 @!p0 $0x0  }
0x12: {  	s1 =	sld [smem:$0x3F95];
	s0 =	simm.s32 @p0 $0x1  }
0x13: {  	[smem:$0x3FB0] =	sst s0;
	s0 =	simm.s32 @!p1 $0x0  }
0x14: {  	s2 =	sld [smem:$0x3F94];
	s0 =	simm.s32 @p1 $0x1  }
0x15: {  	[smem:$0x3FB1] =	sst s0;
	s0 =	simm.s32 @!p2 $0x0  }
0x16: {  	s3 =	sld [smem:$0x3FDB];
	s0 =	simm.s32 @p2 $0x1  }
0x17: {  	s4 =	simm.s32 $0x1BF5;
	[smem:$0x3FB3] =	sst s0  }
0x18: {  	s0 =	sld [smem:$0x3F96];
	_ =	swait.ge [sflag:s4], $0x0  }
0x19: {  	s7 =	sld [smem:$0x3F97]  }
0x1a: {  	s8 =	sadd.s32 $0xFFFFE003, lr  }
0x1b: {  	s9 =	sadd.s32 $0xFFFFFEF7, lr;
	s5 =	simm.s32 $0xFFFFFFFF;
	p2 =	slt.u32 s8, $0xFFFFF086  }
0x1c: {  	p1 =	slt.u32 s9, $0xF7A;
	s5 =	simm.s32 @!p2 $0x0  }
0x1d: {  	s5 =	simm.s32 @p1 $0x1;
	p0 =	seq.s32 s7, s2  }
0x1e: {  	s7 =	smul.u32 @!p0 $0xF7A, s2;
	p2 =	seq.s32 @!p0 s5, $0x0  }
0x1f: {  	s9 =	smul.u32 $0xF7A, s1;
	s8 =	simm.s32 @!p0 $0x1BF5;
	p2 =	por !p2, p0  }
0x20: {  	[sflag:s8] =	ssyncset.s32 @!p0 $0xFFFFF086;
	s6 =	sadd.s32 @!p0 s3, s7;
	s7 =	simm.s32 @!p0 $0x108  }
0x21: {  	s3 =	sadd.s32 s3, s9;
	s6 =	sadd.s32 @!p0 $0x88, s6;
	s7 =	simm.s32 @p2 $0x1082  }
0x22: {  	[simem:s7], [sflag:s8] =	dma.local @!p0 [hbm:s6], $0xF7A  }
0x23: {  	s9 =	sor.u32 $0xD0000000, s2;
	s6 =	simm.s32 $0x108;
	_ =	swait.ge @!p0 [sflag:s8], $0x0  }
0x24: {  	s3 =	sadd.s32 $0x88, s3;
	s6 =	simm.s32 @!p1 $0x1082;
	[sflag:s4] =	ssyncset.s32 $0xFFFFF086  }
0x25: {  	[simem:s6], [sflag:s4] =	dma.local [hbm:s3], $0xF7A  }
0x26: {  	[smem:$0x3F97] =	sst s1;
	(tag) =	ssettag s2;
	_ =	strace s9  }
0x27: {  	s1 =	sld [smem:$0x3FA7]  }
0x28: {  	s2 =	sld [smem:$0x3FA8]  }
0x29: {  	s4 =	sld [smem:$0x3FAA]  }
0x2a: {  	p0 =	seq.s32 s5, $0x0;
	s5 =	sld [smem:$0x3FAB]  }
0x2b: {  	s6 =	sld [smem:$0x3FAC]  }
0x2c: {  	s7 =	sld [smem:$0x3FAD]  }
0x2d: {  	s3 =	simm.s32 $0x108;
	s8 =	sld [smem:$0x3FAE]  }
0x2e: {  	s3 =	simm.s32 @!p0 $0x1082;
	s9 =	sld [smem:$0x3FAF]  }
0x2f: {  	lr =	sadd.s32 s0, s3;
	s0 =	sld [smem:$0x3FA6]  }
0x30: {  	s3 =	sld [smem:$0x3FA9]  }
0x31: {  	[smem:$0x3FB2] =	sst s10  }
0x32: {  	s10 =	sld [smem:$0x3FB0];
	_ =	sdelay $0x3  }
0x33: {  	p0 =	seq.s32 s10, $0x1;
	s10 =	sld [smem:$0x3FB2];
	_ =	sdelay $0x3  }
0x34: {  	[smem:$0x3FB2] =	sst s10  }
0x35: {  	s10 =	sld [smem:$0x3FB1];
	_ =	sdelay $0x3  }
0x36: {  	p1 =	seq.s32 s10, $0x1;
	s10 =	sld [smem:$0x3FB2];
	_ =	sdelay $0x3  }
0x37: {  	[smem:$0x3FB2] =	sst s10  }
0x38: {  	s10 =	sld [smem:$0x3FB3]  }
0x39: {  	_ = 	snop;
	(pc) =	sbr.ind lr, $3  }
0x3a: {  	_ = 	snop  }
0x3b: {  	_ = 	snop  }
0x3c: {  	p2 =	seq.s32 s10, $0x1;
	s10 =	sld [smem:$0x3FB2]  }
0x3d: {  	_ =	shalt  }
0x3e: {  	_ =	shalt  }
0x3f: {  	_ =	shalt  }
0x40: {  	_ =	shalt  }
0x41: {  	_ =	shalt  }
0x42: {  	_ =	shalt  }
0x43: {  	_ =	shalt  }
0x44: {  	_ =	shalt  }
0x45: {  	_ =	shalt  }
0x46: {  	_ =	shalt  }
0x47: {  	_ =	shalt  }
0x48: {  	_ =	shalt  }
0x49: {  	_ =	shalt  }
0x4a: {  	_ =	shalt  }
0x4b: {  	_ =	shalt  }
0x4c: {  	_ =	shalt  }
0x4d: {  	_ =	shalt  }
0x4e: {  	_ =	shalt  }
0x4f: {  	_ =	shalt  }
0x50: {  	_ =	shalt  }
0x51: {  	_ =	shalt  }
0x52: {  	_ =	shalt  }
0x53: {  	_ =	shalt  }
0x54: {  	_ =	shalt  }
0x55: {  	_ =	shalt  }
0x56: {  	_ =	shalt  }
0x57: {  	_ =	shalt  }
0x58: {  	_ =	shalt  }
0x59: {  	_ =	shalt  }
0x5a: {  	_ =	shalt  }
0x5b: {  	_ =	shalt  }
0x5c: {  	_ =	shalt  }
0x5d: {  	_ =	shalt  }
0x5e: {  	_ =	shalt  }
0x5f: {  	_ =	shalt  }
0x60: {  	_ =	shalt  }
0x61: {  	_ =	shalt  }
0x62: {  	_ =	shalt  }
0x63: {  	_ =	shalt  }
0x64: {  	_ =	shalt  }
0x65: {  	_ =	shalt  }
0x66: {  	_ =	shalt  }
0x67: {  	_ =	shalt  }
0x68: {  	_ =	shalt  }
0x69: {  	_ =	shalt  }
0x6a: {  	_ =	shalt  }
0x6b: {  	_ =	shalt  }
0x6c: {  	_ =	shalt  }
0x6d: {  	_ =	shalt  }
0x6e: {  	_ =	shalt  }
0x6f: {  	_ =	shalt  }
0x70: {  	_ =	shalt  }
0x71: {  	_ =	shalt  }
0x72: {  	_ =	shalt  }
0x73: {  	_ =	shalt  }
0x74: {  	_ =	shalt  }
0x75: {  	_ =	shalt  }
0x76: {  	_ =	shalt  }
0x77: {  	_ =	shalt  }
0x78: {  	_ =	shalt  }
0x79: {  	_ =	shalt  }
0x7a: {  	_ =	shalt  }
0x7b: {  	_ =	shalt  }
0x7c: {  	_ =	shalt  }
0x7d: {  	_ =	shalt  }
0x7e: {  	_ =	shalt  }
0x7f: {  	_ =	shalt  }
0x80: {  	_ =	shalt  }
0x81: {  	_ =	shalt  }
0x82: {  	_ =	shalt  }
0x83: {  	_ =	shalt  }
0x84: {  	_ =	shalt  }
0x85: {  	_ =	shalt  }
0x86: {  	_ =	shalt  }
0x87: {  	_ =	shalt  }
.Lfunc_end0:
.L_simem_size_0:
called_computation.3_lowered:
.L_overlay_start_0:
0x88: {  	s2 =	sld [smem:$0x3FD9]  }
0x89: {  	s3 =	sld [smem:$0x3FFE];
	_ =	sdelay $0x1  }
0x8a: {  	s1 =	srdreg.scid  }
0x8b: {  	s0 =	sand.u32 $0x1, s1  }
0x8c: {  	s17 =	sshll.u32 s0, $0xA;
	s2 =	sadd.s32 s3, s2  }
0x8d: {  	s2 =	sadd.s32 s2, s17  }
0x8e: {  	[smem:$0x3FBE] =	sst s2  }
0x8f: {  	_ = 	snop  }
0x90: {  	s18 =	sld [smem:$0x3FC9]  }
0x91: {  	s4 =	sld [smem:$0x3FC8]  }
0x92: {  	s5 =	sld [smem:$0x3FC7]  }
0x93: {  	s6 =	sld [smem:$0x3FC6]  }
0x94: {  	s7 =	sld [smem:$0x3FC5]  }
0x95: {  	s8 =	sld [smem:$0x3FC2];
	(tm) =	ssettm $0x1  }
0x96: {  	s19 =	sld [smem:$0x3FFB];
	_ =	sdelay $0x3  }
0x97: {  	_ =	strace s19  }
0x98: {  	s2 =	sld [smem:$0x3FFC];
	_ =	sdelay $0x3  }
0x99: {  	_ =	strace s2  }
0x9a: {  	s2 =	sld [smem:$0x3FFD];
	_ =	sdelay $0x3  }
0x9b: {  	_ =	strace s2  }
0x9c: {  	_ =	strace $0x8FFFFFFF  }
0x9d: {  	s20 =	sld [smem:$0x3FDB];
	_ =	sdelay $0x1  }
0x9e: {  	s9 =	simm.s32 $_scs_section_size  }
0x9f: {  	s10 =	simm.s32 $_size__tile_overlayer_lowered;
	s11 =	simm.s32 $_tile_overlayer_lowered  }
0xa0: {  	s12 =	simm.s32 $0x1BFF;
	s21 =	sshll.u32 s11, $0x1;
	s9 =	sadd.s32 s9, s20  }
0xa1: {  	s22 =	simm.s32 $0x0;
	s10 =	sshll.u32 s10, $0x1;
	s11 =	sadd.s32 s21, s9  }
0xa2: {  	[timem:s22], [sflag:s12] =	dma.local [hbm:s11], s10  }
0xa3: {  	_ =	swait.ge [sflag:s12], s10  }
0xa4: {  	s10 =	ssub.s32 $0x0, s10;
	[sflag:s12] =	ssyncset.done $0x0  }
0xa5: {  	[sflag:s12] =	ssyncadd.s32 s10;
	_ =	sdelay $0x1  }
0xa6: {  	s23 =	simm.s32 $0x1B8B  }
0xa7: {  	_ =	swait.ge [sflag:s23], $0x1  }
0xa8: {  	[sflag:s23] =	ssyncset.done $0x0  }
0xa9: {  	[sflag:s23] =	ssyncadd.s32 $0xFFFFFFFF  }
0xaa: {  	s10 =	sld [smem:$0x0]  }
0xab: {  	s11 =	sand.u32 $0xFFFFFFFE, s1  }
0xac: {  	p0 =	sne.s32 s1, s11  }
0xad: {  	s11 =	sshll.u32 @p0 s11, $0xE  }
0xae: {  	s11 =	sadd.s32 @p0 $0x11B8D, s11;
	s12 =	sshll.u32 @p0 s10, $0x11  }
0xaf: {  	s11 =	sor.u32 @p0 s12, s11  }
0xb0: {  	[sflag:s11] =	ssyncadd.remote.s32 @p0 $0x1;
	_ =	sdelay $0x1  }
0xb1: {  	s11 =	simm.s32 @p0 $0x1B8D  }
0xb2: {  	_ =	swait.eq @p0 [sflag:s11], $0x1  }
0xb3: {  	[sflag:s11] =	ssyncadd.s32 @p0 $0xFFFFFFFF  }
0xb4: {  	s12 =	sshll.u32 @!p0 s1, $0xE  }
0xb5: {  	s12 =	sor.u32 @!p0 $0x4000, s12;
	s11 =	simm.s32 @!p0 $0x1B8D  }
0xb6: {  	s10 =	sshll.u32 @!p0 s10, $0x11;
	s12 =	sadd.s32 @!p0 $0x11B8D, s12;
	_ =	swait.eq @!p0 [sflag:s11], $0x1  }
0xb7: {  	s10 =	sor.u32 @!p0 s10, s12;
	[sflag:s11] =	ssyncadd.s32 @!p0 $0xFFFFFFFF  }
0xb8: {  	s25 =	simm.s32 $0x1B8E;
	s24 =	sld [smem:$0x3FFE];
	[sflag:s10] =	ssyncadd.remote.s32 @!p0 $0x1  }
0xb9: {  	s26 =	simm.s32 $execute0_lowered;
	[smem:$0x3FD2] =	sst s25  }
0xba: {  	s11 =	sshll.u32 s26, $0x1;
	_ =	strace $0x8000004F;
	[dreg:$0x1] =	wrdreg $0xFFFFFFFF  }
0xbb: {  	s28 =	simm.s32 $_size_execute0_lowered;
	s9 =	sadd.s32 s9, s11;
	[dreg:$0x0] =	wrdreg $0x0  }
0xbc: {  	s11 =	sshll.u32 s28, $0x1;
	[dreg:$0x2] =	wrdreg s9  }
0xbd: {  	[dreg:$0x3] =	wrdreg s11  }
0xbe: {  	[dreg:$0x4] =	wrdreg $0xC0  }
0xbf: {  	_ =	task [dreg:s22], $0x5FFFF  }
0xc0: {  	[dreg:$0x1] =	wrdreg $0xFFFFFFFF  }
0xc1: {  	[dreg:$0x0] =	wrdreg $0x60  }
0xc2: {  	[dreg:$0x2] =	wrdreg s18  }
0xc3: {  	[dreg:$0x3] =	wrdreg s4  }
0xc4: {  	[dreg:$0x4] =	wrdreg s5  }
0xc5: {  	[dreg:$0x5] =	wrdreg s6  }
0xc6: {  	[dreg:$0x6] =	wrdreg s7  }
0xc7: {  	[dreg:$0x7] =	wrdreg s8  }
0xc8: {  	[dreg:$0x8] =	wrdreg s24  }
0xc9: {  	[dreg:$0x9] =	wrdreg $0xC  }
0xca: {  	_ =	task.clear_ibuf [dreg:s22], $0xAFFFF;
	_ =	strace $0x9000004F  }
0xcb: {  	s29 =	simm.s32 $0xC;
	_ =	strace $0x80000051  }
0xcc: {  	_ =	swait.ge [sflag:s29], $0x1  }
0xcd: {  	[sflag:s29] =	ssyncadd.s32 $0xFFFFFFFF  }
0xce: {  	_ =	strace $0x90000051  }
0xcf: {  	_ =	sfence  }
0xd0: {  	s30 =	sld [smem:$0x0];
	_ =	sdelay $0x2  }
0xd1: {  	s31 =	sshll.u32 s1, $0xD;
	s1 =	sshrl.u32 s1, $0x2  }
0xd2: {  	s4 =	sand.u32 $0x4000, s31;
	s1 =	sadd.s32 s1, s30  }
0xd3: {  	s0 =	sor.u32 s4, s0;
	s1 =	sshll.u32 s1, $0x11  }
0xd4: {  	s0 =	sor.u32 s1, s0  }
0xd5: {  	s0 =	sadd.s32 $0x8F2B, s0  }
0xd6: {  	[sflag:s0] =	ssyncadd.remote.s32 $0x1  }
0xd7: {  	_ =	sfence.sel $0xFFFF  }
0xd8: {  	[dreg:$0x0] =	wrdreg $0xFFFFFFFF;
	(pc) =	sbr.abs _section_cstart, $3  }
0xd9: {  	[dreg:$0x1] =	wrdreg $0xFFFFFFFF  }
0xda: {  	_ =	task.clear_ibuf [dreg:s22], $0x2FFFF;
	_ =	strace $0x9FFFFFFF  }
0xdb: {  	(tm) =	ssettm $0x7FFFFFFF  }
tec
execute0_lowered:
.L_overlay_start_1:
0x0: {  	(tag) =	ssettag $0x1  }
0x1: {  	s9 =	rddreg [dreg:$0x0]  }
0x2: {  	s7 =	rddreg [dreg:$0x1]  }
0x3: {  	s8 =	rddreg [dreg:$0x2]  }
0x4: {  	s10 =	rddreg [dreg:$0x3]  }
0x5: {  	s1 =	rddreg [dreg:$0x4]  }
0x6: {  	s2 =	rddreg [dreg:$0x5]  }
0x7: {  	s11 =	rddreg [dreg:$0x6]  }
0x8: {  	s0 =	rddreg [dreg:$0x7];
	s5 =	srdreg.scid  }
0x9: {  	s4 =	simm.s32 $0x0;
	s3 =	stileid.u32;
	s16 =	simm.s32 $0x100  }
0xa: {  	s17 =	simm.s32 $0x180;
	s18 =	simm.s32 $0x1;
	s19 =	simm.s32 $0x8200  }
0xb: {  	s20 =	simm.s32 $0xC200;
	s21 =	simm.s32 $0x200;
	s22 =	simm.s32 $0x4200  }
0xc: {  	s23 =	simm.s32 $0x2;
	s24 =	simm.s32 $0x3;
	s25 =	simm.s32 $0x0  }
0xd: {  	s12 =	sand.u32 $0x1, s5;
	[smem:$0x7FF] =	sst s4;
	s6 =	sshll.u32 s3, $0x8  }
0xe: {  	s5 =	sadd.s32 $0x2800, s11;
	s13 =	sshll.u32 s12, $0x7;
	_ =	strace $0x80000050  }
0xf: {  	s12 =	ssub.s32 $0x2, s12;
	s13 =	sor.u32 s13, s6;
	s6 =	sadd.s32 $0x6800, s11  }
0x10: {  	s15 =	sshrl.u32 s12, $0x1;
	s14 =	sshrl.u32 s13, $0x3;
	s13 =	sshll.u32 s13, $0x4  }
0x11: {  	s15 =	ssub.s32 s12, s15;
	s14 =	sor.u32 $0x600, s14;
	s13 =	sadd.s32 s13, s11  }
0x12: {  	s7 =	sadd.s32 s7, s14;
	s8 =	sadd.s32 s8, s14;
	s9 =	sadd.s32 s9, s14  }
0x13: {  	s10 =	sadd.s32 s10, s14;
	s11 =	sadd.s32 $0x8A800, s13;
	s12 =	sadd.s32 $0x6A800, s13  }
0x14: {  	s13 =	sadd.s32 $0x7A800, s13;
	s14 =	smax.u32 s15, $0x1;
	s15 =	simm.s32 $0x80  }
.LBB2_1:
0x15: {  	[tilespmem:s4], [sflag:$0x1] =	stream.linear.gather [hbm4b:s7+s4], $0x80, $0x38;
	[tilespmem:$0x10200] =	vst v63  }
0x16: {  	_ = 	snop  }
0x17: {  	[tilespmem:s15], [sflag:$0x1] =	stream.linear.gather [hbm4b:s8+s4], $0x80, $0x38;
	[tilespmem:$0x10200] =	vst v63  }
0x18: {  	_ = 	snop  }
0x19: {  	[tilespmem:s16], [sflag:$0x1] =	stream.linear.gather [hbm4b:s9+s4], $0x80, $0x38;
	[tilespmem:$0x10200] =	vst v63  }
0x1a: {  	_ = 	snop  }
0x1b: {  	[tilespmem:s17], [sflag:$0x1] =	stream.linear.gather [hbm4b:s10+s4], $0x80, $0x38;
	[tilespmem:$0x10200] =	vst v63  }
0x1c: {  	_ =	swait.ge [sflag:s18], $0x80  }
0x1d: {  	[sflag:s18] =	ssyncset.done $0x0  }
0x1e: {  	[sflag:s18] =	ssyncadd.s32 $0xFFFFFF80  }
0x1f: {  	_ =	swait.ge [sflag:s18], $0x80  }
0x20: {  	[sflag:s18] =	ssyncset.done $0x0  }
0x21: {  	[sflag:s18] =	ssyncadd.s32 $0xFFFFFF80  }
0x22: {  	_ =	swait.ge [sflag:s18], $0x80  }
0x23: {  	[sflag:s18] =	ssyncset.done $0x0  }
0x24: {  	[sflag:s18] =	ssyncadd.s32 $0xFFFFFF80  }
0x25: {  	_ =	swait.ge [sflag:s18], $0x80  }
0x26: {  	[sflag:s18] =	ssyncset.done $0x0  }
0x27: {  	[sflag:s18] =	ssyncadd.s32 $0xFFFFFF80  }
0x28: {  	[tilespmem:s19], [sflag:$0x2] =	stream.indirect.gather [hbm4b:s5+s15], $0x80, s4, s15, $0xb8;
	[tilespmem:$0x10200] =	vst v63  }
0x29: {  	_ = 	snop  }
0x2a: {  	[tilespmem:s20], [sflag:$0x2] =	stream.indirect.gather [hbm4b:s6+s15], $0x80, s15, s15, $0xb8;
	[tilespmem:$0x10200] =	vst v63  }
0x2b: {  	_ = 	snop  }
0x2c: {  	[tilespmem:s21], [sflag:$0x2] =	stream.indirect.gather [hbm4b:s1+s15], $0x80, s16, s15, $0xb8;
	[tilespmem:$0x10200] =	vst v63  }
0x2d: {  	_ = 	snop  }
0x2e: {  	[tilespmem:s22], [sflag:$0x2] =	stream.indirect.gather [hbm4b:s2+s15], $0x80, s17, s15, $0xb8;
	[tilespmem:$0x10200] =	vst v63  }
0x2f: {  	_ =	swait.ge [sflag:s23], $0x4000  }
0x30: {  	[sflag:s23] =	ssyncset.done $0x0  }
0x31: {  	[sflag:s23] =	ssyncadd.s32 $0xFFFFC000  }
0x32: {  	_ =	swait.ge [sflag:s23], $0x4000  }
0x33: {  	[sflag:s23] =	ssyncset.done $0x0  }
0x34: {  	s26 =	simm.s32 $0x0;
	[sflag:s23] =	ssyncadd.s32 $0xFFFFC000  }
0x35: {  	v0 =	vld [tilespmem:s26+$0xC2F0]  }
0x36: {  	v1 =	vld [tilespmem:s26+$0xC200]  }
0x37: {  	v2 =	vld [tilespmem:s26+$0xC210]  }
0x38: {  	v3 =	vld [tilespmem:s26+$0xC220]  }
0x39: {  	v4 =	vld [tilespmem:s26+$0xC230]  }
0x3a: {  	v5 =	vld [tilespmem:s26+$0xC240]  }
0x3b: {  	v6 =	vld [tilespmem:s26+$0xC250]  }
0x3c: {  	v7 =	vld [tilespmem:s26+$0xC260]  }
0x3d: {  	v8 =	vld [tilespmem:s26+$0xC270]  }
0x3e: {  	v9 =	vld [tilespmem:s26+$0xC280]  }
0x3f: {  	v10 =	vld [tilespmem:s26+$0xC290]  }
0x40: {  	v11 =	vld [tilespmem:s26+$0xC2A0]  }
0x41: {  	v12 =	vld [tilespmem:s26+$0xC2B0]  }
0x42: {  	v13 =	vld [tilespmem:s26+$0xC2C0]  }
0x43: {  	v14 =	vld [tilespmem:s26+$0xC2D0]  }
0x44: {  	[tilespmem:s26+$0x82F0] =	vst.add.f32.msk $0xffff, v0  }
0x45: {  	v0 =	vld [tilespmem:s26+$0xC2E0]  }
0x46: {  	[tilespmem:s26+$0x8200] =	vst.add.f32.msk $0xffff, v1  }
0x47: {  	[tilespmem:s26+$0x8210] =	vst.add.f32.msk $0xffff, v2  }
0x48: {  	[tilespmem:s26+$0x8220] =	vst.add.f32.msk $0xffff, v3  }
0x49: {  	[tilespmem:s26+$0x8230] =	vst.add.f32.msk $0xffff, v4  }
0x4a: {  	[tilespmem:s26+$0x8240] =	vst.add.f32.msk $0xffff, v5  }
0x4b: {  	[tilespmem:s26+$0x8250] =	vst.add.f32.msk $0xffff, v6  }
0x4c: {  	[tilespmem:s26+$0x8260] =	vst.add.f32.msk $0xffff, v7  }
0x4d: {  	[tilespmem:s26+$0x8270] =	vst.add.f32.msk $0xffff, v8  }
0x4e: {  	[tilespmem:s26+$0x8280] =	vst.add.f32.msk $0xffff, v9  }
0x4f: {  	[tilespmem:s26+$0x8290] =	vst.add.f32.msk $0xffff, v10  }
0x50: {  	[tilespmem:s26+$0x82A0] =	vst.add.f32.msk $0xffff, v11  }
0x51: {  	[tilespmem:s26+$0x82B0] =	vst.add.f32.msk $0xffff, v12  }
0x52: {  	[tilespmem:s26+$0x82C0] =	vst.add.f32.msk $0xffff, v13  }
0x53: {  	s28 =	simm.s32 $0x0;
	s29 =	simm.s32 $0x400;
	[tilespmem:s26+$0x82D0] =	vst.add.f32.msk $0xffff, v14  }
.LBB2_2:
0x54: {  	s28 =	sadd.s32 $0x2, s28;
	[tilespmem:s26+$0x82E0] =	vst.add.f32.msk $0xffff, v0;
	s26 =	sshra.s32 s29, $0x2  }
0x55: {  	v0 =	vld [tilespmem:s26+$0xC2F0];
	p0 =	slt.u32 s28, $0x7E  }
0x56: {  	v1 =	vld [tilespmem:s26+$0xC200]  }
0x57: {  	v2 =	vld [tilespmem:s26+$0xC210]  }
0x58: {  	v3 =	vld [tilespmem:s26+$0xC220]  }
0x59: {  	v4 =	vld [tilespmem:s26+$0xC230]  }
0x5a: {  	[tilespmem:s26+$0x82F0] =	vst.add.f32.msk $0xffff, v0  }
0x5b: {  	v5 =	vld [tilespmem:s26+$0xC240]  }
0x5c: {  	v6 =	vld [tilespmem:s26+$0xC250]  }
0x5d: {  	v7 =	vld [tilespmem:s26+$0xC260]  }
0x5e: {  	v8 =	vld [tilespmem:s26+$0xC270]  }
0x5f: {  	v9 =	vld [tilespmem:s26+$0xC280]  }
0x60: {  	v10 =	vld [tilespmem:s26+$0xC290]  }
0x61: {  	v11 =	vld [tilespmem:s26+$0xC2A0]  }
0x62: {  	v12 =	vld [tilespmem:s26+$0xC2B0]  }
0x63: {  	v13 =	vld [tilespmem:s26+$0xC2C0]  }
0x64: {  	v14 =	vld [tilespmem:s26+$0xC2D0]  }
0x65: {  	v0 =	vld [tilespmem:s26+$0xC2E0]  }
0x66: {  	[tilespmem:s26+$0x8200] =	vst.add.f32.msk $0xffff, v1  }
0x67: {  	[tilespmem:s26+$0x8210] =	vst.add.f32.msk $0xffff, v2  }
0x68: {  	[tilespmem:s26+$0x8220] =	vst.add.f32.msk $0xffff, v3  }
0x69: {  	[tilespmem:s26+$0x8230] =	vst.add.f32.msk $0xffff, v4  }
0x6a: {  	[tilespmem:s26+$0x8240] =	vst.add.f32.msk $0xffff, v5  }
0x6b: {  	[tilespmem:s26+$0x8250] =	vst.add.f32.msk $0xffff, v6  }
0x6c: {  	[tilespmem:s26+$0x8260] =	vst.add.f32.msk $0xffff, v7  }
0x6d: {  	[tilespmem:s26+$0x8270] =	vst.add.f32.msk $0xffff, v8  }
0x6e: {  	[tilespmem:s26+$0x8280] =	vst.add.f32.msk $0xffff, v9  }
.Ltmp0:
0x6f: {  	[tilespmem:s26+$0x8290] =	vst.add.f32.msk $0xffff, v10;
	(pc) =	sbr.rel @p0 .LBB2_2-.Ltmp0, $4  }
0x70: {  	[tilespmem:s26+$0x82A0] =	vst.add.f32.msk $0xffff, v11  }
0x71: {  	[tilespmem:s26+$0x82B0] =	vst.add.f32.msk $0xffff, v12  }
0x72: {  	[tilespmem:s26+$0x82C0] =	vst.add.f32.msk $0xffff, v13  }
0x73: {  	s29 =	sadd.s32 $0x400, s29;
	[tilespmem:s26+$0x82D0] =	vst.add.f32.msk $0xffff, v14  }
0x74: {  	[tilespmem:s26+$0x82E0] =	vst.add.f32.msk $0xffff, v0  }
0x75: {  	[hbm4b:s11+s4] =	stream.linear.scatter [tilespmem:s19], [sflag:$0x3], $0x4000, $0x38;
	[tilespmem:$0x10200] =	vst v63  }
0x76: {  	_ =	swait.ge [sflag:s23], $0x4000  }
0x77: {  	[sflag:s23] =	ssyncset.done $0x0  }
0x78: {  	[sflag:s23] =	ssyncadd.s32 $0xFFFFC000  }
0x79: {  	[hbm4b:s12+s4] =	stream.linear.scatter [tilespmem:s21], [sflag:$0x3], $0x4000, $0x38;
	[tilespmem:$0x10200] =	vst v63  }
0x7a: {  	_ =	swait.ge [sflag:s23], $0x4000  }
0x7b: {  	[sflag:s23] =	ssyncset.done $0x0  }
0x7c: {  	[sflag:s23] =	ssyncadd.s32 $0xFFFFC000  }
0x7d: {  	[hbm4b:s13+s4] =	stream.linear.scatter [tilespmem:s22], [sflag:$0x3], $0x4000, $0x38;
	[tilespmem:$0x10200] =	vst v63  }
0x7e: {  	_ =	swait.ge [sflag:s24], $0x4000  }
0x7f: {  	[sflag:s24] =	ssyncset.done $0x0  }
0x80: {  	s25 =	sadd.s32 $0x1, s25;
	[sflag:s24] =	ssyncadd.s32 $0xFFFFC000  }
0x81: {  	p0 =	sne.s32 s25, s14;
	_ =	swait.ge [sflag:s24], $0x4000  }
.Ltmp1:
0x82: {  	[sflag:s24] =	ssyncset.done $0x0;
	(pc) =	sbr.rel @p0 .LBB2_1-.Ltmp1, $4  }
0x83: {  	[sflag:s24] =	ssyncadd.s32 $0xFFFFC000  }
0x84: {  	_ =	swait.ge [sflag:s24], $0x4000  }
0x85: {  	[sflag:s24] =	ssyncset.done $0x0  }
0x86: {  	[sflag:s24] =	ssyncadd.s32 $0xFFFFC000  }
0x87: {  	_ =	sfence.sel $0x180000  }
0x88: {  	[bflag:$0x0] =	sbarrier.arrive $0xFFFF  }
0x89: {  	p0 =	sne.s32 s3, $0x0;
	_ =	strace $0x90000050  }
0x8a: {  	s0 =	sadd.s32 @!p0 $0x100000, s0;
	[bflag:$0x2] =	sbarrier.arrive $0xFFFF  }
0x8b: {  	[sflag:s0] =	ssyncadd.tile.s32 @!p0 $0x1;
	_ =	shalt  }
.Lfunc_end2:
_tile_overlayer_lowered:
.L_overlay_start_2:
0x8c: {  	(tag) =	ssettag $0x2  }
0x8d: {  	s0 =	rddreg [dreg:$0x0];
	s2 =	stileid.u32  }
0x8e: {  	s1 =	rddreg [dreg:$0x1];
	p0 =	sne.s32 s2, $0x0  }
0x8f: {  	s3 =	rddreg [dreg:$0x2];
	[bflag:$0x3] =	sbarrier.arrive $0xFFFF;
	s2 =	simm.s32 @!p0 $0x1C04  }
0x90: {  	[timem:s3], [sflag:s2] =	dma.local @!p0 [hbm:s0], s1  }
0x91: {  	s0 =	simm.s32 @!p0 $0x4  }
0x92: {  	_ =	swait.ge @!p0 [sflag:s0], s1  }
0x93: {  	s1 =	ssub.s32 @!p0 $0x0, s1;
	[sflag:s0] =	ssyncset.done @!p0 $0x0  }
0x94: {  	[sflag:s0] =	ssyncadd.s32 @!p0 s1  }
0x95: {  	[bflag:$0x3] =	sbarrier.arrive $0xFFFF  }
0x96: {  	_ =	shalt  }

</sc_bundles>
